<compile_context>
chip_gen: v7x
topology: tpu7x:2x2x1
jax: 0.10.2.dev20260603
libtpu: 0.0.44.dev20260713+nightly
codegen_flags: <defaults>
</compile_context>

<pallas_src>
import functools
import jax
import jax.numpy as jnp
from jax import lax
from jax.experimental import pallas as pl
from jax.experimental.pallas import tpu as pltpu
from jax.experimental.pallas import tpu_sc as plsc

NP = 10240
PAD_NODE = 10200
EP = 331776
B = 128
NBW = 81
WIN = 5120
SINK = WIN
NSLICE = WIN // 16


def _tables_body(x_ref, wx_ref, bx_ref, us_ref, ud_ref, m2_ref,
                 t0_ref, t1_ref, ad_ref):
    h = jax.nn.sigmoid(
        jnp.dot(x_ref[...], wx_ref[...].T, preferred_element_type=jnp.float32)
        + bx_ref[...])
    z16 = jnp.zeros((h.shape[0], 16), jnp.float32)
    asb = jnp.dot(h, us_ref[...].T, preferred_element_type=jnp.float32)
    adb = jnp.dot(h, ud_ref[...].T, preferred_element_type=jnp.float32)
    pb = jnp.dot(h, m2_ref[...].T, preferred_element_type=jnp.float32)
    t0_ref[...] = jnp.concatenate([asb, z16, pb[:, 0:96]], axis=1)
    t1_ref[...] = jnp.concatenate([asb, z16, pb[:, 96:192]], axis=1)
    ad_ref[...] = jnp.concatenate([adb, z16, z16, z16, z16, z16, z16, z16],
                                  axis=1)


def _final_body(u_ref, c_ref, o_ref):
    ua = u_ref[0, 0, 0] + u_ref[0, 0, 1]
    ub = u_ref[1, 0, 0] + u_ref[1, 0, 1]
    acc = jnp.zeros(o_ref.shape, jnp.float32)
    for l in range(3):
        acc = acc + ua[:, 32 * l:32 * l + 32] / (ua[:, 96 + l:97 + l] + 1e-16)
    for l in range(3):
        acc = acc + ub[:, 32 * l:32 * l + 32] / (ub[:, 99 + l:100 + l] + 1e-16)
    o_ref[...] = jax.nn.sigmoid(acc * (1.0 / 6.0) + c_ref[...])


def _take16(v, idx16):
    return lax.gather(
        v, idx16[:, None],
        lax.GatherDimensionNumbers(offset_dims=(), collapsed_slice_dims=(0,),
                                   start_index_map=(0,)),
        (1,), mode=lax.GatherScatterMode.PROMISE_IN_BOUNDS)


def _edge_body(src_hbm, dst_hbm, t0_hbm, t1_hbm, ad_hbm, out_hbm,
               src_v, dst_v, dloc_v, t_r, ad_r, sc_b, u_sh, sem0, sem1):
    c = lax.axis_index("c")
    s = lax.axis_index("s")
    w = s * 2 + c
    lanes = lax.iota(jnp.int32, 16)
    zero16 = jnp.zeros((16,), jnp.float32)
    base = s * NSLICE

    pltpu.sync_copy(src_hbm.at[w], src_v)
    pltpu.sync_copy(dst_hbm.at[w], dst_v)

    for h, t_hbm in ((0, t0_hbm), (1, t1_hbm)):
        for win in (0, 1):
            def zrow(i, car):
                def zcol(k, car2):
                    sc_b[i, pl.ds(k * 16, 16)] = zero16
                    return car2
                return lax.fori_loop(0, 8, zcol, car)
            lax.fori_loop(0, B, zrow, 0)
            pltpu.sync_copy(sc_b, u_sh.at[pl.ds(base, B)])
            pltpu.sync_copy(sc_b, u_sh.at[pl.ds(base + B, B)])
            pltpu.sync_copy(sc_b.at[pl.ds(0, NSLICE - 2 * B)],
                            u_sh.at[pl.ds(base + 2 * B, NSLICE - 2 * B)])
            @pl.when(s == 0)
            def _():
                pltpu.sync_copy(sc_b, u_sh.at[pl.ds(WIN, B)])
            plsc.subcore_barrier()

            def block(j, car):
                srcj = src_v.at[j]
                cp0 = pltpu.async_copy(t_hbm.at[srcj], t_r, sem0)
                cp1 = pltpu.async_copy(ad_hbm.at[dst_v.at[j]], ad_r, sem1)

                def remap(k, car2):
                    dv = dst_v[j, pl.ds(k * 16, 16)] - (win * WIN)
                    ok = jnp.logical_and(dv >= 0, dv < WIN)
                    dloc_v[pl.ds(k * 16, 16)] = jnp.where(ok, dv, SINK + lanes)
                    return car2
                lax.fori_loop(0, 8, remap, 0)
                cp0.wait()
                cp1.wait()

                def edge_scale(e, car2):
                    v = t_r[e, pl.ds(0, 16)] + ad_r[e, pl.ds(0, 16)]
                    v = jnp.where(v >= 0.0, v, v * 0.2)
                    v = jnp.minimum(v, 60.0)
                    exv = jnp.where(lanes < 6, jnp.exp(v), 0.0)
                    sc_b[e, pl.ds(96, 16)] = exv
                    for l3 in range(3):
                        bl = _take16(exv,
                                     jnp.full((16,), 3 * h + l3, jnp.int32))
                        sc_b[e, pl.ds(32 * l3, 16)] = (
                            t_r[e, pl.ds(32 + 32 * l3, 16)] * bl)
                        sc_b[e, pl.ds(32 * l3 + 16, 16)] = (
                            t_r[e, pl.ds(48 + 32 * l3, 16)] * bl)
                    return car2
                lax.fori_loop(0, B, edge_scale, 0)

                pltpu.sync_copy(sc_b, u_sh.at[dloc_v], add=True)
                return car
            lax.fori_loop(0, NBW, block, 0)

            plsc.subcore_barrier()
            pltpu.sync_copy(u_sh.at[pl.ds(base, NSLICE)],
                            out_hbm.at[h, win, c, pl.ds(base, NSLICE)])
            plsc.subcore_barrier()


_edge_kernel = functools.partial(
    pl.kernel,
    mesh=plsc.VectorSubcoreMesh(core_axis_name="c", subcore_axis_name="s"),
    out_type=jax.ShapeDtypeStruct((2, 2, 2, WIN, 128), jnp.float32),
    scratch_types=[
        pltpu.VMEM((NBW, B), jnp.int32),
        pltpu.VMEM((NBW, B), jnp.int32),
        pltpu.VMEM((B,), jnp.int32),
        pltpu.VMEM((B, 128), jnp.float32),
        pltpu.VMEM((B, 128), jnp.float32),
        pltpu.VMEM((B, 128), jnp.float32),
        pltpu.VMEM_SHARED((WIN + B, 128), jnp.float32),
        pltpu.SemaphoreType.DMA,
        pltpu.SemaphoreType.DMA,
    ],
)(_edge_body)


def kernel(x, edge_index, supermask, Wx1, bx1, Wg, a_src, a_dst, bg, Wz1, bz1):
    N = x.shape[0]
    E = edge_index.shape[1]

    m2 = jnp.einsum('ch,lhd->lcd', Wz1, Wg).reshape(192, 64)
    usrc = jnp.einsum('lhd,lh->ld', Wg, a_src)
    udst = jnp.einsum('lhd,lh->ld', Wg, a_dst)
    usrc16 = jnp.pad(usrc, ((0, 10), (0, 0)))
    udst16 = jnp.pad(udst, ((0, 10), (0, 0)))
    cvec = (bz1 + bg.mean(axis=0) @ Wz1.T)[None, :]

    xp = jnp.pad(x, ((0, NP - N), (0, 0)))

    T0, T1, AD = pl.pallas_call(
        _tables_body,
        grid=(NP // 640,),
        in_specs=[
            pl.BlockSpec((640, 128), lambda i: (i, 0)),
            pl.BlockSpec((64, 128), lambda i: (0, 0)),
            pl.BlockSpec((1, 64), lambda i: (0, 0)),
            pl.BlockSpec((16, 64), lambda i: (0, 0)),
            pl.BlockSpec((16, 64), lambda i: (0, 0)),
            pl.BlockSpec((192, 64), lambda i: (0, 0)),
        ],
        out_specs=[
            pl.BlockSpec((640, 128), lambda i: (i, 0)),
            pl.BlockSpec((640, 128), lambda i: (i, 0)),
            pl.BlockSpec((640, 128), lambda i: (i, 0)),
        ],
        out_shape=[
            jax.ShapeDtypeStruct((NP, 128), jnp.float32),
            jax.ShapeDtypeStruct((NP, 128), jnp.float32),
            jax.ShapeDtypeStruct((NP, 128), jnp.float32),
        ],
    )(xp, Wx1, bx1[None, :], usrc16, udst16, m2)

    loop = jnp.arange(N, dtype=jnp.int32)
    padi = jnp.full((EP - E - N,), PAD_NODE, jnp.int32)
    src = jnp.concatenate([edge_index[0].astype(jnp.int32), loop, padi])
    dst = jnp.concatenate([edge_index[1].astype(jnp.int32), loop, padi])
    src = src.reshape(32, NBW, B)
    dst = dst.reshape(32, NBW, B)

    U5 = _edge_kernel(src, dst, T0, T1, AD)

    out = pl.pallas_call(
        _final_body,
        grid=(NP // 640,),
        in_specs=[
            pl.BlockSpec((2, 1, 2, 640, 128),
                         lambda i: (0, i // 8, 0, i % 8, 0)),
            pl.BlockSpec((1, 32), lambda i: (0, 0)),
        ],
        out_specs=pl.BlockSpec((640, 32), lambda i: (i, 0)),
        out_shape=jax.ShapeDtypeStruct((NP, 32), jnp.float32),
    )(U5, cvec)
    return out[:N]

# --- scband reference (transcript-rebuilt; emitter-appended) ---
"""Pipeline reference for scband-super-net-8967891714119 (READ-ONLY COPY).

The authoritative reference and input builder live on the scoring server;
editing this copy changes nothing except your own understanding.
"""

import jax, jax.numpy as jnp
import numpy as np

N_NODES = 10000
N_EDGES = 320000
NFEAT = 128
NCLASS = 32
HID = 64


def setup_inputs(seed: int = 0) -> dict:
    key = jax.random.key(seed)
    ks = jax.random.split(key, 12)
    x = jax.random.normal(ks[0], (N_NODES, NFEAT), dtype=jnp.float32)
    edge_index = jax.random.randint(ks[1], (2, N_EDGES), 0, N_NODES, dtype=jnp.int32)
    supermask = jnp.ones((8,), dtype=jnp.int32)
    # learned parameters
    Wx1 = jax.random.normal(ks[2], (HID, NFEAT), dtype=jnp.float32) * 0.05
    bx1 = jnp.zeros((HID,), dtype=jnp.float32)
    Wg = jax.random.normal(ks[3], (6, HID, HID), dtype=jnp.float32) * 0.1
    a_src = jax.random.normal(ks[4], (6, HID), dtype=jnp.float32) * 0.1
    a_dst = jax.random.normal(ks[5], (6, HID), dtype=jnp.float32) * 0.1
    bg = jnp.zeros((6, HID), dtype=jnp.float32)
    Wz1 = jax.random.normal(ks[6], (NCLASS, HID), dtype=jnp.float32) * 0.05
    bz1 = jnp.zeros((NCLASS,), dtype=jnp.float32)
    return {"x": x, "edge_index": edge_index, "supermask": supermask,
            "Wx1": Wx1, "bx1": bx1, "Wg": Wg, "a_src": a_src, "a_dst": a_dst,
            "bg": bg, "Wz1": Wz1, "bz1": bz1}


def _gat_layer(x, src, dst, W, a_s, a_d, b, N):
    # standard single-head GAT conv (with self-loops already appended to src/dst)
    h = x @ W.T
    alpha_src = h @ a_s
    alpha_dst = h @ a_d
    e = jax.nn.leaky_relu(alpha_src[src] + alpha_dst[dst], negative_slope=0.2)
    m = jax.lax.stop_gradient(jax.ops.segment_max(e, dst, num_segments=N))
    ex = jnp.exp(e - m[dst])
    s = jax.ops.segment_sum(ex, dst, num_segments=N)
    alpha = ex / (s[dst] + 1e-16)
    out = jax.ops.segment_sum(alpha[:, None] * h[src], dst, num_segments=N)
    return out + b


def reference(x, edge_index, supermask, Wx1, bx1, Wg, a_src, a_dst, bg, Wz1, bz1):
    # Faithful evaluation of SuperNet.forward for supermask = [1,1,1,1,1,1,1,1]:
    #   x = sigmoid(x1(x));  l_i = GAT_i(x, edge_index) for i=1..6 (all take x as input
    #   since supermask[j] in {1} selects the raw x branch);  out = sigmoid(z1(mean(l_1..l_6)))
    N = x.shape[0]
    loop = jnp.arange(N, dtype=edge_index.dtype)
    src = jnp.concatenate([edge_index[0], loop])
    dst = jnp.concatenate([edge_index[1], loop])
    h0 = jax.nn.sigmoid(x @ Wx1.T + bx1)
    outs = [_gat_layer(h0, src, dst, Wg[i], a_src[i], a_dst[i], bg[i], N) for i in range(6)]
    xa = jnp.mean(jnp.stack(outs, axis=0), axis=0)
    return jax.nn.sigmoid(xa @ Wz1.T + bz1)

if __name__ == "__main__":
    import jax
    _d = setup_inputs()
    print(jax.jit(kernel)(*tuple(_d.values())))

</pallas_src>

<mosaic_0001>
#map = affine_map<(d0, d1) -> (0, 0, 0)>
#map1 = affine_map<(d0, d1) -> (0, 0)>
#map2 = affine_map<(d0, d1) -> (0, 0, 0, 0, 0)>
module attributes {stable_mosaic.version = 14 : i64} {
  func.func @_edge_body(%arg0: i32, %arg1: i32, %arg2: memref<32x81x128xi32, #tpu.memory_space<hbm>>, %arg3: memref<32x81x128xi32, #tpu.memory_space<hbm>>, %arg4: memref<10240x128xf32, #tpu.memory_space<hbm>>, %arg5: memref<10240x128xf32, #tpu.memory_space<hbm>>, %arg6: memref<10240x128xf32, #tpu.memory_space<hbm>>, %arg7: memref<2x2x2x5120x128xf32, #tpu.memory_space<hbm>>, %arg8: memref<81x128xi32, #tpu.memory_space<vmem>>, %arg9: memref<81x128xi32, #tpu.memory_space<vmem>>, %arg10: memref<128xi32, #tpu.memory_space<vmem>>, %arg11: memref<128x128xf32, #tpu.memory_space<vmem>>, %arg12: memref<128x128xf32, #tpu.memory_space<vmem>>, %arg13: memref<128x128xf32, #tpu.memory_space<vmem>>, %arg14: memref<5248x128xf32, #tpu.memory_space<vmem_shared>>, %arg15: memref<!tpu.dma_semaphore, #tpu.memory_space<semaphore_mem>>, %arg16: memref<!tpu.dma_semaphore, #tpu.memory_space<semaphore_mem>>) attributes {dimension_semantics = [#tpu.dimension_semantics<core_parallel>, #tpu.dimension_semantics<subcore_parallel>], iteration_bounds = array<i64: 2, 16>, scalar_prefetch = 0 : i64, scratch_operands = 9 : i64, tpu.core_type = #tpu.core_type<sc_vector_subcore>, window_params = [{transform_indices = #map}, {transform_indices = #map}, {transform_indices = #map1}, {transform_indices = #map1}, {transform_indices = #map1}, {transform_indices = #map2}]} {
    %mul3A = arith.constant 2 : i32
    %mul3A_0 = arith.muli %arg1, %mul3A : i32
    %add3A = arith.addi %mul3A_0, %arg0 : i32
    %iota3A = tpu.iota {dimensions = array<i32: 0>} : vector<16xi32>
    %broadcast_in_dim3A = arith.constant 0.000000e+00 : f32
    %broadcast_in_dim3A_1 = vector.broadcast %broadcast_in_dim3A : f32 to vector<16xf32>
    %mul3A_2 = arith.constant 320 : i32
    %mul3A_3 = arith.muli %arg1, %mul3A_2 : i32
    "tpu.region"() ({
      %run_scoped3A_102 = tpu.sem_alloc : memref<!tpu.dma_semaphore, #tpu.memory_space<semaphore_mem>>
      %dma_start3A = arith.constant 0 : i32
      %dma_start3A_103 = arith.constant 0 : i32
      %dma_start3A_104 = tpu.memref_slice %arg2[%add3A, %dma_start3A, %dma_start3A_103] : memref<32x81x128xi32, #tpu.memory_space<hbm>> -> memref<1x81x128xi32, #tpu.memory_space<hbm>>
      %dma_start3A_105 = tpu.memref_squeeze %dma_start3A_104 : memref<1x81x128xi32, #tpu.memory_space<hbm>> -> memref<81x128xi32, #tpu.memory_space<hbm>>
      %dma_start3A_106 = arith.constant 0 : i32
      %dma_start3A_107 = arith.constant 0 : i32
      %dma_start3A_108 = tpu.memref_slice %arg2[%add3A, %dma_start3A_106, %dma_start3A_107] : memref<32x81x128xi32, #tpu.memory_space<hbm>> -> memref<1x81x128xi32, #tpu.memory_space<hbm>>
      %dma_start3A_109 = tpu.memref_squeeze %dma_start3A_108 : memref<1x81x128xi32, #tpu.memory_space<hbm>> -> memref<81x128xi32, #tpu.memory_space<hbm>>
      tpu.enqueue_dma source(%dma_start3A_109 : memref<81x128xi32, #tpu.memory_space<hbm>>) target(%arg8 : memref<81x128xi32, #tpu.memory_space<vmem>>) target_semaphore(%run_scoped3A_102 : memref<!tpu.dma_semaphore, #tpu.memory_space<semaphore_mem>>)
      %dma_wait3A = arith.constant 0 : i32
      %dma_wait3A_110 = arith.constant 0 : i32
      %dma_wait3A_111 = tpu.memref_slice %arg2[%add3A, %dma_wait3A, %dma_wait3A_110] : memref<32x81x128xi32, #tpu.memory_space<hbm>> -> memref<1x81x128xi32, #tpu.memory_space<hbm>>
      %dma_wait3A_112 = tpu.memref_squeeze %dma_wait3A_111 : memref<1x81x128xi32, #tpu.memory_space<hbm>> -> memref<81x128xi32, #tpu.memory_space<hbm>>
      %dma_wait3A_113 = arith.constant 0 : i32
      %dma_wait3A_114 = arith.constant 0 : i32
      %dma_wait3A_115 = tpu.memref_slice %arg2[%add3A, %dma_wait3A_113, %dma_wait3A_114] : memref<32x81x128xi32, #tpu.memory_space<hbm>> -> memref<1x81x128xi32, #tpu.memory_space<hbm>>
      %dma_wait3A_116 = tpu.memref_squeeze %dma_wait3A_115 : memref<1x81x128xi32, #tpu.memory_space<hbm>> -> memref<81x128xi32, #tpu.memory_space<hbm>>
      tpu.wait_dma2 semaphore(%run_scoped3A_102 : memref<!tpu.dma_semaphore, #tpu.memory_space<semaphore_mem>>) src(%dma_wait3A_116 : memref<81x128xi32, #tpu.memory_space<hbm>>) dst(%arg8 : memref<81x128xi32, #tpu.memory_space<vmem>>)
      tpu.yield
    }) : () -> ()
    "tpu.region"() ({
      %run_scoped3A_102 = tpu.sem_alloc : memref<!tpu.dma_semaphore, #tpu.memory_space<semaphore_mem>>
      %dma_start3A = arith.constant 0 : i32
      %dma_start3A_103 = arith.constant 0 : i32
      %dma_start3A_104 = tpu.memref_slice %arg3[%add3A, %dma_start3A, %dma_start3A_103] : memref<32x81x128xi32, #tpu.memory_space<hbm>> -> memref<1x81x128xi32, #tpu.memory_space<hbm>>
      %dma_start3A_105 = tpu.memref_squeeze %dma_start3A_104 : memref<1x81x128xi32, #tpu.memory_space<hbm>> -> memref<81x128xi32, #tpu.memory_space<hbm>>
      %dma_start3A_106 = arith.constant 0 : i32
      %dma_start3A_107 = arith.constant 0 : i32
      %dma_start3A_108 = tpu.memref_slice %arg3[%add3A, %dma_start3A_106, %dma_start3A_107] : memref<32x81x128xi32, #tpu.memory_space<hbm>> -> memref<1x81x128xi32, #tpu.memory_space<hbm>>
      %dma_start3A_109 = tpu.memref_squeeze %dma_start3A_108 : memref<1x81x128xi32, #tpu.memory_space<hbm>> -> memref<81x128xi32, #tpu.memory_space<hbm>>
      tpu.enqueue_dma source(%dma_start3A_109 : memref<81x128xi32, #tpu.memory_space<hbm>>) target(%arg9 : memref<81x128xi32, #tpu.memory_space<vmem>>) target_semaphore(%run_scoped3A_102 : memref<!tpu.dma_semaphore, #tpu.memory_space<semaphore_mem>>)
      %dma_wait3A = arith.constant 0 : i32
      %dma_wait3A_110 = arith.constant 0 : i32
      %dma_wait3A_111 = tpu.memref_slice %arg3[%add3A, %dma_wait3A, %dma_wait3A_110] : memref<32x81x128xi32, #tpu.memory_space<hbm>> -> memref<1x81x128xi32, #tpu.memory_space<hbm>>
      %dma_wait3A_112 = tpu.memref_squeeze %dma_wait3A_111 : memref<1x81x128xi32, #tpu.memory_space<hbm>> -> memref<81x128xi32, #tpu.memory_space<hbm>>
      %dma_wait3A_113 = arith.constant 0 : i32
      %dma_wait3A_114 = arith.constant 0 : i32
      %dma_wait3A_115 = tpu.memref_slice %arg3[%add3A, %dma_wait3A_113, %dma_wait3A_114] : memref<32x81x128xi32, #tpu.memory_space<hbm>> -> memref<1x81x128xi32, #tpu.memory_space<hbm>>
      %dma_wait3A_116 = tpu.memref_squeeze %dma_wait3A_115 : memref<1x81x128xi32, #tpu.memory_space<hbm>> -> memref<81x128xi32, #tpu.memory_space<hbm>>
      tpu.wait_dma2 semaphore(%run_scoped3A_102 : memref<!tpu.dma_semaphore, #tpu.memory_space<semaphore_mem>>) src(%dma_wait3A_116 : memref<81x128xi32, #tpu.memory_space<hbm>>) dst(%arg9 : memref<81x128xi32, #tpu.memory_space<vmem>>)
      tpu.yield
    }) : () -> ()
    %scan3A = arith.constant 0 : i32
    %scan3A_4 = arith.constant 0 : i32
    %scan3A_5 = arith.constant 128 : i32
    %scan3A_6 = arith.addi %scan3A_4, %scan3A_5 : i32
    %scan3A_7 = arith.constant 1 : i32
    scf.for %scan3A_102 = %scan3A_4 to %scan3A_6 step %scan3A_7  : i32 {
      %scan3A_103 = arith.constant 0 : i32
      %scan3A_104 = arith.constant 8 : i32
      %scan3A_105 = arith.addi %scan3A_103, %scan3A_104 : i32
      %scan3A_106 = arith.constant 1 : i32
      scf.for %scan3A_108 = %scan3A_103 to %scan3A_105 step %scan3A_106  : i32 {
        %mul3A_109 = arith.constant 16 : i32
        %mul3A_110 = arith.muli %scan3A_108, %mul3A_109 : i32
        %swap3A = arith.index_cast %scan3A_102 : i32 to index
        %swap3A_111 = arith.index_cast %mul3A_110 : i32 to index
        %swap3A_112 = tpu.vector_load %arg13[%swap3A, %swap3A_111] {strides = array<i32>} : memref<128x128xf32, #tpu.memory_space<vmem>>, vector<1x16xf32>,
        %swap3A_113 = vector.shape_cast %swap3A_112 : vector<1x16xf32> to vector<16xf32>
        %swap3A_114 = vector.shape_cast %broadcast_in_dim3A_1 : vector<16xf32> to vector<1x16xf32>
        tpu.vector_store %arg13[%swap3A, %swap3A_111], %swap3A_114 {strides = array<i32>} : memref<128x128xf32, #tpu.memory_space<vmem>>, vector<1x16xf32>,
      }
      %scan3A_107 = arith.constant 8 : i32
    }
    %scan3A_8 = arith.constant 128 : i32
    "tpu.region"() ({
      %run_scoped3A_102 = tpu.sem_alloc : memref<!tpu.dma_semaphore, #tpu.memory_space<semaphore_mem>>
      %dma_start3A = arith.constant 0 : i32
      %dma_start3A_103 = tpu.memref_slice %arg14[%mul3A_3, %dma_start3A] : memref<5248x128xf32, #tpu.memory_space<vmem_shared>> -> memref<128x128xf32, #tpu.memory_space<vmem_shared>>
      %dma_start3A_104 = arith.constant 0 : i32
      %dma_start3A_105 = tpu.memref_slice %arg14[%mul3A_3, %dma_start3A_104] : memref<5248x128xf32, #tpu.memory_space<vmem_shared>> -> memref<128x128xf32, #tpu.memory_space<vmem_shared>>
      tpu.enqueue_dma source(%arg13 : memref<128x128xf32, #tpu.memory_space<vmem>>) target(%dma_start3A_105 : memref<128x128xf32, #tpu.memory_space<vmem_shared>>) target_semaphore(%run_scoped3A_102 : memref<!tpu.dma_semaphore, #tpu.memory_space<semaphore_mem>>)
      %dma_wait3A = arith.constant 0 : i32
      %dma_wait3A_106 = tpu.memref_slice %arg14[%mul3A_3, %dma_wait3A] : memref<5248x128xf32, #tpu.memory_space<vmem_shared>> -> memref<128x128xf32, #tpu.memory_space<vmem_shared>>
      %dma_wait3A_107 = arith.constant 0 : i32
      %dma_wait3A_108 = tpu.memref_slice %arg14[%mul3A_3, %dma_wait3A_107] : memref<5248x128xf32, #tpu.memory_space<vmem_shared>> -> memref<128x128xf32, #tpu.memory_space<vmem_shared>>
      tpu.wait_dma2 semaphore(%run_scoped3A_102 : memref<!tpu.dma_semaphore, #tpu.memory_space<semaphore_mem>>) src(%arg13 : memref<128x128xf32, #tpu.memory_space<vmem>>) dst(%dma_wait3A_108 : memref<128x128xf32, #tpu.memory_space<vmem_shared>>)
      tpu.yield
    }) : () -> ()
    %add3A_9 = arith.constant 128 : i32
    %add3A_10 = arith.addi %mul3A_3, %add3A_9 : i32
    "tpu.region"() ({
      %run_scoped3A_102 = tpu.sem_alloc : memref<!tpu.dma_semaphore, #tpu.memory_space<semaphore_mem>>
      %dma_start3A = arith.constant 0 : i32
      %dma_start3A_103 = tpu.memref_slice %arg14[%add3A_10, %dma_start3A] : memref<5248x128xf32, #tpu.memory_space<vmem_shared>> -> memref<128x128xf32, #tpu.memory_space<vmem_shared>>
      %dma_start3A_104 = arith.constant 0 : i32
      %dma_start3A_105 = tpu.memref_slice %arg14[%add3A_10, %dma_start3A_104] : memref<5248x128xf32, #tpu.memory_space<vmem_shared>> -> memref<128x128xf32, #tpu.memory_space<vmem_shared>>
      tpu.enqueue_dma source(%arg13 : memref<128x128xf32, #tpu.memory_space<vmem>>) target(%dma_start3A_105 : memref<128x128xf32, #tpu.memory_space<vmem_shared>>) target_semaphore(%run_scoped3A_102 : memref<!tpu.dma_semaphore, #tpu.memory_space<semaphore_mem>>)
      %dma_wait3A = arith.constant 0 : i32
      %dma_wait3A_106 = tpu.memref_slice %arg14[%add3A_10, %dma_wait3A] : memref<5248x128xf32, #tpu.memory_space<vmem_shared>> -> memref<128x128xf32, #tpu.memory_space<vmem_shared>>
      %dma_wait3A_107 = arith.constant 0 : i32
      %dma_wait3A_108 = tpu.memref_slice %arg14[%add3A_10, %dma_wait3A_107] : memref<5248x128xf32, #tpu.memory_space<vmem_shared>> -> memref<128x128xf32, #tpu.memory_space<vmem_shared>>
      tpu.wait_dma2 semaphore(%run_scoped3A_102 : memref<!tpu.dma_semaphore, #tpu.memory_space<semaphore_mem>>) src(%arg13 : memref<128x128xf32, #tpu.memory_space<vmem>>) dst(%dma_wait3A_108 : memref<128x128xf32, #tpu.memory_space<vmem_shared>>)
      tpu.yield
    }) : () -> ()
    %add3A_11 = arith.constant 256 : i32
    %add3A_12 = arith.addi %mul3A_3, %add3A_11 : i32
    "tpu.region"() ({
      %run_scoped3A_102 = tpu.sem_alloc : memref<!tpu.dma_semaphore, #tpu.memory_space<semaphore_mem>>
      %dma_start3A = arith.constant 0 : i32
      %dma_start3A_103 = arith.constant 0 : i32
      %dma_start3A_104 = tpu.memref_slice %arg13[%dma_start3A, %dma_start3A_103] : memref<128x128xf32, #tpu.memory_space<vmem>> -> memref<64x128xf32, #tpu.memory_space<vmem>>
      %dma_start3A_105 = arith.constant 0 : i32
      %dma_start3A_106 = tpu.memref_slice %arg14[%add3A_12, %dma_start3A_105] : memref<5248x128xf32, #tpu.memory_space<vmem_shared>> -> memref<64x128xf32, #tpu.memory_space<vmem_shared>>
      %dma_start3A_107 = arith.constant 0 : i32
      %dma_start3A_108 = tpu.memref_slice %arg14[%add3A_12, %dma_start3A_107] : memref<5248x128xf32, #tpu.memory_space<vmem_shared>> -> memref<64x128xf32, #tpu.memory_space<vmem_shared>>
      %dma_start3A_109 = arith.constant 0 : i32
      %dma_start3A_110 = arith.constant 0 : i32
      %dma_start3A_111 = tpu.memref_slice %arg13[%dma_start3A_109, %dma_start3A_110] : memref<128x128xf32, #tpu.memory_space<vmem>> -> memref<64x128xf32, #tpu.memory_space<vmem>>
      tpu.enqueue_dma source(%dma_start3A_111 : memref<64x128xf32, #tpu.memory_space<vmem>>) target(%dma_start3A_108 : memref<64x128xf32, #tpu.memory_space<vmem_shared>>) target_semaphore(%run_scoped3A_102 : memref<!tpu.dma_semaphore, #tpu.memory_space<semaphore_mem>>)
      %dma_wait3A = arith.constant 0 : i32
      %dma_wait3A_112 = arith.constant 0 : i32
      %dma_wait3A_113 = tpu.memref_slice %arg13[%dma_wait3A, %dma_wait3A_112] : memref<128x128xf32, #tpu.memory_space<vmem>> -> memref<64x128xf32, #tpu.memory_space<vmem>>
      %dma_wait3A_114 = arith.constant 0 : i32
      %dma_wait3A_115 = tpu.memref_slice %arg14[%add3A_12, %dma_wait3A_114] : memref<5248x128xf32, #tpu.memory_space<vmem_shared>> -> memref<64x128xf32, #tpu.memory_space<vmem_shared>>
      %dma_wait3A_116 = arith.constant 0 : i32
      %dma_wait3A_117 = tpu.memref_slice %arg14[%add3A_12, %dma_wait3A_116] : memref<5248x128xf32, #tpu.memory_space<vmem_shared>> -> memref<64x128xf32, #tpu.memory_space<vmem_shared>>
      %dma_wait3A_118 = arith.constant 0 : i32
      %dma_wait3A_119 = arith.constant 0 : i32
      %dma_wait3A_120 = tpu.memref_slice %arg13[%dma_wait3A_118, %dma_wait3A_119] : memref<128x128xf32, #tpu.memory_space<vmem>> -> memref<64x128xf32, #tpu.memory_space<vmem>>
      tpu.wait_dma2 semaphore(%run_scoped3A_102 : memref<!tpu.dma_semaphore, #tpu.memory_space<semaphore_mem>>) src(%dma_wait3A_120 : memref<64x128xf32, #tpu.memory_space<vmem>>) dst(%dma_wait3A_117 : memref<64x128xf32, #tpu.memory_space<vmem_shared>>)
      tpu.yield
    }) : () -> ()
    %eq3A = arith.constant 0 : i32
    %eq3A_13 = arith.cmpi eq, %arg1, %eq3A : i32
    %convert_element_type3A = arith.extui %eq3A_13 : i1 to i32
    %cond3A = arith.constant 0 : i32
    %cond3A_14 = arith.cmpi ne, %convert_element_type3A, %cond3A : i32
    scf.if %cond3A_14 {
      "tpu.region"() ({
        %run_scoped3A_102 = tpu.sem_alloc : memref<!tpu.dma_semaphore, #tpu.memory_space<semaphore_mem>>
        %dma_start3A = arith.constant 5120 : i32
        %dma_start3A_103 = arith.constant 0 : i32
        %dma_start3A_104 = tpu.memref_slice %arg14[%dma_start3A, %dma_start3A_103] : memref<5248x128xf32, #tpu.memory_space<vmem_shared>> -> memref<128x128xf32, #tpu.memory_space<vmem_shared>>
        %dma_start3A_105 = arith.constant 5120 : i32
        %dma_start3A_106 = arith.constant 0 : i32
        %dma_start3A_107 = tpu.memref_slice %arg14[%dma_start3A_105, %dma_start3A_106] : memref<5248x128xf32, #tpu.memory_space<vmem_shared>> -> memref<128x128xf32, #tpu.memory_space<vmem_shared>>
        tpu.enqueue_dma source(%arg13 : memref<128x128xf32, #tpu.memory_space<vmem>>) target(%dma_start3A_107 : memref<128x128xf32, #tpu.memory_space<vmem_shared>>) target_semaphore(%run_scoped3A_102 : memref<!tpu.dma_semaphore, #tpu.memory_space<semaphore_mem>>)
        %dma_wait3A = arith.constant 5120 : i32
        %dma_wait3A_108 = arith.constant 0 : i32
        %dma_wait3A_109 = tpu.memref_slice %arg14[%dma_wait3A, %dma_wait3A_108] : memref<5248x128xf32, #tpu.memory_space<vmem_shared>> -> memref<128x128xf32, #tpu.memory_space<vmem_shared>>
        %dma_wait3A_110 = arith.constant 5120 : i32
        %dma_wait3A_111 = arith.constant 0 : i32
        %dma_wait3A_112 = tpu.memref_slice %arg14[%dma_wait3A_110, %dma_wait3A_111] : memref<5248x128xf32, #tpu.memory_space<vmem_shared>> -> memref<128x128xf32, #tpu.memory_space<vmem_shared>>
        tpu.wait_dma2 semaphore(%run_scoped3A_102 : memref<!tpu.dma_semaphore, #tpu.memory_space<semaphore_mem>>) src(%arg13 : memref<128x128xf32, #tpu.memory_space<vmem>>) dst(%dma_wait3A_112 : memref<128x128xf32, #tpu.memory_space<vmem_shared>>)
        tpu.yield
      }) : () -> ()
    } else {
    }
    %barrier3A = arith.constant 0 : index
    tpu.barrier barrier_id(%barrier3A)
    %scan3A_15 = arith.constant 0 : i32
    %scan3A_16 = arith.constant 0 : i32
    %scan3A_17 = arith.constant 81 : i32
    %scan3A_18 = arith.addi %scan3A_16, %scan3A_17 : i32
    %scan3A_19 = arith.constant 1 : i32
    scf.for %scan3A_102 = %scan3A_16 to %scan3A_18 step %scan3A_19  : i32 {
      %dma_start3A = arith.constant 0 : i32
      %dma_start3A_103 = tpu.memref_slice %arg8[%scan3A_102, %dma_start3A] : memref<81x128xi32, #tpu.memory_space<vmem>> -> memref<1x128xi32, #tpu.memory_space<vmem>>
      %dma_start3A_104 = tpu.memref_squeeze %dma_start3A_103 : memref<1x128xi32, #tpu.memory_space<vmem>> -> memref<128xi32, #tpu.memory_space<vmem>>
      %dma_start3A_105 = arith.constant 0 : i32
      %dma_start3A_106 = arith.constant 0 : i32
      %dma_start3A_107 = tpu.memref_slice %arg4[%dma_start3A_105, %dma_start3A_106] : memref<10240x128xf32, #tpu.memory_space<hbm>> -> memref<10240x128xf32, #tpu.memory_space<hbm>>
      tpu.enqueue_indirect_dma source(%dma_start3A_107 : memref<10240x128xf32, #tpu.memory_space<hbm>>) target(%arg11 : memref<128x128xf32, #tpu.memory_space<vmem>>) offsets(%dma_start3A_104 : memref<128xi32, #tpu.memory_space<vmem>>) semaphore(%arg15 : memref<!tpu.dma_semaphore, #tpu.memory_space<semaphore_mem>>)
      %dma_start3A_108 = arith.constant 0 : i32
      %dma_start3A_109 = tpu.memref_slice %arg9[%scan3A_102, %dma_start3A_108] : memref<81x128xi32, #tpu.memory_space<vmem>> -> memref<1x128xi32, #tpu.memory_space<vmem>>
      %dma_start3A_110 = tpu.memref_squeeze %dma_start3A_109 : memref<1x128xi32, #tpu.memory_space<vmem>> -> memref<128xi32, #tpu.memory_space<vmem>>
      %dma_start3A_111 = arith.constant 0 : i32
      %dma_start3A_112 = arith.constant 0 : i32
      %dma_start3A_113 = tpu.memref_slice %arg6[%dma_start3A_111, %dma_start3A_112] : memref<10240x128xf32, #tpu.memory_space<hbm>> -> memref<10240x128xf32, #tpu.memory_space<hbm>>
      tpu.enqueue_indirect_dma source(%dma_start3A_113 : memref<10240x128xf32, #tpu.memory_space<hbm>>) target(%arg12 : memref<128x128xf32, #tpu.memory_space<vmem>>) offsets(%dma_start3A_110 : memref<128xi32, #tpu.memory_space<vmem>>) semaphore(%arg16 : memref<!tpu.dma_semaphore, #tpu.memory_space<semaphore_mem>>)
      %scan3A_114 = arith.constant 0 : i32
      %scan3A_115 = arith.constant 0 : i32
      %scan3A_116 = arith.constant 8 : i32
      %scan3A_117 = arith.addi %scan3A_115, %scan3A_116 : i32
      %scan3A_118 = arith.constant 1 : i32
      scf.for %scan3A_137 = %scan3A_115 to %scan3A_117 step %scan3A_118  : i32 {
        %mul3A_138 = arith.constant 16 : i32
        %mul3A_139 = arith.muli %scan3A_137, %mul3A_138 : i32
        %get3A = arith.index_cast %scan3A_102 : i32 to index
        %get3A_140 = arith.index_cast %mul3A_139 : i32 to index
        %get3A_141 = tpu.vector_load %arg9[%get3A, %get3A_140] {strides = array<i32>} : memref<81x128xi32, #tpu.memory_space<vmem>>, vector<1x16xi32>,
        %get3A_142 = vector.shape_cast %get3A_141 : vector<1x16xi32> to vector<16xi32>
        %sub3A = arith.constant 0 : i32
        %sub3A_143 = vector.broadcast %sub3A : i32 to vector<16xi32>
        %sub3A_144 = arith.subi %get3A_142, %sub3A_143 : vector<16xi32>
        %ge3A = arith.constant 0 : i32
        %ge3A_145 = vector.broadcast %ge3A : i32 to vector<16xi32>
        %ge3A_146 = arith.cmpi sge, %sub3A_144, %ge3A_145 : vector<16xi32>
        %lt3A = arith.constant 5120 : i32
        %lt3A_147 = vector.broadcast %lt3A : i32 to vector<16xi32>
        %lt3A_148 = arith.cmpi slt, %sub3A_144, %lt3A_147 : vector<16xi32>
        %and3A = arith.andi %ge3A_146, %lt3A_148 : vector<16xi1>
        %add3A_149 = arith.constant 5120 : i32
        %add3A_150 = vector.broadcast %add3A_149 : i32 to vector<16xi32>
        %add3A_151 = arith.addi %add3A_150, %iota3A : vector<16xi32>
        %select_n3A = arith.select %and3A, %sub3A_144, %add3A_151 : vector<16xi1>, vector<16xi32>
        %mul3A_152 = arith.constant 16 : i32
        %mul3A_153 = arith.muli %scan3A_137, %mul3A_152 : i32
        %swap3A = arith.index_cast %mul3A_153 : i32 to index
        %swap3A_154 = tpu.vector_load %arg10[%swap3A] {strides = array<i32>} : memref<128xi32, #tpu.memory_space<vmem>>, vector<16xi32>,
        %swap3A_155 = vector.shape_cast %swap3A_154 : vector<16xi32> to vector<16xi32>
        %swap3A_156 = vector.shape_cast %select_n3A : vector<16xi32> to vector<16xi32>
        tpu.vector_store %arg10[%swap3A], %swap3A_156 {strides = array<i32>} : memref<128xi32, #tpu.memory_space<vmem>>, vector<16xi32>,
      }
      %scan3A_119 = arith.constant 8 : i32
      %dma_wait3A = arith.constant 0 : i32
      %dma_wait3A_120 = tpu.memref_slice %arg8[%scan3A_102, %dma_wait3A] : memref<81x128xi32, #tpu.memory_space<vmem>> -> memref<1x128xi32, #tpu.memory_space<vmem>>
      %dma_wait3A_121 = tpu.memref_squeeze %dma_wait3A_120 : memref<1x128xi32, #tpu.memory_space<vmem>> -> memref<128xi32, #tpu.memory_space<vmem>>
      %dma_wait3A_122 = arith.constant 0 : i32
      %dma_wait3A_123 = arith.constant 0 : i32
      %dma_wait3A_124 = tpu.memref_slice %arg4[%dma_wait3A_122, %dma_wait3A_123] : memref<10240x128xf32, #tpu.memory_space<hbm>> -> memref<10240x128xf32, #tpu.memory_space<hbm>>
      tpu.wait_indirect_dma semaphore(%arg15 : memref<!tpu.dma_semaphore, #tpu.memory_space<semaphore_mem>>) src(%dma_wait3A_124 : memref<10240x128xf32, #tpu.memory_space<hbm>>) dst(%arg11 : memref<128x128xf32, #tpu.memory_space<vmem>>)
      %dma_wait3A_125 = arith.constant 0 : i32
      %dma_wait3A_126 = tpu.memref_slice %arg9[%scan3A_102, %dma_wait3A_125] : memref<81x128xi32, #tpu.memory_space<vmem>> -> memref<1x128xi32, #tpu.memory_space<vmem>>
      %dma_wait3A_127 = tpu.memref_squeeze %dma_wait3A_126 : memref<1x128xi32, #tpu.memory_space<vmem>> -> memref<128xi32, #tpu.memory_space<vmem>>
      %dma_wait3A_128 = arith.constant 0 : i32
      %dma_wait3A_129 = arith.constant 0 : i32
      %dma_wait3A_130 = tpu.memref_slice %arg6[%dma_wait3A_128, %dma_wait3A_129] : memref<10240x128xf32, #tpu.memory_space<hbm>> -> memref<10240x128xf32, #tpu.memory_space<hbm>>
      tpu.wait_indirect_dma semaphore(%arg16 : memref<!tpu.dma_semaphore, #tpu.memory_space<semaphore_mem>>) src(%dma_wait3A_130 : memref<10240x128xf32, #tpu.memory_space<hbm>>) dst(%arg12 : memref<128x128xf32, #tpu.memory_space<vmem>>)
      %scan3A_131 = arith.constant 0 : i32
      %scan3A_132 = arith.constant 0 : i32
      %scan3A_133 = arith.constant 128 : i32
      %scan3A_134 = arith.addi %scan3A_132, %scan3A_133 : i32
      %scan3A_135 = arith.constant 1 : i32
      scf.for %scan3A_137 = %scan3A_132 to %scan3A_134 step %scan3A_135  : i32 {
        %get3A = arith.index_cast %scan3A_137 : i32 to index
        %get3A_138 = arith.constant 0 : index
        %get3A_139 = tpu.vector_load %arg11[%get3A, %get3A_138] {strides = array<i32>} : memref<128x128xf32, #tpu.memory_space<vmem>>, vector<1x16xf32>,
        %get3A_140 = vector.shape_cast %get3A_139 : vector<1x16xf32> to vector<16xf32>
        %get3A_141 = arith.index_cast %scan3A_137 : i32 to index
        %get3A_142 = arith.constant 0 : index
        %get3A_143 = tpu.vector_load %arg12[%get3A_141, %get3A_142] {strides = array<i32>} : memref<128x128xf32, #tpu.memory_space<vmem>>, vector<1x16xf32>,
        %get3A_144 = vector.shape_cast %get3A_143 : vector<1x16xf32> to vector<16xf32>
        %add3A_145 = arith.addf %get3A_140, %get3A_144 : vector<16xf32>
        %ge3A = arith.constant 0.000000e+00 : f32
        %ge3A_146 = vector.broadcast %ge3A : f32 to vector<16xf32>
        %ge3A_147 = arith.cmpf oge, %add3A_145, %ge3A_146 : vector<16xf32>
        %mul3A_148 = arith.constant 2.000000e-01 : f32
        %mul3A_149 = vector.broadcast %mul3A_148 : f32 to vector<16xf32>
        %mul3A_150 = arith.mulf %add3A_145, %mul3A_149 : vector<16xf32>
        %select_n3A = arith.select %ge3A_147, %add3A_145, %mul3A_150 : vector<16xi1>, vector<16xf32>
        %min3A = arith.constant 6.000000e+01 : f32
        %min3A_151 = vector.broadcast %min3A : f32 to vector<16xf32>
        %min3A_152 = arith.minimumf %select_n3A, %min3A_151 : vector<16xf32>
        %lt3A = arith.constant 6 : i32
        %lt3A_153 = vector.broadcast %lt3A : i32 to vector<16xi32>
        %lt3A_154 = arith.cmpi slt, %iota3A, %lt3A_153 : vector<16xi32>
        %exp3A = math.exp %min3A_152 : vector<16xf32>
        %jit3A = arith.constant 0.000000e+00 : f32
        %broadcast_in_dim3A_155 = vector.broadcast %jit3A : f32 to vector<16xf32>
        %select_n3A_156 = arith.select %lt3A_154, %exp3A, %broadcast_in_dim3A_155 : vector<16xi1>, vector<16xf32>
        %swap3A = arith.index_cast %scan3A_137 : i32 to index
        %swap3A_157 = arith.constant 96 : index
        %swap3A_158 = tpu.vector_load %arg13[%swap3A, %swap3A_157] {strides = array<i32>} : memref<128x128xf32, #tpu.memory_space<vmem>>, vector<1x16xf32>,
        %swap3A_159 = vector.shape_cast %swap3A_158 : vector<1x16xf32> to vector<16xf32>
        %swap3A_160 = vector.shape_cast %select_n3A_156 : vector<16xf32> to vector<1x16xf32>
        tpu.vector_store %arg13[%swap3A, %swap3A_157], %swap3A_160 {strides = array<i32>} : memref<128x128xf32, #tpu.memory_space<vmem>>, vector<1x16xf32>,
        %broadcast_in_dim3A_161 = arith.constant 0 : i32
        %broadcast_in_dim3A_162 = vector.broadcast %broadcast_in_dim3A_161 : i32 to vector<16xi32>
        %broadcast_in_dim3A_163 = vector.shape_cast %broadcast_in_dim3A_162 : vector<16xi32> to vector<16x1xi32>
        %gather3A = vector.shape_cast %broadcast_in_dim3A_163 : vector<16x1xi32> to vector<16xi32>
        %gather3A_164 = tpu.dynamic_gather %select_n3A_156[%gather3A] in [0] : vector<16xf32>, vector<16xi32> -> vector<16xf32>
        %get3A_165 = arith.index_cast %scan3A_137 : i32 to index
        %get3A_166 = arith.constant 32 : index
        %get3A_167 = tpu.vector_load %arg11[%get3A_165, %get3A_166] {strides = array<i32>} : memref<128x128xf32, #tpu.memory_space<vmem>>, vector<1x16xf32>,
        %get3A_168 = vector.shape_cast %get3A_167 : vector<1x16xf32> to vector<16xf32>
        %mul3A_169 = arith.mulf %get3A_168, %gather3A_164 : vector<16xf32>
        %swap3A_170 = arith.index_cast %scan3A_137 : i32 to index
        %swap3A_171 = arith.constant 0 : index
        %swap3A_172 = tpu.vector_load %arg13[%swap3A_170, %swap3A_171] {strides = array<i32>} : memref<128x128xf32, #tpu.memory_space<vmem>>, vector<1x16xf32>,
        %swap3A_173 = vector.shape_cast %swap3A_172 : vector<1x16xf32> to vector<16xf32>
        %swap3A_174 = vector.shape_cast %mul3A_169 : vector<16xf32> to vector<1x16xf32>
        tpu.vector_store %arg13[%swap3A_170, %swap3A_171], %swap3A_174 {strides = array<i32>} : memref<128x128xf32, #tpu.memory_space<vmem>>, vector<1x16xf32>,
        %get3A_175 = arith.index_cast %scan3A_137 : i32 to index
        %get3A_176 = arith.constant 48 : index
        %get3A_177 = tpu.vector_load %arg11[%get3A_175, %get3A_176] {strides = array<i32>} : memref<128x128xf32, #tpu.memory_space<vmem>>, vector<1x16xf32>,
        %get3A_178 = vector.shape_cast %get3A_177 : vector<1x16xf32> to vector<16xf32>
        %mul3A_179 = arith.mulf %get3A_178, %gather3A_164 : vector<16xf32>
        %swap3A_180 = arith.index_cast %scan3A_137 : i32 to index
        %swap3A_181 = arith.constant 16 : index
        %swap3A_182 = tpu.vector_load %arg13[%swap3A_180, %swap3A_181] {strides = array<i32>} : memref<128x128xf32, #tpu.memory_space<vmem>>, vector<1x16xf32>,
        %swap3A_183 = vector.shape_cast %swap3A_182 : vector<1x16xf32> to vector<16xf32>
        %swap3A_184 = vector.shape_cast %mul3A_179 : vector<16xf32> to vector<1x16xf32>
        tpu.vector_store %arg13[%swap3A_180, %swap3A_181], %swap3A_184 {strides = array<i32>} : memref<128x128xf32, #tpu.memory_space<vmem>>, vector<1x16xf32>,
        %broadcast_in_dim3A_185 = arith.constant 1 : i32
        %broadcast_in_dim3A_186 = vector.broadcast %broadcast_in_dim3A_185 : i32 to vector<16xi32>
        %broadcast_in_dim3A_187 = vector.shape_cast %broadcast_in_dim3A_186 : vector<16xi32> to vector<16x1xi32>
        %gather3A_188 = vector.shape_cast %broadcast_in_dim3A_187 : vector<16x1xi32> to vector<16xi32>
        %gather3A_189 = tpu.dynamic_gather %select_n3A_156[%gather3A_188] in [0] : vector<16xf32>, vector<16xi32> -> vector<16xf32>
        %get3A_190 = arith.index_cast %scan3A_137 : i32 to index
        %get3A_191 = arith.constant 64 : index
        %get3A_192 = tpu.vector_load %arg11[%get3A_190, %get3A_191] {strides = array<i32>} : memref<128x128xf32, #tpu.memory_space<vmem>>, vector<1x16xf32>,
        %get3A_193 = vector.shape_cast %get3A_192 : vector<1x16xf32> to vector<16xf32>
        %mul3A_194 = arith.mulf %get3A_193, %gather3A_189 : vector<16xf32>
        %swap3A_195 = arith.index_cast %scan3A_137 : i32 to index
        %swap3A_196 = arith.constant 32 : index
        %swap3A_197 = tpu.vector_load %arg13[%swap3A_195, %swap3A_196] {strides = array<i32>} : memref<128x128xf32, #tpu.memory_space<vmem>>, vector<1x16xf32>,
        %swap3A_198 = vector.shape_cast %swap3A_197 : vector<1x16xf32> to vector<16xf32>
        %swap3A_199 = vector.shape_cast %mul3A_194 : vector<16xf32> to vector<1x16xf32>
        tpu.vector_store %arg13[%swap3A_195, %swap3A_196], %swap3A_199 {strides = array<i32>} : memref<128x128xf32, #tpu.memory_space<vmem>>, vector<1x16xf32>,
        %get3A_200 = arith.index_cast %scan3A_137 : i32 to index
        %get3A_201 = arith.constant 80 : index
        %get3A_202 = tpu.vector_load %arg11[%get3A_200, %get3A_201] {strides = array<i32>} : memref<128x128xf32, #tpu.memory_space<vmem>>, vector<1x16xf32>,
        %get3A_203 = vector.shape_cast %get3A_202 : vector<1x16xf32> to vector<16xf32>
        %mul3A_204 = arith.mulf %get3A_203, %gather3A_189 : vector<16xf32>
        %swap3A_205 = arith.index_cast %scan3A_137 : i32 to index
        %swap3A_206 = arith.constant 48 : index
        %swap3A_207 = tpu.vector_load %arg13[%swap3A_205, %swap3A_206] {strides = array<i32>} : memref<128x128xf32, #tpu.memory_space<vmem>>, vector<1x16xf32>,
        %swap3A_208 = vector.shape_cast %swap3A_207 : vector<1x16xf32> to vector<16xf32>
        %swap3A_209 = vector.shape_cast %mul3A_204 : vector<16xf32> to vector<1x16xf32>
        tpu.vector_store %arg13[%swap3A_205, %swap3A_206], %swap3A_209 {strides = array<i32>} : memref<128x128xf32, #tpu.memory_space<vmem>>, vector<1x16xf32>,
        %broadcast_in_dim3A_210 = arith.constant 2 : i32
        %broadcast_in_dim3A_211 = vector.broadcast %broadcast_in_dim3A_210 : i32 to vector<16xi32>
        %broadcast_in_dim3A_212 = vector.shape_cast %broadcast_in_dim3A_211 : vector<16xi32> to vector<16x1xi32>
        %gather3A_213 = vector.shape_cast %broadcast_in_dim3A_212 : vector<16x1xi32> to vector<16xi32>
        %gather3A_214 = tpu.dynamic_gather %select_n3A_156[%gather3A_213] in [0] : vector<16xf32>, vector<16xi32> -> vector<16xf32>
        %get3A_215 = arith.index_cast %scan3A_137 : i32 to index
        %get3A_216 = arith.constant 96 : index
        %get3A_217 = tpu.vector_load %arg11[%get3A_215, %get3A_216] {strides = array<i32>} : memref<128x128xf32, #tpu.memory_space<vmem>>, vector<1x16xf32>,
        %get3A_218 = vector.shape_cast %get3A_217 : vector<1x16xf32> to vector<16xf32>
        %mul3A_219 = arith.mulf %get3A_218, %gather3A_214 : vector<16xf32>
        %swap3A_220 = arith.index_cast %scan3A_137 : i32 to index
        %swap3A_221 = arith.constant 64 : index
        %swap3A_222 = tpu.vector_load %arg13[%swap3A_220, %swap3A_221] {strides = array<i32>} : memref<128x128xf32, #tpu.memory_space<vmem>>, vector<1x16xf32>,
        %swap3A_223 = vector.shape_cast %swap3A_222 : vector<1x16xf32> to vector<16xf32>
        %swap3A_224 = vector.shape_cast %mul3A_219 : vector<16xf32> to vector<1x16xf32>
        tpu.vector_store %arg13[%swap3A_220, %swap3A_221], %swap3A_224 {strides = array<i32>} : memref<128x128xf32, #tpu.memory_space<vmem>>, vector<1x16xf32>,
        %get3A_225 = arith.index_cast %scan3A_137 : i32 to index
        %get3A_226 = arith.constant 112 : index
        %get3A_227 = tpu.vector_load %arg11[%get3A_225, %get3A_226] {strides = array<i32>} : memref<128x128xf32, #tpu.memory_space<vmem>>, vector<1x16xf32>,
        %get3A_228 = vector.shape_cast %get3A_227 : vector<1x16xf32> to vector<16xf32>
        %mul3A_229 = arith.mulf %get3A_228, %gather3A_214 : vector<16xf32>
        %swap3A_230 = arith.index_cast %scan3A_137 : i32 to index
        %swap3A_231 = arith.constant 80 : index
        %swap3A_232 = tpu.vector_load %arg13[%swap3A_230, %swap3A_231] {strides = array<i32>} : memref<128x128xf32, #tpu.memory_space<vmem>>, vector<1x16xf32>,
        %swap3A_233 = vector.shape_cast %swap3A_232 : vector<1x16xf32> to vector<16xf32>
        %swap3A_234 = vector.shape_cast %mul3A_229 : vector<16xf32> to vector<1x16xf32>
        tpu.vector_store %arg13[%swap3A_230, %swap3A_231], %swap3A_234 {strides = array<i32>} : memref<128x128xf32, #tpu.memory_space<vmem>>, vector<1x16xf32>,
      }
      %scan3A_136 = arith.constant 128 : i32
      "tpu.region"() ({
        %run_scoped3A_137 = tpu.sem_alloc : memref<!tpu.dma_semaphore, #tpu.memory_space<semaphore_mem>>
        %dma_start3A_138 = arith.constant 0 : i32
        %dma_start3A_139 = arith.constant 0 : i32
        %dma_start3A_140 = tpu.memref_slice %arg14[%dma_start3A_138, %dma_start3A_139] : memref<5248x128xf32, #tpu.memory_space<vmem_shared>> -> memref<5248x128xf32, #tpu.memory_space<vmem_shared>>
        tpu.enqueue_indirect_dma source(%arg13 : memref<128x128xf32, #tpu.memory_space<vmem>>) target(%dma_start3A_140 : memref<5248x128xf32, #tpu.memory_space<vmem_shared>>) offsets(%arg10 : memref<128xi32, #tpu.memory_space<vmem>>) semaphore(%run_scoped3A_137 : memref<!tpu.dma_semaphore, #tpu.memory_space<semaphore_mem>>) {add = true}
        %dma_wait3A_141 = arith.constant 0 : i32
        %dma_wait3A_142 = arith.constant 0 : i32
        %dma_wait3A_143 = tpu.memref_slice %arg14[%dma_wait3A_141, %dma_wait3A_142] : memref<5248x128xf32, #tpu.memory_space<vmem_shared>> -> memref<5248x128xf32, #tpu.memory_space<vmem_shared>>
        tpu.wait_indirect_dma semaphore(%run_scoped3A_137 : memref<!tpu.dma_semaphore, #tpu.memory_space<semaphore_mem>>) src(%arg13 : memref<128x128xf32, #tpu.memory_space<vmem>>) dst(%dma_wait3A_143 : memref<5248x128xf32, #tpu.memory_space<vmem_shared>>)
        tpu.yield
      }) : () -> ()
    }
    %scan3A_20 = arith.constant 81 : i32
    %barrier3A_21 = arith.constant 0 : index
    tpu.barrier barrier_id(%barrier3A_21)
    %run_scoped3A = arith.constant 0 : i32
    %run_scoped3A_22 = arith.constant 0 : i32
    "tpu.region"() ({
      %run_scoped3A_102 = tpu.sem_alloc : memref<!tpu.dma_semaphore, #tpu.memory_space<semaphore_mem>>
      %dma_start3A = arith.constant 0 : i32
      %dma_start3A_103 = tpu.memref_slice %arg7[%run_scoped3A, %run_scoped3A_22, %arg0, %mul3A_3, %dma_start3A] : memref<2x2x2x5120x128xf32, #tpu.memory_space<hbm>> -> memref<1x1x1x320x128xf32, #tpu.memory_space<hbm>>
      %dma_start3A_104 = tpu.memref_squeeze %dma_start3A_103 : memref<1x1x1x320x128xf32, #tpu.memory_space<hbm>> -> memref<320x128xf32, #tpu.memory_space<hbm>>
      %dma_start3A_105 = arith.constant 0 : i32
      %dma_start3A_106 = tpu.memref_slice %arg14[%mul3A_3, %dma_start3A_105] : memref<5248x128xf32, #tpu.memory_space<vmem_shared>> -> memref<320x128xf32, #tpu.memory_space<vmem_shared>>
      tpu.enqueue_dma source(%dma_start3A_106 : memref<320x128xf32, #tpu.memory_space<vmem_shared>>) target(%dma_start3A_104 : memref<320x128xf32, #tpu.memory_space<hbm>>) target_semaphore(%run_scoped3A_102 : memref<!tpu.dma_semaphore, #tpu.memory_space<semaphore_mem>>)
      %dma_wait3A = arith.constant 0 : i32
      %dma_wait3A_107 = tpu.memref_slice %arg7[%run_scoped3A, %run_scoped3A_22, %arg0, %mul3A_3, %dma_wait3A] : memref<2x2x2x5120x128xf32, #tpu.memory_space<hbm>> -> memref<1x1x1x320x128xf32, #tpu.memory_space<hbm>>
      %dma_wait3A_108 = tpu.memref_squeeze %dma_wait3A_107 : memref<1x1x1x320x128xf32, #tpu.memory_space<hbm>> -> memref<320x128xf32, #tpu.memory_space<hbm>>
      %dma_wait3A_109 = arith.constant 0 : i32
      %dma_wait3A_110 = tpu.memref_slice %arg14[%mul3A_3, %dma_wait3A_109] : memref<5248x128xf32, #tpu.memory_space<vmem_shared>> -> memref<320x128xf32, #tpu.memory_space<vmem_shared>>
      tpu.wait_dma2 semaphore(%run_scoped3A_102 : memref<!tpu.dma_semaphore, #tpu.memory_space<semaphore_mem>>) src(%dma_wait3A_110 : memref<320x128xf32, #tpu.memory_space<vmem_shared>>) dst(%dma_wait3A_108 : memref<320x128xf32, #tpu.memory_space<hbm>>)
      tpu.yield
    }) : () -> ()
    %barrier3A_23 = arith.constant 0 : index
    tpu.barrier barrier_id(%barrier3A_23)
    %scan3A_24 = arith.constant 0 : i32
    %scan3A_25 = arith.constant 0 : i32
    %scan3A_26 = arith.constant 128 : i32
    %scan3A_27 = arith.addi %scan3A_25, %scan3A_26 : i32
    %scan3A_28 = arith.constant 1 : i32
    scf.for %scan3A_102 = %scan3A_25 to %scan3A_27 step %scan3A_28  : i32 {
      %scan3A_103 = arith.constant 0 : i32
      %scan3A_104 = arith.constant 8 : i32
      %scan3A_105 = arith.addi %scan3A_103, %scan3A_104 : i32
      %scan3A_106 = arith.constant 1 : i32
      scf.for %scan3A_108 = %scan3A_103 to %scan3A_105 step %scan3A_106  : i32 {
        %mul3A_109 = arith.constant 16 : i32
        %mul3A_110 = arith.muli %scan3A_108, %mul3A_109 : i32
        %swap3A = arith.index_cast %scan3A_102 : i32 to index
        %swap3A_111 = arith.index_cast %mul3A_110 : i32 to index
        %swap3A_112 = tpu.vector_load %arg13[%swap3A, %swap3A_111] {strides = array<i32>} : memref<128x128xf32, #tpu.memory_space<vmem>>, vector<1x16xf32>,
        %swap3A_113 = vector.shape_cast %swap3A_112 : vector<1x16xf32> to vector<16xf32>
        %swap3A_114 = vector.shape_cast %broadcast_in_dim3A_1 : vector<16xf32> to vector<1x16xf32>
        tpu.vector_store %arg13[%swap3A, %swap3A_111], %swap3A_114 {strides = array<i32>} : memref<128x128xf32, #tpu.memory_space<vmem>>, vector<1x16xf32>,
      }
      %scan3A_107 = arith.constant 8 : i32
    }
    %scan3A_29 = arith.constant 128 : i32
    "tpu.region"() ({
      %run_scoped3A_102 = tpu.sem_alloc : memref<!tpu.dma_semaphore, #tpu.memory_space<semaphore_mem>>
      %dma_start3A = arith.constant 0 : i32
      %dma_start3A_103 = tpu.memref_slice %arg14[%mul3A_3, %dma_start3A] : memref<5248x128xf32, #tpu.memory_space<vmem_shared>> -> memref<128x128xf32, #tpu.memory_space<vmem_shared>>
      %dma_start3A_104 = arith.constant 0 : i32
      %dma_start3A_105 = tpu.memref_slice %arg14[%mul3A_3, %dma_start3A_104] : memref<5248x128xf32, #tpu.memory_space<vmem_shared>> -> memref<128x128xf32, #tpu.memory_space<vmem_shared>>
      tpu.enqueue_dma source(%arg13 : memref<128x128xf32, #tpu.memory_space<vmem>>) target(%dma_start3A_105 : memref<128x128xf32, #tpu.memory_space<vmem_shared>>) target_semaphore(%run_scoped3A_102 : memref<!tpu.dma_semaphore, #tpu.memory_space<semaphore_mem>>)
      %dma_wait3A = arith.constant 0 : i32
      %dma_wait3A_106 = tpu.memref_slice %arg14[%mul3A_3, %dma_wait3A] : memref<5248x128xf32, #tpu.memory_space<vmem_shared>> -> memref<128x128xf32, #tpu.memory_space<vmem_shared>>
      %dma_wait3A_107 = arith.constant 0 : i32
      %dma_wait3A_108 = tpu.memref_slice %arg14[%mul3A_3, %dma_wait3A_107] : memref<5248x128xf32, #tpu.memory_space<vmem_shared>> -> memref<128x128xf32, #tpu.memory_space<vmem_shared>>
      tpu.wait_dma2 semaphore(%run_scoped3A_102 : memref<!tpu.dma_semaphore, #tpu.memory_space<semaphore_mem>>) src(%arg13 : memref<128x128xf32, #tpu.memory_space<vmem>>) dst(%dma_wait3A_108 : memref<128x128xf32, #tpu.memory_space<vmem_shared>>)
      tpu.yield
    }) : () -> ()
    %add3A_30 = arith.constant 128 : i32
    %add3A_31 = arith.addi %mul3A_3, %add3A_30 : i32
    "tpu.region"() ({
      %run_scoped3A_102 = tpu.sem_alloc : memref<!tpu.dma_semaphore, #tpu.memory_space<semaphore_mem>>
      %dma_start3A = arith.constant 0 : i32
      %dma_start3A_103 = tpu.memref_slice %arg14[%add3A_31, %dma_start3A] : memref<5248x128xf32, #tpu.memory_space<vmem_shared>> -> memref<128x128xf32, #tpu.memory_space<vmem_shared>>
      %dma_start3A_104 = arith.constant 0 : i32
      %dma_start3A_105 = tpu.memref_slice %arg14[%add3A_31, %dma_start3A_104] : memref<5248x128xf32, #tpu.memory_space<vmem_shared>> -> memref<128x128xf32, #tpu.memory_space<vmem_shared>>
      tpu.enqueue_dma source(%arg13 : memref<128x128xf32, #tpu.memory_space<vmem>>) target(%dma_start3A_105 : memref<128x128xf32, #tpu.memory_space<vmem_shared>>) target_semaphore(%run_scoped3A_102 : memref<!tpu.dma_semaphore, #tpu.memory_space<semaphore_mem>>)
      %dma_wait3A = arith.constant 0 : i32
      %dma_wait3A_106 = tpu.memref_slice %arg14[%add3A_31, %dma_wait3A] : memref<5248x128xf32, #tpu.memory_space<vmem_shared>> -> memref<128x128xf32, #tpu.memory_space<vmem_shared>>
      %dma_wait3A_107 = arith.constant 0 : i32
      %dma_wait3A_108 = tpu.memref_slice %arg14[%add3A_31, %dma_wait3A_107] : memref<5248x128xf32, #tpu.memory_space<vmem_shared>> -> memref<128x128xf32, #tpu.memory_space<vmem_shared>>
      tpu.wait_dma2 semaphore(%run_scoped3A_102 : memref<!tpu.dma_semaphore, #tpu.memory_space<semaphore_mem>>) src(%arg13 : memref<128x128xf32, #tpu.memory_space<vmem>>) dst(%dma_wait3A_108 : memref<128x128xf32, #tpu.memory_space<vmem_shared>>)
      tpu.yield
    }) : () -> ()
    %add3A_32 = arith.constant 256 : i32
    %add3A_33 = arith.addi %mul3A_3, %add3A_32 : i32
    "tpu.region"() ({
      %run_scoped3A_102 = tpu.sem_alloc : memref<!tpu.dma_semaphore, #tpu.memory_space<semaphore_mem>>
      %dma_start3A = arith.constant 0 : i32
      %dma_start3A_103 = arith.constant 0 : i32
      %dma_start3A_104 = tpu.memref_slice %arg13[%dma_start3A, %dma_start3A_103] : memref<128x128xf32, #tpu.memory_space<vmem>> -> memref<64x128xf32, #tpu.memory_space<vmem>>
      %dma_start3A_105 = arith.constant 0 : i32
      %dma_start3A_106 = tpu.memref_slice %arg14[%add3A_33, %dma_start3A_105] : memref<5248x128xf32, #tpu.memory_space<vmem_shared>> -> memref<64x128xf32, #tpu.memory_space<vmem_shared>>
      %dma_start3A_107 = arith.constant 0 : i32
      %dma_start3A_108 = tpu.memref_slice %arg14[%add3A_33, %dma_start3A_107] : memref<5248x128xf32, #tpu.memory_space<vmem_shared>> -> memref<64x128xf32, #tpu.memory_space<vmem_shared>>
      %dma_start3A_109 = arith.constant 0 : i32
      %dma_start3A_110 = arith.constant 0 : i32
      %dma_start3A_111 = tpu.memref_slice %arg13[%dma_start3A_109, %dma_start3A_110] : memref<128x128xf32, #tpu.memory_space<vmem>> -> memref<64x128xf32, #tpu.memory_space<vmem>>
      tpu.enqueue_dma source(%dma_start3A_111 : memref<64x128xf32, #tpu.memory_space<vmem>>) target(%dma_start3A_108 : memref<64x128xf32, #tpu.memory_space<vmem_shared>>) target_semaphore(%run_scoped3A_102 : memref<!tpu.dma_semaphore, #tpu.memory_space<semaphore_mem>>)
      %dma_wait3A = arith.constant 0 : i32
      %dma_wait3A_112 = arith.constant 0 : i32
      %dma_wait3A_113 = tpu.memref_slice %arg13[%dma_wait3A, %dma_wait3A_112] : memref<128x128xf32, #tpu.memory_space<vmem>> -> memref<64x128xf32, #tpu.memory_space<vmem>>
      %dma_wait3A_114 = arith.constant 0 : i32
      %dma_wait3A_115 = tpu.memref_slice %arg14[%add3A_33, %dma_wait3A_114] : memref<5248x128xf32, #tpu.memory_space<vmem_shared>> -> memref<64x128xf32, #tpu.memory_space<vmem_shared>>
      %dma_wait3A_116 = arith.constant 0 : i32
      %dma_wait3A_117 = tpu.memref_slice %arg14[%add3A_33, %dma_wait3A_116] : memref<5248x128xf32, #tpu.memory_space<vmem_shared>> -> memref<64x128xf32, #tpu.memory_space<vmem_shared>>
      %dma_wait3A_118 = arith.constant 0 : i32
      %dma_wait3A_119 = arith.constant 0 : i32
      %dma_wait3A_120 = tpu.memref_slice %arg13[%dma_wait3A_118, %dma_wait3A_119] : memref<128x128xf32, #tpu.memory_space<vmem>> -> memref<64x128xf32, #tpu.memory_space<vmem>>
      tpu.wait_dma2 semaphore(%run_scoped3A_102 : memref<!tpu.dma_semaphore, #tpu.memory_space<semaphore_mem>>) src(%dma_wait3A_120 : memref<64x128xf32, #tpu.memory_space<vmem>>) dst(%dma_wait3A_117 : memref<64x128xf32, #tpu.memory_space<vmem_shared>>)
      tpu.yield
    }) : () -> ()
    %eq3A_34 = arith.constant 0 : i32
    %eq3A_35 = arith.cmpi eq, %arg1, %eq3A_34 : i32
    %convert_element_type3A_36 = arith.extui %eq3A_35 : i1 to i32
    %cond3A_37 = arith.constant 0 : i32
    %cond3A_38 = arith.cmpi ne, %convert_element_type3A_36, %cond3A_37 : i32
    scf.if %cond3A_38 {
      "tpu.region"() ({
        %run_scoped3A_102 = tpu.sem_alloc : memref<!tpu.dma_semaphore, #tpu.memory_space<semaphore_mem>>
        %dma_start3A = arith.constant 5120 : i32
        %dma_start3A_103 = arith.constant 0 : i32
        %dma_start3A_104 = tpu.memref_slice %arg14[%dma_start3A, %dma_start3A_103] : memref<5248x128xf32, #tpu.memory_space<vmem_shared>> -> memref<128x128xf32, #tpu.memory_space<vmem_shared>>
        %dma_start3A_105 = arith.constant 5120 : i32
        %dma_start3A_106 = arith.constant 0 : i32
        %dma_start3A_107 = tpu.memref_slice %arg14[%dma_start3A_105, %dma_start3A_106] : memref<5248x128xf32, #tpu.memory_space<vmem_shared>> -> memref<128x128xf32, #tpu.memory_space<vmem_shared>>
        tpu.enqueue_dma source(%arg13 : memref<128x128xf32, #tpu.memory_space<vmem>>) target(%dma_start3A_107 : memref<128x128xf32, #tpu.memory_space<vmem_shared>>) target_semaphore(%run_scoped3A_102 : memref<!tpu.dma_semaphore, #tpu.memory_space<semaphore_mem>>)
        %dma_wait3A = arith.constant 5120 : i32
        %dma_wait3A_108 = arith.constant 0 : i32
        %dma_wait3A_109 = tpu.memref_slice %arg14[%dma_wait3A, %dma_wait3A_108] : memref<5248x128xf32, #tpu.memory_space<vmem_shared>> -> memref<128x128xf32, #tpu.memory_space<vmem_shared>>
        %dma_wait3A_110 = arith.constant 5120 : i32
        %dma_wait3A_111 = arith.constant 0 : i32
        %dma_wait3A_112 = tpu.memref_slice %arg14[%dma_wait3A_110, %dma_wait3A_111] : memref<5248x128xf32, #tpu.memory_space<vmem_shared>> -> memref<128x128xf32, #tpu.memory_space<vmem_shared>>
        tpu.wait_dma2 semaphore(%run_scoped3A_102 : memref<!tpu.dma_semaphore, #tpu.memory_space<semaphore_mem>>) src(%arg13 : memref<128x128xf32, #tpu.memory_space<vmem>>) dst(%dma_wait3A_112 : memref<128x128xf32, #tpu.memory_space<vmem_shared>>)
        tpu.yield
      }) : () -> ()
    } else {
    }
    %barrier3A_39 = arith.constant 0 : index
    tpu.barrier barrier_id(%barrier3A_39)
    %scan3A_40 = arith.constant 0 : i32
    %scan3A_41 = arith.constant 0 : i32
    %scan3A_42 = arith.constant 81 : i32
    %scan3A_43 = arith.addi %scan3A_41, %scan3A_42 : i32
    %scan3A_44 = arith.constant 1 : i32
    scf.for %scan3A_102 = %scan3A_41 to %scan3A_43 step %scan3A_44  : i32 {
      %dma_start3A = arith.constant 0 : i32
      %dma_start3A_103 = tpu.memref_slice %arg8[%scan3A_102, %dma_start3A] : memref<81x128xi32, #tpu.memory_space<vmem>> -> memref<1x128xi32, #tpu.memory_space<vmem>>
      %dma_start3A_104 = tpu.memref_squeeze %dma_start3A_103 : memref<1x128xi32, #tpu.memory_space<vmem>> -> memref<128xi32, #tpu.memory_space<vmem>>
      %dma_start3A_105 = arith.constant 0 : i32
      %dma_start3A_106 = arith.constant 0 : i32
      %dma_start3A_107 = tpu.memref_slice %arg4[%dma_start3A_105, %dma_start3A_106] : memref<10240x128xf32, #tpu.memory_space<hbm>> -> memref<10240x128xf32, #tpu.memory_space<hbm>>
      tpu.enqueue_indirect_dma source(%dma_start3A_107 : memref<10240x128xf32, #tpu.memory_space<hbm>>) target(%arg11 : memref<128x128xf32, #tpu.memory_space<vmem>>) offsets(%dma_start3A_104 : memref<128xi32, #tpu.memory_space<vmem>>) semaphore(%arg15 : memref<!tpu.dma_semaphore, #tpu.memory_space<semaphore_mem>>)
      %dma_start3A_108 = arith.constant 0 : i32
      %dma_start3A_109 = tpu.memref_slice %arg9[%scan3A_102, %dma_start3A_108] : memref<81x128xi32, #tpu.memory_space<vmem>> -> memref<1x128xi32, #tpu.memory_space<vmem>>
      %dma_start3A_110 = tpu.memref_squeeze %dma_start3A_109 : memref<1x128xi32, #tpu.memory_space<vmem>> -> memref<128xi32, #tpu.memory_space<vmem>>
      %dma_start3A_111 = arith.constant 0 : i32
      %dma_start3A_112 = arith.constant 0 : i32
      %dma_start3A_113 = tpu.memref_slice %arg6[%dma_start3A_111, %dma_start3A_112] : memref<10240x128xf32, #tpu.memory_space<hbm>> -> memref<10240x128xf32, #tpu.memory_space<hbm>>
      tpu.enqueue_indirect_dma source(%dma_start3A_113 : memref<10240x128xf32, #tpu.memory_space<hbm>>) target(%arg12 : memref<128x128xf32, #tpu.memory_space<vmem>>) offsets(%dma_start3A_110 : memref<128xi32, #tpu.memory_space<vmem>>) semaphore(%arg16 : memref<!tpu.dma_semaphore, #tpu.memory_space<semaphore_mem>>)
      %scan3A_114 = arith.constant 0 : i32
      %scan3A_115 = arith.constant 0 : i32
      %scan3A_116 = arith.constant 8 : i32
      %scan3A_117 = arith.addi %scan3A_115, %scan3A_116 : i32
      %scan3A_118 = arith.constant 1 : i32
      scf.for %scan3A_137 = %scan3A_115 to %scan3A_117 step %scan3A_118  : i32 {
        %mul3A_138 = arith.constant 16 : i32
        %mul3A_139 = arith.muli %scan3A_137, %mul3A_138 : i32
        %get3A = arith.index_cast %scan3A_102 : i32 to index
        %get3A_140 = arith.index_cast %mul3A_139 : i32 to index
        %get3A_141 = tpu.vector_load %arg9[%get3A, %get3A_140] {strides = array<i32>} : memref<81x128xi32, #tpu.memory_space<vmem>>, vector<1x16xi32>,
        %get3A_142 = vector.shape_cast %get3A_141 : vector<1x16xi32> to vector<16xi32>
        %sub3A = arith.constant 5120 : i32
        %sub3A_143 = vector.broadcast %sub3A : i32 to vector<16xi32>
        %sub3A_144 = arith.subi %get3A_142, %sub3A_143 : vector<16xi32>
        %ge3A = arith.constant 0 : i32
        %ge3A_145 = vector.broadcast %ge3A : i32 to vector<16xi32>
        %ge3A_146 = arith.cmpi sge, %sub3A_144, %ge3A_145 : vector<16xi32>
        %lt3A = arith.constant 5120 : i32
        %lt3A_147 = vector.broadcast %lt3A : i32 to vector<16xi32>
        %lt3A_148 = arith.cmpi slt, %sub3A_144, %lt3A_147 : vector<16xi32>
        %and3A = arith.andi %ge3A_146, %lt3A_148 : vector<16xi1>
        %add3A_149 = arith.constant 5120 : i32
        %add3A_150 = vector.broadcast %add3A_149 : i32 to vector<16xi32>
        %add3A_151 = arith.addi %add3A_150, %iota3A : vector<16xi32>
        %select_n3A = arith.select %and3A, %sub3A_144, %add3A_151 : vector<16xi1>, vector<16xi32>
        %mul3A_152 = arith.constant 16 : i32
        %mul3A_153 = arith.muli %scan3A_137, %mul3A_152 : i32
        %swap3A = arith.index_cast %mul3A_153 : i32 to index
        %swap3A_154 = tpu.vector_load %arg10[%swap3A] {strides = array<i32>} : memref<128xi32, #tpu.memory_space<vmem>>, vector<16xi32>,
        %swap3A_155 = vector.shape_cast %swap3A_154 : vector<16xi32> to vector<16xi32>
        %swap3A_156 = vector.shape_cast %select_n3A : vector<16xi32> to vector<16xi32>
        tpu.vector_store %arg10[%swap3A], %swap3A_156 {strides = array<i32>} : memref<128xi32, #tpu.memory_space<vmem>>, vector<16xi32>,
      }
      %scan3A_119 = arith.constant 8 : i32
      %dma_wait3A = arith.constant 0 : i32
      %dma_wait3A_120 = tpu.memref_slice %arg8[%scan3A_102, %dma_wait3A] : memref<81x128xi32, #tpu.memory_space<vmem>> -> memref<1x128xi32, #tpu.memory_space<vmem>>
      %dma_wait3A_121 = tpu.memref_squeeze %dma_wait3A_120 : memref<1x128xi32, #tpu.memory_space<vmem>> -> memref<128xi32, #tpu.memory_space<vmem>>
      %dma_wait3A_122 = arith.constant 0 : i32
      %dma_wait3A_123 = arith.constant 0 : i32
      %dma_wait3A_124 = tpu.memref_slice %arg4[%dma_wait3A_122, %dma_wait3A_123] : memref<10240x128xf32, #tpu.memory_space<hbm>> -> memref<10240x128xf32, #tpu.memory_space<hbm>>
      tpu.wait_indirect_dma semaphore(%arg15 : memref<!tpu.dma_semaphore, #tpu.memory_space<semaphore_mem>>) src(%dma_wait3A_124 : memref<10240x128xf32, #tpu.memory_space<hbm>>) dst(%arg11 : memref<128x128xf32, #tpu.memory_space<vmem>>)
      %dma_wait3A_125 = arith.constant 0 : i32
      %dma_wait3A_126 = tpu.memref_slice %arg9[%scan3A_102, %dma_wait3A_125] : memref<81x128xi32, #tpu.memory_space<vmem>> -> memref<1x128xi32, #tpu.memory_space<vmem>>
      %dma_wait3A_127 = tpu.memref_squeeze %dma_wait3A_126 : memref<1x128xi32, #tpu.memory_space<vmem>> -> memref<128xi32, #tpu.memory_space<vmem>>
      %dma_wait3A_128 = arith.constant 0 : i32
      %dma_wait3A_129 = arith.constant 0 : i32
      %dma_wait3A_130 = tpu.memref_slice %arg6[%dma_wait3A_128, %dma_wait3A_129] : memref<10240x128xf32, #tpu.memory_space<hbm>> -> memref<10240x128xf32, #tpu.memory_space<hbm>>
      tpu.wait_indirect_dma semaphore(%arg16 : memref<!tpu.dma_semaphore, #tpu.memory_space<semaphore_mem>>) src(%dma_wait3A_130 : memref<10240x128xf32, #tpu.memory_space<hbm>>) dst(%arg12 : memref<128x128xf32, #tpu.memory_space<vmem>>)
      %scan3A_131 = arith.constant 0 : i32
      %scan3A_132 = arith.constant 0 : i32
      %scan3A_133 = arith.constant 128 : i32
      %scan3A_134 = arith.addi %scan3A_132, %scan3A_133 : i32
      %scan3A_135 = arith.constant 1 : i32
      scf.for %scan3A_137 = %scan3A_132 to %scan3A_134 step %scan3A_135  : i32 {
        %get3A = arith.index_cast %scan3A_137 : i32 to index
        %get3A_138 = arith.constant 0 : index
        %get3A_139 = tpu.vector_load %arg11[%get3A, %get3A_138] {strides = array<i32>} : memref<128x128xf32, #tpu.memory_space<vmem>>, vector<1x16xf32>,
        %get3A_140 = vector.shape_cast %get3A_139 : vector<1x16xf32> to vector<16xf32>
        %get3A_141 = arith.index_cast %scan3A_137 : i32 to index
        %get3A_142 = arith.constant 0 : index
        %get3A_143 = tpu.vector_load %arg12[%get3A_141, %get3A_142] {strides = array<i32>} : memref<128x128xf32, #tpu.memory_space<vmem>>, vector<1x16xf32>,
        %get3A_144 = vector.shape_cast %get3A_143 : vector<1x16xf32> to vector<16xf32>
        %add3A_145 = arith.addf %get3A_140, %get3A_144 : vector<16xf32>
        %ge3A = arith.constant 0.000000e+00 : f32
        %ge3A_146 = vector.broadcast %ge3A : f32 to vector<16xf32>
        %ge3A_147 = arith.cmpf oge, %add3A_145, %ge3A_146 : vector<16xf32>
        %mul3A_148 = arith.constant 2.000000e-01 : f32
        %mul3A_149 = vector.broadcast %mul3A_148 : f32 to vector<16xf32>
        %mul3A_150 = arith.mulf %add3A_145, %mul3A_149 : vector<16xf32>
        %select_n3A = arith.select %ge3A_147, %add3A_145, %mul3A_150 : vector<16xi1>, vector<16xf32>
        %min3A = arith.constant 6.000000e+01 : f32
        %min3A_151 = vector.broadcast %min3A : f32 to vector<16xf32>
        %min3A_152 = arith.minimumf %select_n3A, %min3A_151 : vector<16xf32>
        %lt3A = arith.constant 6 : i32
        %lt3A_153 = vector.broadcast %lt3A : i32 to vector<16xi32>
        %lt3A_154 = arith.cmpi slt, %iota3A, %lt3A_153 : vector<16xi32>
        %exp3A = math.exp %min3A_152 : vector<16xf32>
        %jit3A = arith.constant 0.000000e+00 : f32
        %broadcast_in_dim3A_155 = vector.broadcast %jit3A : f32 to vector<16xf32>
        %select_n3A_156 = arith.select %lt3A_154, %exp3A, %broadcast_in_dim3A_155 : vector<16xi1>, vector<16xf32>
        %swap3A = arith.index_cast %scan3A_137 : i32 to index
        %swap3A_157 = arith.constant 96 : index
        %swap3A_158 = tpu.vector_load %arg13[%swap3A, %swap3A_157] {strides = array<i32>} : memref<128x128xf32, #tpu.memory_space<vmem>>, vector<1x16xf32>,
        %swap3A_159 = vector.shape_cast %swap3A_158 : vector<1x16xf32> to vector<16xf32>
        %swap3A_160 = vector.shape_cast %select_n3A_156 : vector<16xf32> to vector<1x16xf32>
        tpu.vector_store %arg13[%swap3A, %swap3A_157], %swap3A_160 {strides = array<i32>} : memref<128x128xf32, #tpu.memory_space<vmem>>, vector<1x16xf32>,
        %broadcast_in_dim3A_161 = arith.constant 0 : i32
        %broadcast_in_dim3A_162 = vector.broadcast %broadcast_in_dim3A_161 : i32 to vector<16xi32>
        %broadcast_in_dim3A_163 = vector.shape_cast %broadcast_in_dim3A_162 : vector<16xi32> to vector<16x1xi32>
        %gather3A = vector.shape_cast %broadcast_in_dim3A_163 : vector<16x1xi32> to vector<16xi32>
        %gather3A_164 = tpu.dynamic_gather %select_n3A_156[%gather3A] in [0] : vector<16xf32>, vector<16xi32> -> vector<16xf32>
        %get3A_165 = arith.index_cast %scan3A_137 : i32 to index
        %get3A_166 = arith.constant 32 : index
        %get3A_167 = tpu.vector_load %arg11[%get3A_165, %get3A_166] {strides = array<i32>} : memref<128x128xf32, #tpu.memory_space<vmem>>, vector<1x16xf32>,
        %get3A_168 = vector.shape_cast %get3A_167 : vector<1x16xf32> to vector<16xf32>
        %mul3A_169 = arith.mulf %get3A_168, %gather3A_164 : vector<16xf32>
        %swap3A_170 = arith.index_cast %scan3A_137 : i32 to index
        %swap3A_171 = arith.constant 0 : index
        %swap3A_172 = tpu.vector_load %arg13[%swap3A_170, %swap3A_171] {strides = array<i32>} : memref<128x128xf32, #tpu.memory_space<vmem>>, vector<1x16xf32>,
        %swap3A_173 = vector.shape_cast %swap3A_172 : vector<1x16xf32> to vector<16xf32>
        %swap3A_174 = vector.shape_cast %mul3A_169 : vector<16xf32> to vector<1x16xf32>
        tpu.vector_store %arg13[%swap3A_170, %swap3A_171], %swap3A_174 {strides = array<i32>} : memref<128x128xf32, #tpu.memory_space<vmem>>, vector<1x16xf32>,
        %get3A_175 = arith.index_cast %scan3A_137 : i32 to index
        %get3A_176 = arith.constant 48 : index
        %get3A_177 = tpu.vector_load %arg11[%get3A_175, %get3A_176] {strides = array<i32>} : memref<128x128xf32, #tpu.memory_space<vmem>>, vector<1x16xf32>,
        %get3A_178 = vector.shape_cast %get3A_177 : vector<1x16xf32> to vector<16xf32>
        %mul3A_179 = arith.mulf %get3A_178, %gather3A_164 : vector<16xf32>
        %swap3A_180 = arith.index_cast %scan3A_137 : i32 to index
        %swap3A_181 = arith.constant 16 : index
        %swap3A_182 = tpu.vector_load %arg13[%swap3A_180, %swap3A_181] {strides = array<i32>} : memref<128x128xf32, #tpu.memory_space<vmem>>, vector<1x16xf32>,
        %swap3A_183 = vector.shape_cast %swap3A_182 : vector<1x16xf32> to vector<16xf32>
        %swap3A_184 = vector.shape_cast %mul3A_179 : vector<16xf32> to vector<1x16xf32>
        tpu.vector_store %arg13[%swap3A_180, %swap3A_181], %swap3A_184 {strides = array<i32>} : memref<128x128xf32, #tpu.memory_space<vmem>>, vector<1x16xf32>,
        %broadcast_in_dim3A_185 = arith.constant 1 : i32
        %broadcast_in_dim3A_186 = vector.broadcast %broadcast_in_dim3A_185 : i32 to vector<16xi32>
        %broadcast_in_dim3A_187 = vector.shape_cast %broadcast_in_dim3A_186 : vector<16xi32> to vector<16x1xi32>
        %gather3A_188 = vector.shape_cast %broadcast_in_dim3A_187 : vector<16x1xi32> to vector<16xi32>
        %gather3A_189 = tpu.dynamic_gather %select_n3A_156[%gather3A_188] in [0] : vector<16xf32>, vector<16xi32> -> vector<16xf32>
        %get3A_190 = arith.index_cast %scan3A_137 : i32 to index
        %get3A_191 = arith.constant 64 : index
        %get3A_192 = tpu.vector_load %arg11[%get3A_190, %get3A_191] {strides = array<i32>} : memref<128x128xf32, #tpu.memory_space<vmem>>, vector<1x16xf32>,
        %get3A_193 = vector.shape_cast %get3A_192 : vector<1x16xf32> to vector<16xf32>
        %mul3A_194 = arith.mulf %get3A_193, %gather3A_189 : vector<16xf32>
        %swap3A_195 = arith.index_cast %scan3A_137 : i32 to index
        %swap3A_196 = arith.constant 32 : index
        %swap3A_197 = tpu.vector_load %arg13[%swap3A_195, %swap3A_196] {strides = array<i32>} : memref<128x128xf32, #tpu.memory_space<vmem>>, vector<1x16xf32>,
        %swap3A_198 = vector.shape_cast %swap3A_197 : vector<1x16xf32> to vector<16xf32>
        %swap3A_199 = vector.shape_cast %mul3A_194 : vector<16xf32> to vector<1x16xf32>
        tpu.vector_store %arg13[%swap3A_195, %swap3A_196], %swap3A_199 {strides = array<i32>} : memref<128x128xf32, #tpu.memory_space<vmem>>, vector<1x16xf32>,
        %get3A_200 = arith.index_cast %scan3A_137 : i32 to index
        %get3A_201 = arith.constant 80 : index
        %get3A_202 = tpu.vector_load %arg11[%get3A_200, %get3A_201] {strides = array<i32>} : memref<128x128xf32, #tpu.memory_space<vmem>>, vector<1x16xf32>,
        %get3A_203 = vector.shape_cast %get3A_202 : vector<1x16xf32> to vector<16xf32>
        %mul3A_204 = arith.mulf %get3A_203, %gather3A_189 : vector<16xf32>
        %swap3A_205 = arith.index_cast %scan3A_137 : i32 to index
        %swap3A_206 = arith.constant 48 : index
        %swap3A_207 = tpu.vector_load %arg13[%swap3A_205, %swap3A_206] {strides = array<i32>} : memref<128x128xf32, #tpu.memory_space<vmem>>, vector<1x16xf32>,
        %swap3A_208 = vector.shape_cast %swap3A_207 : vector<1x16xf32> to vector<16xf32>
        %swap3A_209 = vector.shape_cast %mul3A_204 : vector<16xf32> to vector<1x16xf32>
        tpu.vector_store %arg13[%swap3A_205, %swap3A_206], %swap3A_209 {strides = array<i32>} : memref<128x128xf32, #tpu.memory_space<vmem>>, vector<1x16xf32>,
        %broadcast_in_dim3A_210 = arith.constant 2 : i32
        %broadcast_in_dim3A_211 = vector.broadcast %broadcast_in_dim3A_210 : i32 to vector<16xi32>
        %broadcast_in_dim3A_212 = vector.shape_cast %broadcast_in_dim3A_211 : vector<16xi32> to vector<16x1xi32>
        %gather3A_213 = vector.shape_cast %broadcast_in_dim3A_212 : vector<16x1xi32> to vector<16xi32>
        %gather3A_214 = tpu.dynamic_gather %select_n3A_156[%gather3A_213] in [0] : vector<16xf32>, vector<16xi32> -> vector<16xf32>
        %get3A_215 = arith.index_cast %scan3A_137 : i32 to index
        %get3A_216 = arith.constant 96 : index
        %get3A_217 = tpu.vector_load %arg11[%get3A_215, %get3A_216] {strides = array<i32>} : memref<128x128xf32, #tpu.memory_space<vmem>>, vector<1x16xf32>,
        %get3A_218 = vector.shape_cast %get3A_217 : vector<1x16xf32> to vector<16xf32>
        %mul3A_219 = arith.mulf %get3A_218, %gather3A_214 : vector<16xf32>
        %swap3A_220 = arith.index_cast %scan3A_137 : i32 to index
        %swap3A_221 = arith.constant 64 : index
        %swap3A_222 = tpu.vector_load %arg13[%swap3A_220, %swap3A_221] {strides = array<i32>} : memref<128x128xf32, #tpu.memory_space<vmem>>, vector<1x16xf32>,
        %swap3A_223 = vector.shape_cast %swap3A_222 : vector<1x16xf32> to vector<16xf32>
        %swap3A_224 = vector.shape_cast %mul3A_219 : vector<16xf32> to vector<1x16xf32>
        tpu.vector_store %arg13[%swap3A_220, %swap3A_221], %swap3A_224 {strides = array<i32>} : memref<128x128xf32, #tpu.memory_space<vmem>>, vector<1x16xf32>,
        %get3A_225 = arith.index_cast %scan3A_137 : i32 to index
        %get3A_226 = arith.constant 112 : index
        %get3A_227 = tpu.vector_load %arg11[%get3A_225, %get3A_226] {strides = array<i32>} : memref<128x128xf32, #tpu.memory_space<vmem>>, vector<1x16xf32>,
        %get3A_228 = vector.shape_cast %get3A_227 : vector<1x16xf32> to vector<16xf32>
        %mul3A_229 = arith.mulf %get3A_228, %gather3A_214 : vector<16xf32>
        %swap3A_230 = arith.index_cast %scan3A_137 : i32 to index
        %swap3A_231 = arith.constant 80 : index
        %swap3A_232 = tpu.vector_load %arg13[%swap3A_230, %swap3A_231] {strides = array<i32>} : memref<128x128xf32, #tpu.memory_space<vmem>>, vector<1x16xf32>,
        %swap3A_233 = vector.shape_cast %swap3A_232 : vector<1x16xf32> to vector<16xf32>
        %swap3A_234 = vector.shape_cast %mul3A_229 : vector<16xf32> to vector<1x16xf32>
        tpu.vector_store %arg13[%swap3A_230, %swap3A_231], %swap3A_234 {strides = array<i32>} : memref<128x128xf32, #tpu.memory_space<vmem>>, vector<1x16xf32>,
      }
      %scan3A_136 = arith.constant 128 : i32
      "tpu.region"() ({
        %run_scoped3A_137 = tpu.sem_alloc : memref<!tpu.dma_semaphore, #tpu.memory_space<semaphore_mem>>
        %dma_start3A_138 = arith.constant 0 : i32
        %dma_start3A_139 = arith.constant 0 : i32
        %dma_start3A_140 = tpu.memref_slice %arg14[%dma_start3A_138, %dma_start3A_139] : memref<5248x128xf32, #tpu.memory_space<vmem_shared>> -> memref<5248x128xf32, #tpu.memory_space<vmem_shared>>
        tpu.enqueue_indirect_dma source(%arg13 : memref<128x128xf32, #tpu.memory_space<vmem>>) target(%dma_start3A_140 : memref<5248x128xf32, #tpu.memory_space<vmem_shared>>) offsets(%arg10 : memref<128xi32, #tpu.memory_space<vmem>>) semaphore(%run_scoped3A_137 : memref<!tpu.dma_semaphore, #tpu.memory_space<semaphore_mem>>) {add = true}
        %dma_wait3A_141 = arith.constant 0 : i32
        %dma_wait3A_142 = arith.constant 0 : i32
        %dma_wait3A_143 = tpu.memref_slice %arg14[%dma_wait3A_141, %dma_wait3A_142] : memref<5248x128xf32, #tpu.memory_space<vmem_shared>> -> memref<5248x128xf32, #tpu.memory_space<vmem_shared>>
        tpu.wait_indirect_dma semaphore(%run_scoped3A_137 : memref<!tpu.dma_semaphore, #tpu.memory_space<semaphore_mem>>) src(%arg13 : memref<128x128xf32, #tpu.memory_space<vmem>>) dst(%dma_wait3A_143 : memref<5248x128xf32, #tpu.memory_space<vmem_shared>>)
        tpu.yield
      }) : () -> ()
    }
    %scan3A_45 = arith.constant 81 : i32
    %barrier3A_46 = arith.constant 0 : index
    tpu.barrier barrier_id(%barrier3A_46)
    %run_scoped3A_47 = arith.constant 0 : i32
    %run_scoped3A_48 = arith.constant 1 : i32
    "tpu.region"() ({
      %run_scoped3A_102 = tpu.sem_alloc : memref<!tpu.dma_semaphore, #tpu.memory_space<semaphore_mem>>
      %dma_start3A = arith.constant 0 : i32
      %dma_start3A_103 = tpu.memref_slice %arg7[%run_scoped3A_47, %run_scoped3A_48, %arg0, %mul3A_3, %dma_start3A] : memref<2x2x2x5120x128xf32, #tpu.memory_space<hbm>> -> memref<1x1x1x320x128xf32, #tpu.memory_space<hbm>>
      %dma_start3A_104 = tpu.memref_squeeze %dma_start3A_103 : memref<1x1x1x320x128xf32, #tpu.memory_space<hbm>> -> memref<320x128xf32, #tpu.memory_space<hbm>>
      %dma_start3A_105 = arith.constant 0 : i32
      %dma_start3A_106 = tpu.memref_slice %arg14[%mul3A_3, %dma_start3A_105] : memref<5248x128xf32, #tpu.memory_space<vmem_shared>> -> memref<320x128xf32, #tpu.memory_space<vmem_shared>>
      tpu.enqueue_dma source(%dma_start3A_106 : memref<320x128xf32, #tpu.memory_space<vmem_shared>>) target(%dma_start3A_104 : memref<320x128xf32, #tpu.memory_space<hbm>>) target_semaphore(%run_scoped3A_102 : memref<!tpu.dma_semaphore, #tpu.memory_space<semaphore_mem>>)
      %dma_wait3A = arith.constant 0 : i32
      %dma_wait3A_107 = tpu.memref_slice %arg7[%run_scoped3A_47, %run_scoped3A_48, %arg0, %mul3A_3, %dma_wait3A] : memref<2x2x2x5120x128xf32, #tpu.memory_space<hbm>> -> memref<1x1x1x320x128xf32, #tpu.memory_space<hbm>>
      %dma_wait3A_108 = tpu.memref_squeeze %dma_wait3A_107 : memref<1x1x1x320x128xf32, #tpu.memory_space<hbm>> -> memref<320x128xf32, #tpu.memory_space<hbm>>
      %dma_wait3A_109 = arith.constant 0 : i32
      %dma_wait3A_110 = tpu.memref_slice %arg14[%mul3A_3, %dma_wait3A_109] : memref<5248x128xf32, #tpu.memory_space<vmem_shared>> -> memref<320x128xf32, #tpu.memory_space<vmem_shared>>
      tpu.wait_dma2 semaphore(%run_scoped3A_102 : memref<!tpu.dma_semaphore, #tpu.memory_space<semaphore_mem>>) src(%dma_wait3A_110 : memref<320x128xf32, #tpu.memory_space<vmem_shared>>) dst(%dma_wait3A_108 : memref<320x128xf32, #tpu.memory_space<hbm>>)
      tpu.yield
    }) : () -> ()
    %barrier3A_49 = arith.constant 0 : index
    tpu.barrier barrier_id(%barrier3A_49)
    %scan3A_50 = arith.constant 0 : i32
    %scan3A_51 = arith.constant 0 : i32
    %scan3A_52 = arith.constant 128 : i32
    %scan3A_53 = arith.addi %scan3A_51, %scan3A_52 : i32
    %scan3A_54 = arith.constant 1 : i32
    scf.for %scan3A_102 = %scan3A_51 to %scan3A_53 step %scan3A_54  : i32 {
      %scan3A_103 = arith.constant 0 : i32
      %scan3A_104 = arith.constant 8 : i32
      %scan3A_105 = arith.addi %scan3A_103, %scan3A_104 : i32
      %scan3A_106 = arith.constant 1 : i32
      scf.for %scan3A_108 = %scan3A_103 to %scan3A_105 step %scan3A_106  : i32 {
        %mul3A_109 = arith.constant 16 : i32
        %mul3A_110 = arith.muli %scan3A_108, %mul3A_109 : i32
        %swap3A = arith.index_cast %scan3A_102 : i32 to index
        %swap3A_111 = arith.index_cast %mul3A_110 : i32 to index
        %swap3A_112 = tpu.vector_load %arg13[%swap3A, %swap3A_111] {strides = array<i32>} : memref<128x128xf32, #tpu.memory_space<vmem>>, vector<1x16xf32>,
        %swap3A_113 = vector.shape_cast %swap3A_112 : vector<1x16xf32> to vector<16xf32>
        %swap3A_114 = vector.shape_cast %broadcast_in_dim3A_1 : vector<16xf32> to vector<1x16xf32>
        tpu.vector_store %arg13[%swap3A, %swap3A_111], %swap3A_114 {strides = array<i32>} : memref<128x128xf32, #tpu.memory_space<vmem>>, vector<1x16xf32>,
      }
      %scan3A_107 = arith.constant 8 : i32
    }
    %scan3A_55 = arith.constant 128 : i32
    "tpu.region"() ({
      %run_scoped3A_102 = tpu.sem_alloc : memref<!tpu.dma_semaphore, #tpu.memory_space<semaphore_mem>>
      %dma_start3A = arith.constant 0 : i32
      %dma_start3A_103 = tpu.memref_slice %arg14[%mul3A_3, %dma_start3A] : memref<5248x128xf32, #tpu.memory_space<vmem_shared>> -> memref<128x128xf32, #tpu.memory_space<vmem_shared>>
      %dma_start3A_104 = arith.constant 0 : i32
      %dma_start3A_105 = tpu.memref_slice %arg14[%mul3A_3, %dma_start3A_104] : memref<5248x128xf32, #tpu.memory_space<vmem_shared>> -> memref<128x128xf32, #tpu.memory_space<vmem_shared>>
      tpu.enqueue_dma source(%arg13 : memref<128x128xf32, #tpu.memory_space<vmem>>) target(%dma_start3A_105 : memref<128x128xf32, #tpu.memory_space<vmem_shared>>) target_semaphore(%run_scoped3A_102 : memref<!tpu.dma_semaphore, #tpu.memory_space<semaphore_mem>>)
      %dma_wait3A = arith.constant 0 : i32
      %dma_wait3A_106 = tpu.memref_slice %arg14[%mul3A_3, %dma_wait3A] : memref<5248x128xf32, #tpu.memory_space<vmem_shared>> -> memref<128x128xf32, #tpu.memory_space<vmem_shared>>
      %dma_wait3A_107 = arith.constant 0 : i32
      %dma_wait3A_108 = tpu.memref_slice %arg14[%mul3A_3, %dma_wait3A_107] : memref<5248x128xf32, #tpu.memory_space<vmem_shared>> -> memref<128x128xf32, #tpu.memory_space<vmem_shared>>
      tpu.wait_dma2 semaphore(%run_scoped3A_102 : memref<!tpu.dma_semaphore, #tpu.memory_space<semaphore_mem>>) src(%arg13 : memref<128x128xf32, #tpu.memory_space<vmem>>) dst(%dma_wait3A_108 : memref<128x128xf32, #tpu.memory_space<vmem_shared>>)
      tpu.yield
    }) : () -> ()
    %add3A_56 = arith.constant 128 : i32
    %add3A_57 = arith.addi %mul3A_3, %add3A_56 : i32
    "tpu.region"() ({
      %run_scoped3A_102 = tpu.sem_alloc : memref<!tpu.dma_semaphore, #tpu.memory_space<semaphore_mem>>
      %dma_start3A = arith.constant 0 : i32
      %dma_start3A_103 = tpu.memref_slice %arg14[%add3A_57, %dma_start3A] : memref<5248x128xf32, #tpu.memory_space<vmem_shared>> -> memref<128x128xf32, #tpu.memory_space<vmem_shared>>
      %dma_start3A_104 = arith.constant 0 : i32
      %dma_start3A_105 = tpu.memref_slice %arg14[%add3A_57, %dma_start3A_104] : memref<5248x128xf32, #tpu.memory_space<vmem_shared>> -> memref<128x128xf32, #tpu.memory_space<vmem_shared>>
      tpu.enqueue_dma source(%arg13 : memref<128x128xf32, #tpu.memory_space<vmem>>) target(%dma_start3A_105 : memref<128x128xf32, #tpu.memory_space<vmem_shared>>) target_semaphore(%run_scoped3A_102 : memref<!tpu.dma_semaphore, #tpu.memory_space<semaphore_mem>>)
      %dma_wait3A = arith.constant 0 : i32
      %dma_wait3A_106 = tpu.memref_slice %arg14[%add3A_57, %dma_wait3A] : memref<5248x128xf32, #tpu.memory_space<vmem_shared>> -> memref<128x128xf32, #tpu.memory_space<vmem_shared>>
      %dma_wait3A_107 = arith.constant 0 : i32
      %dma_wait3A_108 = tpu.memref_slice %arg14[%add3A_57, %dma_wait3A_107] : memref<5248x128xf32, #tpu.memory_space<vmem_shared>> -> memref<128x128xf32, #tpu.memory_space<vmem_shared>>
      tpu.wait_dma2 semaphore(%run_scoped3A_102 : memref<!tpu.dma_semaphore, #tpu.memory_space<semaphore_mem>>) src(%arg13 : memref<128x128xf32, #tpu.memory_space<vmem>>) dst(%dma_wait3A_108 : memref<128x128xf32, #tpu.memory_space<vmem_shared>>)
      tpu.yield
    }) : () -> ()
    %add3A_58 = arith.constant 256 : i32
    %add3A_59 = arith.addi %mul3A_3, %add3A_58 : i32
    "tpu.region"() ({
      %run_scoped3A_102 = tpu.sem_alloc : memref<!tpu.dma_semaphore, #tpu.memory_space<semaphore_mem>>
      %dma_start3A = arith.constant 0 : i32
      %dma_start3A_103 = arith.constant 0 : i32
      %dma_start3A_104 = tpu.memref_slice %arg13[%dma_start3A, %dma_start3A_103] : memref<128x128xf32, #tpu.memory_space<vmem>> -> memref<64x128xf32, #tpu.memory_space<vmem>>
      %dma_start3A_105 = arith.constant 0 : i32
      %dma_start3A_106 = tpu.memref_slice %arg14[%add3A_59, %dma_start3A_105] : memref<5248x128xf32, #tpu.memory_space<vmem_shared>> -> memref<64x128xf32, #tpu.memory_space<vmem_shared>>
      %dma_start3A_107 = arith.constant 0 : i32
      %dma_start3A_108 = tpu.memref_slice %arg14[%add3A_59, %dma_start3A_107] : memref<5248x128xf32, #tpu.memory_space<vmem_shared>> -> memref<64x128xf32, #tpu.memory_space<vmem_shared>>
      %dma_start3A_109 = arith.constant 0 : i32
      %dma_start3A_110 = arith.constant 0 : i32
      %dma_start3A_111 = tpu.memref_slice %arg13[%dma_start3A_109, %dma_start3A_110] : memref<128x128xf32, #tpu.memory_space<vmem>> -> memref<64x128xf32, #tpu.memory_space<vmem>>
      tpu.enqueue_dma source(%dma_start3A_111 : memref<64x128xf32, #tpu.memory_space<vmem>>) target(%dma_start3A_108 : memref<64x128xf32, #tpu.memory_space<vmem_shared>>) target_semaphore(%run_scoped3A_102 : memref<!tpu.dma_semaphore, #tpu.memory_space<semaphore_mem>>)
      %dma_wait3A = arith.constant 0 : i32
      %dma_wait3A_112 = arith.constant 0 : i32
      %dma_wait3A_113 = tpu.memref_slice %arg13[%dma_wait3A, %dma_wait3A_112] : memref<128x128xf32, #tpu.memory_space<vmem>> -> memref<64x128xf32, #tpu.memory_space<vmem>>
      %dma_wait3A_114 = arith.constant 0 : i32
      %dma_wait3A_115 = tpu.memref_slice %arg14[%add3A_59, %dma_wait3A_114] : memref<5248x128xf32, #tpu.memory_space<vmem_shared>> -> memref<64x128xf32, #tpu.memory_space<vmem_shared>>
      %dma_wait3A_116 = arith.constant 0 : i32
      %dma_wait3A_117 = tpu.memref_slice %arg14[%add3A_59, %dma_wait3A_116] : memref<5248x128xf32, #tpu.memory_space<vmem_shared>> -> memref<64x128xf32, #tpu.memory_space<vmem_shared>>
      %dma_wait3A_118 = arith.constant 0 : i32
      %dma_wait3A_119 = arith.constant 0 : i32
      %dma_wait3A_120 = tpu.memref_slice %arg13[%dma_wait3A_118, %dma_wait3A_119] : memref<128x128xf32, #tpu.memory_space<vmem>> -> memref<64x128xf32, #tpu.memory_space<vmem>>
      tpu.wait_dma2 semaphore(%run_scoped3A_102 : memref<!tpu.dma_semaphore, #tpu.memory_space<semaphore_mem>>) src(%dma_wait3A_120 : memref<64x128xf32, #tpu.memory_space<vmem>>) dst(%dma_wait3A_117 : memref<64x128xf32, #tpu.memory_space<vmem_shared>>)
      tpu.yield
    }) : () -> ()
    %eq3A_60 = arith.constant 0 : i32
    %eq3A_61 = arith.cmpi eq, %arg1, %eq3A_60 : i32
    %convert_element_type3A_62 = arith.extui %eq3A_61 : i1 to i32
    %cond3A_63 = arith.constant 0 : i32
    %cond3A_64 = arith.cmpi ne, %convert_element_type3A_62, %cond3A_63 : i32
    scf.if %cond3A_64 {
      "tpu.region"() ({
        %run_scoped3A_102 = tpu.sem_alloc : memref<!tpu.dma_semaphore, #tpu.memory_space<semaphore_mem>>
        %dma_start3A = arith.constant 5120 : i32
        %dma_start3A_103 = arith.constant 0 : i32
        %dma_start3A_104 = tpu.memref_slice %arg14[%dma_start3A, %dma_start3A_103] : memref<5248x128xf32, #tpu.memory_space<vmem_shared>> -> memref<128x128xf32, #tpu.memory_space<vmem_shared>>
        %dma_start3A_105 = arith.constant 5120 : i32
        %dma_start3A_106 = arith.constant 0 : i32
        %dma_start3A_107 = tpu.memref_slice %arg14[%dma_start3A_105, %dma_start3A_106] : memref<5248x128xf32, #tpu.memory_space<vmem_shared>> -> memref<128x128xf32, #tpu.memory_space<vmem_shared>>
        tpu.enqueue_dma source(%arg13 : memref<128x128xf32, #tpu.memory_space<vmem>>) target(%dma_start3A_107 : memref<128x128xf32, #tpu.memory_space<vmem_shared>>) target_semaphore(%run_scoped3A_102 : memref<!tpu.dma_semaphore, #tpu.memory_space<semaphore_mem>>)
        %dma_wait3A = arith.constant 5120 : i32
        %dma_wait3A_108 = arith.constant 0 : i32
        %dma_wait3A_109 = tpu.memref_slice %arg14[%dma_wait3A, %dma_wait3A_108] : memref<5248x128xf32, #tpu.memory_space<vmem_shared>> -> memref<128x128xf32, #tpu.memory_space<vmem_shared>>
        %dma_wait3A_110 = arith.constant 5120 : i32
        %dma_wait3A_111 = arith.constant 0 : i32
        %dma_wait3A_112 = tpu.memref_slice %arg14[%dma_wait3A_110, %dma_wait3A_111] : memref<5248x128xf32, #tpu.memory_space<vmem_shared>> -> memref<128x128xf32, #tpu.memory_space<vmem_shared>>
        tpu.wait_dma2 semaphore(%run_scoped3A_102 : memref<!tpu.dma_semaphore, #tpu.memory_space<semaphore_mem>>) src(%arg13 : memref<128x128xf32, #tpu.memory_space<vmem>>) dst(%dma_wait3A_112 : memref<128x128xf32, #tpu.memory_space<vmem_shared>>)
        tpu.yield
      }) : () -> ()
    } else {
    }
    %barrier3A_65 = arith.constant 0 : index
    tpu.barrier barrier_id(%barrier3A_65)
    %scan3A_66 = arith.constant 0 : i32
    %scan3A_67 = arith.constant 0 : i32
    %scan3A_68 = arith.constant 81 : i32
    %scan3A_69 = arith.addi %scan3A_67, %scan3A_68 : i32
    %scan3A_70 = arith.constant 1 : i32
    scf.for %scan3A_102 = %scan3A_67 to %scan3A_69 step %scan3A_70  : i32 {
      %dma_start3A = arith.constant 0 : i32
      %dma_start3A_103 = tpu.memref_slice %arg8[%scan3A_102, %dma_start3A] : memref<81x128xi32, #tpu.memory_space<vmem>> -> memref<1x128xi32, #tpu.memory_space<vmem>>
      %dma_start3A_104 = tpu.memref_squeeze %dma_start3A_103 : memref<1x128xi32, #tpu.memory_space<vmem>> -> memref<128xi32, #tpu.memory_space<vmem>>
      %dma_start3A_105 = arith.constant 0 : i32
      %dma_start3A_106 = arith.constant 0 : i32
      %dma_start3A_107 = tpu.memref_slice %arg5[%dma_start3A_105, %dma_start3A_106] : memref<10240x128xf32, #tpu.memory_space<hbm>> -> memref<10240x128xf32, #tpu.memory_space<hbm>>
      tpu.enqueue_indirect_dma source(%dma_start3A_107 : memref<10240x128xf32, #tpu.memory_space<hbm>>) target(%arg11 : memref<128x128xf32, #tpu.memory_space<vmem>>) offsets(%dma_start3A_104 : memref<128xi32, #tpu.memory_space<vmem>>) semaphore(%arg15 : memref<!tpu.dma_semaphore, #tpu.memory_space<semaphore_mem>>)
      %dma_start3A_108 = arith.constant 0 : i32
      %dma_start3A_109 = tpu.memref_slice %arg9[%scan3A_102, %dma_start3A_108] : memref<81x128xi32, #tpu.memory_space<vmem>> -> memref<1x128xi32, #tpu.memory_space<vmem>>
      %dma_start3A_110 = tpu.memref_squeeze %dma_start3A_109 : memref<1x128xi32, #tpu.memory_space<vmem>> -> memref<128xi32, #tpu.memory_space<vmem>>
      %dma_start3A_111 = arith.constant 0 : i32
      %dma_start3A_112 = arith.constant 0 : i32
      %dma_start3A_113 = tpu.memref_slice %arg6[%dma_start3A_111, %dma_start3A_112] : memref<10240x128xf32, #tpu.memory_space<hbm>> -> memref<10240x128xf32, #tpu.memory_space<hbm>>
      tpu.enqueue_indirect_dma source(%dma_start3A_113 : memref<10240x128xf32, #tpu.memory_space<hbm>>) target(%arg12 : memref<128x128xf32, #tpu.memory_space<vmem>>) offsets(%dma_start3A_110 : memref<128xi32, #tpu.memory_space<vmem>>) semaphore(%arg16 : memref<!tpu.dma_semaphore, #tpu.memory_space<semaphore_mem>>)
      %scan3A_114 = arith.constant 0 : i32
      %scan3A_115 = arith.constant 0 : i32
      %scan3A_116 = arith.constant 8 : i32
      %scan3A_117 = arith.addi %scan3A_115, %scan3A_116 : i32
      %scan3A_118 = arith.constant 1 : i32
      scf.for %scan3A_137 = %scan3A_115 to %scan3A_117 step %scan3A_118  : i32 {
        %mul3A_138 = arith.constant 16 : i32
        %mul3A_139 = arith.muli %scan3A_137, %mul3A_138 : i32
        %get3A = arith.index_cast %scan3A_102 : i32 to index
        %get3A_140 = arith.index_cast %mul3A_139 : i32 to index
        %get3A_141 = tpu.vector_load %arg9[%get3A, %get3A_140] {strides = array<i32>} : memref<81x128xi32, #tpu.memory_space<vmem>>, vector<1x16xi32>,
        %get3A_142 = vector.shape_cast %get3A_141 : vector<1x16xi32> to vector<16xi32>
        %sub3A = arith.constant 0 : i32
        %sub3A_143 = vector.broadcast %sub3A : i32 to vector<16xi32>
        %sub3A_144 = arith.subi %get3A_142, %sub3A_143 : vector<16xi32>
        %ge3A = arith.constant 0 : i32
        %ge3A_145 = vector.broadcast %ge3A : i32 to vector<16xi32>
        %ge3A_146 = arith.cmpi sge, %sub3A_144, %ge3A_145 : vector<16xi32>
        %lt3A = arith.constant 5120 : i32
        %lt3A_147 = vector.broadcast %lt3A : i32 to vector<16xi32>
        %lt3A_148 = arith.cmpi slt, %sub3A_144, %lt3A_147 : vector<16xi32>
        %and3A = arith.andi %ge3A_146, %lt3A_148 : vector<16xi1>
        %add3A_149 = arith.constant 5120 : i32
        %add3A_150 = vector.broadcast %add3A_149 : i32 to vector<16xi32>
        %add3A_151 = arith.addi %add3A_150, %iota3A : vector<16xi32>
        %select_n3A = arith.select %and3A, %sub3A_144, %add3A_151 : vector<16xi1>, vector<16xi32>
        %mul3A_152 = arith.constant 16 : i32
        %mul3A_153 = arith.muli %scan3A_137, %mul3A_152 : i32
        %swap3A = arith.index_cast %mul3A_153 : i32 to index
        %swap3A_154 = tpu.vector_load %arg10[%swap3A] {strides = array<i32>} : memref<128xi32, #tpu.memory_space<vmem>>, vector<16xi32>,
        %swap3A_155 = vector.shape_cast %swap3A_154 : vector<16xi32> to vector<16xi32>
        %swap3A_156 = vector.shape_cast %select_n3A : vector<16xi32> to vector<16xi32>
        tpu.vector_store %arg10[%swap3A], %swap3A_156 {strides = array<i32>} : memref<128xi32, #tpu.memory_space<vmem>>, vector<16xi32>,
      }
      %scan3A_119 = arith.constant 8 : i32
      %dma_wait3A = arith.constant 0 : i32
      %dma_wait3A_120 = tpu.memref_slice %arg8[%scan3A_102, %dma_wait3A] : memref<81x128xi32, #tpu.memory_space<vmem>> -> memref<1x128xi32, #tpu.memory_space<vmem>>
      %dma_wait3A_121 = tpu.memref_squeeze %dma_wait3A_120 : memref<1x128xi32, #tpu.memory_space<vmem>> -> memref<128xi32, #tpu.memory_space<vmem>>
      %dma_wait3A_122 = arith.constant 0 : i32
      %dma_wait3A_123 = arith.constant 0 : i32
      %dma_wait3A_124 = tpu.memref_slice %arg5[%dma_wait3A_122, %dma_wait3A_123] : memref<10240x128xf32, #tpu.memory_space<hbm>> -> memref<10240x128xf32, #tpu.memory_space<hbm>>
      tpu.wait_indirect_dma semaphore(%arg15 : memref<!tpu.dma_semaphore, #tpu.memory_space<semaphore_mem>>) src(%dma_wait3A_124 : memref<10240x128xf32, #tpu.memory_space<hbm>>) dst(%arg11 : memref<128x128xf32, #tpu.memory_space<vmem>>)
      %dma_wait3A_125 = arith.constant 0 : i32
      %dma_wait3A_126 = tpu.memref_slice %arg9[%scan3A_102, %dma_wait3A_125] : memref<81x128xi32, #tpu.memory_space<vmem>> -> memref<1x128xi32, #tpu.memory_space<vmem>>
      %dma_wait3A_127 = tpu.memref_squeeze %dma_wait3A_126 : memref<1x128xi32, #tpu.memory_space<vmem>> -> memref<128xi32, #tpu.memory_space<vmem>>
      %dma_wait3A_128 = arith.constant 0 : i32
      %dma_wait3A_129 = arith.constant 0 : i32
      %dma_wait3A_130 = tpu.memref_slice %arg6[%dma_wait3A_128, %dma_wait3A_129] : memref<10240x128xf32, #tpu.memory_space<hbm>> -> memref<10240x128xf32, #tpu.memory_space<hbm>>
      tpu.wait_indirect_dma semaphore(%arg16 : memref<!tpu.dma_semaphore, #tpu.memory_space<semaphore_mem>>) src(%dma_wait3A_130 : memref<10240x128xf32, #tpu.memory_space<hbm>>) dst(%arg12 : memref<128x128xf32, #tpu.memory_space<vmem>>)
      %scan3A_131 = arith.constant 0 : i32
      %scan3A_132 = arith.constant 0 : i32
      %scan3A_133 = arith.constant 128 : i32
      %scan3A_134 = arith.addi %scan3A_132, %scan3A_133 : i32
      %scan3A_135 = arith.constant 1 : i32
      scf.for %scan3A_137 = %scan3A_132 to %scan3A_134 step %scan3A_135  : i32 {
        %get3A = arith.index_cast %scan3A_137 : i32 to index
        %get3A_138 = arith.constant 0 : index
        %get3A_139 = tpu.vector_load %arg11[%get3A, %get3A_138] {strides = array<i32>} : memref<128x128xf32, #tpu.memory_space<vmem>>, vector<1x16xf32>,
        %get3A_140 = vector.shape_cast %get3A_139 : vector<1x16xf32> to vector<16xf32>
        %get3A_141 = arith.index_cast %scan3A_137 : i32 to index
        %get3A_142 = arith.constant 0 : index
        %get3A_143 = tpu.vector_load %arg12[%get3A_141, %get3A_142] {strides = array<i32>} : memref<128x128xf32, #tpu.memory_space<vmem>>, vector<1x16xf32>,
        %get3A_144 = vector.shape_cast %get3A_143 : vector<1x16xf32> to vector<16xf32>
        %add3A_145 = arith.addf %get3A_140, %get3A_144 : vector<16xf32>
        %ge3A = arith.constant 0.000000e+00 : f32
        %ge3A_146 = vector.broadcast %ge3A : f32 to vector<16xf32>
        %ge3A_147 = arith.cmpf oge, %add3A_145, %ge3A_146 : vector<16xf32>
        %mul3A_148 = arith.constant 2.000000e-01 : f32
        %mul3A_149 = vector.broadcast %mul3A_148 : f32 to vector<16xf32>
        %mul3A_150 = arith.mulf %add3A_145, %mul3A_149 : vector<16xf32>
        %select_n3A = arith.select %ge3A_147, %add3A_145, %mul3A_150 : vector<16xi1>, vector<16xf32>
        %min3A = arith.constant 6.000000e+01 : f32
        %min3A_151 = vector.broadcast %min3A : f32 to vector<16xf32>
        %min3A_152 = arith.minimumf %select_n3A, %min3A_151 : vector<16xf32>
        %lt3A = arith.constant 6 : i32
        %lt3A_153 = vector.broadcast %lt3A : i32 to vector<16xi32>
        %lt3A_154 = arith.cmpi slt, %iota3A, %lt3A_153 : vector<16xi32>
        %exp3A = math.exp %min3A_152 : vector<16xf32>
        %jit3A = arith.constant 0.000000e+00 : f32
        %broadcast_in_dim3A_155 = vector.broadcast %jit3A : f32 to vector<16xf32>
        %select_n3A_156 = arith.select %lt3A_154, %exp3A, %broadcast_in_dim3A_155 : vector<16xi1>, vector<16xf32>
        %swap3A = arith.index_cast %scan3A_137 : i32 to index
        %swap3A_157 = arith.constant 96 : index
        %swap3A_158 = tpu.vector_load %arg13[%swap3A, %swap3A_157] {strides = array<i32>} : memref<128x128xf32, #tpu.memory_space<vmem>>, vector<1x16xf32>,
        %swap3A_159 = vector.shape_cast %swap3A_158 : vector<1x16xf32> to vector<16xf32>
        %swap3A_160 = vector.shape_cast %select_n3A_156 : vector<16xf32> to vector<1x16xf32>
        tpu.vector_store %arg13[%swap3A, %swap3A_157], %swap3A_160 {strides = array<i32>} : memref<128x128xf32, #tpu.memory_space<vmem>>, vector<1x16xf32>,
        %broadcast_in_dim3A_161 = arith.constant 3 : i32
        %broadcast_in_dim3A_162 = vector.broadcast %broadcast_in_dim3A_161 : i32 to vector<16xi32>
        %broadcast_in_dim3A_163 = vector.shape_cast %broadcast_in_dim3A_162 : vector<16xi32> to vector<16x1xi32>
        %gather3A = vector.shape_cast %broadcast_in_dim3A_163 : vector<16x1xi32> to vector<16xi32>
        %gather3A_164 = tpu.dynamic_gather %select_n3A_156[%gather3A] in [0] : vector<16xf32>, vector<16xi32> -> vector<16xf32>
        %get3A_165 = arith.index_cast %scan3A_137 : i32 to index
        %get3A_166 = arith.constant 32 : index
        %get3A_167 = tpu.vector_load %arg11[%get3A_165, %get3A_166] {strides = array<i32>} : memref<128x128xf32, #tpu.memory_space<vmem>>, vector<1x16xf32>,
        %get3A_168 = vector.shape_cast %get3A_167 : vector<1x16xf32> to vector<16xf32>
        %mul3A_169 = arith.mulf %get3A_168, %gather3A_164 : vector<16xf32>
        %swap3A_170 = arith.index_cast %scan3A_137 : i32 to index
        %swap3A_171 = arith.constant 0 : index
        %swap3A_172 = tpu.vector_load %arg13[%swap3A_170, %swap3A_171] {strides = array<i32>} : memref<128x128xf32, #tpu.memory_space<vmem>>, vector<1x16xf32>,
        %swap3A_173 = vector.shape_cast %swap3A_172 : vector<1x16xf32> to vector<16xf32>
        %swap3A_174 = vector.shape_cast %mul3A_169 : vector<16xf32> to vector<1x16xf32>
        tpu.vector_store %arg13[%swap3A_170, %swap3A_171], %swap3A_174 {strides = array<i32>} : memref<128x128xf32, #tpu.memory_space<vmem>>, vector<1x16xf32>,
        %get3A_175 = arith.index_cast %scan3A_137 : i32 to index
        %get3A_176 = arith.constant 48 : index
        %get3A_177 = tpu.vector_load %arg11[%get3A_175, %get3A_176] {strides = array<i32>} : memref<128x128xf32, #tpu.memory_space<vmem>>, vector<1x16xf32>,
        %get3A_178 = vector.shape_cast %get3A_177 : vector<1x16xf32> to vector<16xf32>
        %mul3A_179 = arith.mulf %get3A_178, %gather3A_164 : vector<16xf32>
        %swap3A_180 = arith.index_cast %scan3A_137 : i32 to index
        %swap3A_181 = arith.constant 16 : index
        %swap3A_182 = tpu.vector_load %arg13[%swap3A_180, %swap3A_181] {strides = array<i32>} : memref<128x128xf32, #tpu.memory_space<vmem>>, vector<1x16xf32>,
        %swap3A_183 = vector.shape_cast %swap3A_182 : vector<1x16xf32> to vector<16xf32>
        %swap3A_184 = vector.shape_cast %mul3A_179 : vector<16xf32> to vector<1x16xf32>
        tpu.vector_store %arg13[%swap3A_180, %swap3A_181], %swap3A_184 {strides = array<i32>} : memref<128x128xf32, #tpu.memory_space<vmem>>, vector<1x16xf32>,
        %broadcast_in_dim3A_185 = arith.constant 4 : i32
        %broadcast_in_dim3A_186 = vector.broadcast %broadcast_in_dim3A_185 : i32 to vector<16xi32>
        %broadcast_in_dim3A_187 = vector.shape_cast %broadcast_in_dim3A_186 : vector<16xi32> to vector<16x1xi32>
        %gather3A_188 = vector.shape_cast %broadcast_in_dim3A_187 : vector<16x1xi32> to vector<16xi32>
        %gather3A_189 = tpu.dynamic_gather %select_n3A_156[%gather3A_188] in [0] : vector<16xf32>, vector<16xi32> -> vector<16xf32>
        %get3A_190 = arith.index_cast %scan3A_137 : i32 to index
        %get3A_191 = arith.constant 64 : index
        %get3A_192 = tpu.vector_load %arg11[%get3A_190, %get3A_191] {strides = array<i32>} : memref<128x128xf32, #tpu.memory_space<vmem>>, vector<1x16xf32>,
        %get3A_193 = vector.shape_cast %get3A_192 : vector<1x16xf32> to vector<16xf32>
        %mul3A_194 = arith.mulf %get3A_193, %gather3A_189 : vector<16xf32>
        %swap3A_195 = arith.index_cast %scan3A_137 : i32 to index
        %swap3A_196 = arith.constant 32 : index
        %swap3A_197 = tpu.vector_load %arg13[%swap3A_195, %swap3A_196] {strides = array<i32>} : memref<128x128xf32, #tpu.memory_space<vmem>>, vector<1x16xf32>,
        %swap3A_198 = vector.shape_cast %swap3A_197 : vector<1x16xf32> to vector<16xf32>
        %swap3A_199 = vector.shape_cast %mul3A_194 : vector<16xf32> to vector<1x16xf32>
        tpu.vector_store %arg13[%swap3A_195, %swap3A_196], %swap3A_199 {strides = array<i32>} : memref<128x128xf32, #tpu.memory_space<vmem>>, vector<1x16xf32>,
        %get3A_200 = arith.index_cast %scan3A_137 : i32 to index
        %get3A_201 = arith.constant 80 : index
        %get3A_202 = tpu.vector_load %arg11[%get3A_200, %get3A_201] {strides = array<i32>} : memref<128x128xf32, #tpu.memory_space<vmem>>, vector<1x16xf32>,
        %get3A_203 = vector.shape_cast %get3A_202 : vector<1x16xf32> to vector<16xf32>
        %mul3A_204 = arith.mulf %get3A_203, %gather3A_189 : vector<16xf32>
        %swap3A_205 = arith.index_cast %scan3A_137 : i32 to index
        %swap3A_206 = arith.constant 48 : index
        %swap3A_207 = tpu.vector_load %arg13[%swap3A_205, %swap3A_206] {strides = array<i32>} : memref<128x128xf32, #tpu.memory_space<vmem>>, vector<1x16xf32>,
        %swap3A_208 = vector.shape_cast %swap3A_207 : vector<1x16xf32> to vector<16xf32>
        %swap3A_209 = vector.shape_cast %mul3A_204 : vector<16xf32> to vector<1x16xf32>
        tpu.vector_store %arg13[%swap3A_205, %swap3A_206], %swap3A_209 {strides = array<i32>} : memref<128x128xf32, #tpu.memory_space<vmem>>, vector<1x16xf32>,
        %broadcast_in_dim3A_210 = arith.constant 5 : i32
        %broadcast_in_dim3A_211 = vector.broadcast %broadcast_in_dim3A_210 : i32 to vector<16xi32>
        %broadcast_in_dim3A_212 = vector.shape_cast %broadcast_in_dim3A_211 : vector<16xi32> to vector<16x1xi32>
        %gather3A_213 = vector.shape_cast %broadcast_in_dim3A_212 : vector<16x1xi32> to vector<16xi32>
        %gather3A_214 = tpu.dynamic_gather %select_n3A_156[%gather3A_213] in [0] : vector<16xf32>, vector<16xi32> -> vector<16xf32>
        %get3A_215 = arith.index_cast %scan3A_137 : i32 to index
        %get3A_216 = arith.constant 96 : index
        %get3A_217 = tpu.vector_load %arg11[%get3A_215, %get3A_216] {strides = array<i32>} : memref<128x128xf32, #tpu.memory_space<vmem>>, vector<1x16xf32>,
        %get3A_218 = vector.shape_cast %get3A_217 : vector<1x16xf32> to vector<16xf32>
        %mul3A_219 = arith.mulf %get3A_218, %gather3A_214 : vector<16xf32>
        %swap3A_220 = arith.index_cast %scan3A_137 : i32 to index
        %swap3A_221 = arith.constant 64 : index
        %swap3A_222 = tpu.vector_load %arg13[%swap3A_220, %swap3A_221] {strides = array<i32>} : memref<128x128xf32, #tpu.memory_space<vmem>>, vector<1x16xf32>,
        %swap3A_223 = vector.shape_cast %swap3A_222 : vector<1x16xf32> to vector<16xf32>
        %swap3A_224 = vector.shape_cast %mul3A_219 : vector<16xf32> to vector<1x16xf32>
        tpu.vector_store %arg13[%swap3A_220, %swap3A_221], %swap3A_224 {strides = array<i32>} : memref<128x128xf32, #tpu.memory_space<vmem>>, vector<1x16xf32>,
        %get3A_225 = arith.index_cast %scan3A_137 : i32 to index
        %get3A_226 = arith.constant 112 : index
        %get3A_227 = tpu.vector_load %arg11[%get3A_225, %get3A_226] {strides = array<i32>} : memref<128x128xf32, #tpu.memory_space<vmem>>, vector<1x16xf32>,
        %get3A_228 = vector.shape_cast %get3A_227 : vector<1x16xf32> to vector<16xf32>
        %mul3A_229 = arith.mulf %get3A_228, %gather3A_214 : vector<16xf32>
        %swap3A_230 = arith.index_cast %scan3A_137 : i32 to index
        %swap3A_231 = arith.constant 80 : index
        %swap3A_232 = tpu.vector_load %arg13[%swap3A_230, %swap3A_231] {strides = array<i32>} : memref<128x128xf32, #tpu.memory_space<vmem>>, vector<1x16xf32>,
        %swap3A_233 = vector.shape_cast %swap3A_232 : vector<1x16xf32> to vector<16xf32>
        %swap3A_234 = vector.shape_cast %mul3A_229 : vector<16xf32> to vector<1x16xf32>
        tpu.vector_store %arg13[%swap3A_230, %swap3A_231], %swap3A_234 {strides = array<i32>} : memref<128x128xf32, #tpu.memory_space<vmem>>, vector<1x16xf32>,
      }
      %scan3A_136 = arith.constant 128 : i32
      "tpu.region"() ({
        %run_scoped3A_137 = tpu.sem_alloc : memref<!tpu.dma_semaphore, #tpu.memory_space<semaphore_mem>>
        %dma_start3A_138 = arith.constant 0 : i32
        %dma_start3A_139 = arith.constant 0 : i32
        %dma_start3A_140 = tpu.memref_slice %arg14[%dma_start3A_138, %dma_start3A_139] : memref<5248x128xf32, #tpu.memory_space<vmem_shared>> -> memref<5248x128xf32, #tpu.memory_space<vmem_shared>>
        tpu.enqueue_indirect_dma source(%arg13 : memref<128x128xf32, #tpu.memory_space<vmem>>) target(%dma_start3A_140 : memref<5248x128xf32, #tpu.memory_space<vmem_shared>>) offsets(%arg10 : memref<128xi32, #tpu.memory_space<vmem>>) semaphore(%run_scoped3A_137 : memref<!tpu.dma_semaphore, #tpu.memory_space<semaphore_mem>>) {add = true}
        %dma_wait3A_141 = arith.constant 0 : i32
        %dma_wait3A_142 = arith.constant 0 : i32
        %dma_wait3A_143 = tpu.memref_slice %arg14[%dma_wait3A_141, %dma_wait3A_142] : memref<5248x128xf32, #tpu.memory_space<vmem_shared>> -> memref<5248x128xf32, #tpu.memory_space<vmem_shared>>
        tpu.wait_indirect_dma semaphore(%run_scoped3A_137 : memref<!tpu.dma_semaphore, #tpu.memory_space<semaphore_mem>>) src(%arg13 : memref<128x128xf32, #tpu.memory_space<vmem>>) dst(%dma_wait3A_143 : memref<5248x128xf32, #tpu.memory_space<vmem_shared>>)
        tpu.yield
      }) : () -> ()
    }
    %scan3A_71 = arith.constant 81 : i32
    %barrier3A_72 = arith.constant 0 : index
    tpu.barrier barrier_id(%barrier3A_72)
    %run_scoped3A_73 = arith.constant 1 : i32
    %run_scoped3A_74 = arith.constant 0 : i32
    "tpu.region"() ({
      %run_scoped3A_102 = tpu.sem_alloc : memref<!tpu.dma_semaphore, #tpu.memory_space<semaphore_mem>>
      %dma_start3A = arith.constant 0 : i32
      %dma_start3A_103 = tpu.memref_slice %arg7[%run_scoped3A_73, %run_scoped3A_74, %arg0, %mul3A_3, %dma_start3A] : memref<2x2x2x5120x128xf32, #tpu.memory_space<hbm>> -> memref<1x1x1x320x128xf32, #tpu.memory_space<hbm>>
      %dma_start3A_104 = tpu.memref_squeeze %dma_start3A_103 : memref<1x1x1x320x128xf32, #tpu.memory_space<hbm>> -> memref<320x128xf32, #tpu.memory_space<hbm>>
      %dma_start3A_105 = arith.constant 0 : i32
      %dma_start3A_106 = tpu.memref_slice %arg14[%mul3A_3, %dma_start3A_105] : memref<5248x128xf32, #tpu.memory_space<vmem_shared>> -> memref<320x128xf32, #tpu.memory_space<vmem_shared>>
      tpu.enqueue_dma source(%dma_start3A_106 : memref<320x128xf32, #tpu.memory_space<vmem_shared>>) target(%dma_start3A_104 : memref<320x128xf32, #tpu.memory_space<hbm>>) target_semaphore(%run_scoped3A_102 : memref<!tpu.dma_semaphore, #tpu.memory_space<semaphore_mem>>)
      %dma_wait3A = arith.constant 0 : i32
      %dma_wait3A_107 = tpu.memref_slice %arg7[%run_scoped3A_73, %run_scoped3A_74, %arg0, %mul3A_3, %dma_wait3A] : memref<2x2x2x5120x128xf32, #tpu.memory_space<hbm>> -> memref<1x1x1x320x128xf32, #tpu.memory_space<hbm>>
      %dma_wait3A_108 = tpu.memref_squeeze %dma_wait3A_107 : memref<1x1x1x320x128xf32, #tpu.memory_space<hbm>> -> memref<320x128xf32, #tpu.memory_space<hbm>>
      %dma_wait3A_109 = arith.constant 0 : i32
      %dma_wait3A_110 = tpu.memref_slice %arg14[%mul3A_3, %dma_wait3A_109] : memref<5248x128xf32, #tpu.memory_space<vmem_shared>> -> memref<320x128xf32, #tpu.memory_space<vmem_shared>>
      tpu.wait_dma2 semaphore(%run_scoped3A_102 : memref<!tpu.dma_semaphore, #tpu.memory_space<semaphore_mem>>) src(%dma_wait3A_110 : memref<320x128xf32, #tpu.memory_space<vmem_shared>>) dst(%dma_wait3A_108 : memref<320x128xf32, #tpu.memory_space<hbm>>)
      tpu.yield
    }) : () -> ()
    %barrier3A_75 = arith.constant 0 : index
    tpu.barrier barrier_id(%barrier3A_75)
    %scan3A_76 = arith.constant 0 : i32
    %scan3A_77 = arith.constant 0 : i32
    %scan3A_78 = arith.constant 128 : i32
    %scan3A_79 = arith.addi %scan3A_77, %scan3A_78 : i32
    %scan3A_80 = arith.constant 1 : i32
    scf.for %scan3A_102 = %scan3A_77 to %scan3A_79 step %scan3A_80  : i32 {
      %scan3A_103 = arith.constant 0 : i32
      %scan3A_104 = arith.constant 8 : i32
      %scan3A_105 = arith.addi %scan3A_103, %scan3A_104 : i32
      %scan3A_106 = arith.constant 1 : i32
      scf.for %scan3A_108 = %scan3A_103 to %scan3A_105 step %scan3A_106  : i32 {
        %mul3A_109 = arith.constant 16 : i32
        %mul3A_110 = arith.muli %scan3A_108, %mul3A_109 : i32
        %swap3A = arith.index_cast %scan3A_102 : i32 to index
        %swap3A_111 = arith.index_cast %mul3A_110 : i32 to index
        %swap3A_112 = tpu.vector_load %arg13[%swap3A, %swap3A_111] {strides = array<i32>} : memref<128x128xf32, #tpu.memory_space<vmem>>, vector<1x16xf32>,
        %swap3A_113 = vector.shape_cast %swap3A_112 : vector<1x16xf32> to vector<16xf32>
        %swap3A_114 = vector.shape_cast %broadcast_in_dim3A_1 : vector<16xf32> to vector<1x16xf32>
        tpu.vector_store %arg13[%swap3A, %swap3A_111], %swap3A_114 {strides = array<i32>} : memref<128x128xf32, #tpu.memory_space<vmem>>, vector<1x16xf32>,
      }
      %scan3A_107 = arith.constant 8 : i32
    }
    %scan3A_81 = arith.constant 128 : i32
    "tpu.region"() ({
      %run_scoped3A_102 = tpu.sem_alloc : memref<!tpu.dma_semaphore, #tpu.memory_space<semaphore_mem>>
      %dma_start3A = arith.constant 0 : i32
      %dma_start3A_103 = tpu.memref_slice %arg14[%mul3A_3, %dma_start3A] : memref<5248x128xf32, #tpu.memory_space<vmem_shared>> -> memref<128x128xf32, #tpu.memory_space<vmem_shared>>
      %dma_start3A_104 = arith.constant 0 : i32
      %dma_start3A_105 = tpu.memref_slice %arg14[%mul3A_3, %dma_start3A_104] : memref<5248x128xf32, #tpu.memory_space<vmem_shared>> -> memref<128x128xf32, #tpu.memory_space<vmem_shared>>
      tpu.enqueue_dma source(%arg13 : memref<128x128xf32, #tpu.memory_space<vmem>>) target(%dma_start3A_105 : memref<128x128xf32, #tpu.memory_space<vmem_shared>>) target_semaphore(%run_scoped3A_102 : memref<!tpu.dma_semaphore, #tpu.memory_space<semaphore_mem>>)
      %dma_wait3A = arith.constant 0 : i32
      %dma_wait3A_106 = tpu.memref_slice %arg14[%mul3A_3, %dma_wait3A] : memref<5248x128xf32, #tpu.memory_space<vmem_shared>> -> memref<128x128xf32, #tpu.memory_space<vmem_shared>>
      %dma_wait3A_107 = arith.constant 0 : i32
      %dma_wait3A_108 = tpu.memref_slice %arg14[%mul3A_3, %dma_wait3A_107] : memref<5248x128xf32, #tpu.memory_space<vmem_shared>> -> memref<128x128xf32, #tpu.memory_space<vmem_shared>>
      tpu.wait_dma2 semaphore(%run_scoped3A_102 : memref<!tpu.dma_semaphore, #tpu.memory_space<semaphore_mem>>) src(%arg13 : memref<128x128xf32, #tpu.memory_space<vmem>>) dst(%dma_wait3A_108 : memref<128x128xf32, #tpu.memory_space<vmem_shared>>)
      tpu.yield
    }) : () -> ()
    %add3A_82 = arith.constant 128 : i32
    %add3A_83 = arith.addi %mul3A_3, %add3A_82 : i32
    "tpu.region"() ({
      %run_scoped3A_102 = tpu.sem_alloc : memref<!tpu.dma_semaphore, #tpu.memory_space<semaphore_mem>>
      %dma_start3A = arith.constant 0 : i32
      %dma_start3A_103 = tpu.memref_slice %arg14[%add3A_83, %dma_start3A] : memref<5248x128xf32, #tpu.memory_space<vmem_shared>> -> memref<128x128xf32, #tpu.memory_space<vmem_shared>>
      %dma_start3A_104 = arith.constant 0 : i32
      %dma_start3A_105 = tpu.memref_slice %arg14[%add3A_83, %dma_start3A_104] : memref<5248x128xf32, #tpu.memory_space<vmem_shared>> -> memref<128x128xf32, #tpu.memory_space<vmem_shared>>
      tpu.enqueue_dma source(%arg13 : memref<128x128xf32, #tpu.memory_space<vmem>>) target(%dma_start3A_105 : memref<128x128xf32, #tpu.memory_space<vmem_shared>>) target_semaphore(%run_scoped3A_102 : memref<!tpu.dma_semaphore, #tpu.memory_space<semaphore_mem>>)
      %dma_wait3A = arith.constant 0 : i32
      %dma_wait3A_106 = tpu.memref_slice %arg14[%add3A_83, %dma_wait3A] : memref<5248x128xf32, #tpu.memory_space<vmem_shared>> -> memref<128x128xf32, #tpu.memory_space<vmem_shared>>
      %dma_wait3A_107 = arith.constant 0 : i32
      %dma_wait3A_108 = tpu.memref_slice %arg14[%add3A_83, %dma_wait3A_107] : memref<5248x128xf32, #tpu.memory_space<vmem_shared>> -> memref<128x128xf32, #tpu.memory_space<vmem_shared>>
      tpu.wait_dma2 semaphore(%run_scoped3A_102 : memref<!tpu.dma_semaphore, #tpu.memory_space<semaphore_mem>>) src(%arg13 : memref<128x128xf32, #tpu.memory_space<vmem>>) dst(%dma_wait3A_108 : memref<128x128xf32, #tpu.memory_space<vmem_shared>>)
      tpu.yield
    }) : () -> ()
    %add3A_84 = arith.constant 256 : i32
    %add3A_85 = arith.addi %mul3A_3, %add3A_84 : i32
    "tpu.region"() ({
      %run_scoped3A_102 = tpu.sem_alloc : memref<!tpu.dma_semaphore, #tpu.memory_space<semaphore_mem>>
      %dma_start3A = arith.constant 0 : i32
      %dma_start3A_103 = arith.constant 0 : i32
      %dma_start3A_104 = tpu.memref_slice %arg13[%dma_start3A, %dma_start3A_103] : memref<128x128xf32, #tpu.memory_space<vmem>> -> memref<64x128xf32, #tpu.memory_space<vmem>>
      %dma_start3A_105 = arith.constant 0 : i32
      %dma_start3A_106 = tpu.memref_slice %arg14[%add3A_85, %dma_start3A_105] : memref<5248x128xf32, #tpu.memory_space<vmem_shared>> -> memref<64x128xf32, #tpu.memory_space<vmem_shared>>
      %dma_start3A_107 = arith.constant 0 : i32
      %dma_start3A_108 = tpu.memref_slice %arg14[%add3A_85, %dma_start3A_107] : memref<5248x128xf32, #tpu.memory_space<vmem_shared>> -> memref<64x128xf32, #tpu.memory_space<vmem_shared>>
      %dma_start3A_109 = arith.constant 0 : i32
      %dma_start3A_110 = arith.constant 0 : i32
      %dma_start3A_111 = tpu.memref_slice %arg13[%dma_start3A_109, %dma_start3A_110] : memref<128x128xf32, #tpu.memory_space<vmem>> -> memref<64x128xf32, #tpu.memory_space<vmem>>
      tpu.enqueue_dma source(%dma_start3A_111 : memref<64x128xf32, #tpu.memory_space<vmem>>) target(%dma_start3A_108 : memref<64x128xf32, #tpu.memory_space<vmem_shared>>) target_semaphore(%run_scoped3A_102 : memref<!tpu.dma_semaphore, #tpu.memory_space<semaphore_mem>>)
      %dma_wait3A = arith.constant 0 : i32
      %dma_wait3A_112 = arith.constant 0 : i32
      %dma_wait3A_113 = tpu.memref_slice %arg13[%dma_wait3A, %dma_wait3A_112] : memref<128x128xf32, #tpu.memory_space<vmem>> -> memref<64x128xf32, #tpu.memory_space<vmem>>
      %dma_wait3A_114 = arith.constant 0 : i32
      %dma_wait3A_115 = tpu.memref_slice %arg14[%add3A_85, %dma_wait3A_114] : memref<5248x128xf32, #tpu.memory_space<vmem_shared>> -> memref<64x128xf32, #tpu.memory_space<vmem_shared>>
      %dma_wait3A_116 = arith.constant 0 : i32
      %dma_wait3A_117 = tpu.memref_slice %arg14[%add3A_85, %dma_wait3A_116] : memref<5248x128xf32, #tpu.memory_space<vmem_shared>> -> memref<64x128xf32, #tpu.memory_space<vmem_shared>>
      %dma_wait3A_118 = arith.constant 0 : i32
      %dma_wait3A_119 = arith.constant 0 : i32
      %dma_wait3A_120 = tpu.memref_slice %arg13[%dma_wait3A_118, %dma_wait3A_119] : memref<128x128xf32, #tpu.memory_space<vmem>> -> memref<64x128xf32, #tpu.memory_space<vmem>>
      tpu.wait_dma2 semaphore(%run_scoped3A_102 : memref<!tpu.dma_semaphore, #tpu.memory_space<semaphore_mem>>) src(%dma_wait3A_120 : memref<64x128xf32, #tpu.memory_space<vmem>>) dst(%dma_wait3A_117 : memref<64x128xf32, #tpu.memory_space<vmem_shared>>)
      tpu.yield
    }) : () -> ()
    %eq3A_86 = arith.constant 0 : i32
    %eq3A_87 = arith.cmpi eq, %arg1, %eq3A_86 : i32
    %convert_element_type3A_88 = arith.extui %eq3A_87 : i1 to i32
    %cond3A_89 = arith.constant 0 : i32
    %cond3A_90 = arith.cmpi ne, %convert_element_type3A_88, %cond3A_89 : i32
    scf.if %cond3A_90 {
      "tpu.region"() ({
        %run_scoped3A_102 = tpu.sem_alloc : memref<!tpu.dma_semaphore, #tpu.memory_space<semaphore_mem>>
        %dma_start3A = arith.constant 5120 : i32
        %dma_start3A_103 = arith.constant 0 : i32
        %dma_start3A_104 = tpu.memref_slice %arg14[%dma_start3A, %dma_start3A_103] : memref<5248x128xf32, #tpu.memory_space<vmem_shared>> -> memref<128x128xf32, #tpu.memory_space<vmem_shared>>
        %dma_start3A_105 = arith.constant 5120 : i32
        %dma_start3A_106 = arith.constant 0 : i32
        %dma_start3A_107 = tpu.memref_slice %arg14[%dma_start3A_105, %dma_start3A_106] : memref<5248x128xf32, #tpu.memory_space<vmem_shared>> -> memref<128x128xf32, #tpu.memory_space<vmem_shared>>
        tpu.enqueue_dma source(%arg13 : memref<128x128xf32, #tpu.memory_space<vmem>>) target(%dma_start3A_107 : memref<128x128xf32, #tpu.memory_space<vmem_shared>>) target_semaphore(%run_scoped3A_102 : memref<!tpu.dma_semaphore, #tpu.memory_space<semaphore_mem>>)
        %dma_wait3A = arith.constant 5120 : i32
        %dma_wait3A_108 = arith.constant 0 : i32
        %dma_wait3A_109 = tpu.memref_slice %arg14[%dma_wait3A, %dma_wait3A_108] : memref<5248x128xf32, #tpu.memory_space<vmem_shared>> -> memref<128x128xf32, #tpu.memory_space<vmem_shared>>
        %dma_wait3A_110 = arith.constant 5120 : i32
        %dma_wait3A_111 = arith.constant 0 : i32
        %dma_wait3A_112 = tpu.memref_slice %arg14[%dma_wait3A_110, %dma_wait3A_111] : memref<5248x128xf32, #tpu.memory_space<vmem_shared>> -> memref<128x128xf32, #tpu.memory_space<vmem_shared>>
        tpu.wait_dma2 semaphore(%run_scoped3A_102 : memref<!tpu.dma_semaphore, #tpu.memory_space<semaphore_mem>>) src(%arg13 : memref<128x128xf32, #tpu.memory_space<vmem>>) dst(%dma_wait3A_112 : memref<128x128xf32, #tpu.memory_space<vmem_shared>>)
        tpu.yield
      }) : () -> ()
    } else {
    }
    %barrier3A_91 = arith.constant 0 : index
    tpu.barrier barrier_id(%barrier3A_91)
    %scan3A_92 = arith.constant 0 : i32
    %scan3A_93 = arith.constant 0 : i32
    %scan3A_94 = arith.constant 81 : i32
    %scan3A_95 = arith.addi %scan3A_93, %scan3A_94 : i32
    %scan3A_96 = arith.constant 1 : i32
    scf.for %scan3A_102 = %scan3A_93 to %scan3A_95 step %scan3A_96  : i32 {
      %dma_start3A = arith.constant 0 : i32
      %dma_start3A_103 = tpu.memref_slice %arg8[%scan3A_102, %dma_start3A] : memref<81x128xi32, #tpu.memory_space<vmem>> -> memref<1x128xi32, #tpu.memory_space<vmem>>
      %dma_start3A_104 = tpu.memref_squeeze %dma_start3A_103 : memref<1x128xi32, #tpu.memory_space<vmem>> -> memref<128xi32, #tpu.memory_space<vmem>>
      %dma_start3A_105 = arith.constant 0 : i32
      %dma_start3A_106 = arith.constant 0 : i32
      %dma_start3A_107 = tpu.memref_slice %arg5[%dma_start3A_105, %dma_start3A_106] : memref<10240x128xf32, #tpu.memory_space<hbm>> -> memref<10240x128xf32, #tpu.memory_space<hbm>>
      tpu.enqueue_indirect_dma source(%dma_start3A_107 : memref<10240x128xf32, #tpu.memory_space<hbm>>) target(%arg11 : memref<128x128xf32, #tpu.memory_space<vmem>>) offsets(%dma_start3A_104 : memref<128xi32, #tpu.memory_space<vmem>>) semaphore(%arg15 : memref<!tpu.dma_semaphore, #tpu.memory_space<semaphore_mem>>)
      %dma_start3A_108 = arith.constant 0 : i32
      %dma_start3A_109 = tpu.memref_slice %arg9[%scan3A_102, %dma_start3A_108] : memref<81x128xi32, #tpu.memory_space<vmem>> -> memref<1x128xi32, #tpu.memory_space<vmem>>
      %dma_start3A_110 = tpu.memref_squeeze %dma_start3A_109 : memref<1x128xi32, #tpu.memory_space<vmem>> -> memref<128xi32, #tpu.memory_space<vmem>>
      %dma_start3A_111 = arith.constant 0 : i32
      %dma_start3A_112 = arith.constant 0 : i32
      %dma_start3A_113 = tpu.memref_slice %arg6[%dma_start3A_111, %dma_start3A_112] : memref<10240x128xf32, #tpu.memory_space<hbm>> -> memref<10240x128xf32, #tpu.memory_space<hbm>>
      tpu.enqueue_indirect_dma source(%dma_start3A_113 : memref<10240x128xf32, #tpu.memory_space<hbm>>) target(%arg12 : memref<128x128xf32, #tpu.memory_space<vmem>>) offsets(%dma_start3A_110 : memref<128xi32, #tpu.memory_space<vmem>>) semaphore(%arg16 : memref<!tpu.dma_semaphore, #tpu.memory_space<semaphore_mem>>)
      %scan3A_114 = arith.constant 0 : i32
      %scan3A_115 = arith.constant 0 : i32
      %scan3A_116 = arith.constant 8 : i32
      %scan3A_117 = arith.addi %scan3A_115, %scan3A_116 : i32
      %scan3A_118 = arith.constant 1 : i32
      scf.for %scan3A_137 = %scan3A_115 to %scan3A_117 step %scan3A_118  : i32 {
        %mul3A_138 = arith.constant 16 : i32
        %mul3A_139 = arith.muli %scan3A_137, %mul3A_138 : i32
        %get3A = arith.index_cast %scan3A_102 : i32 to index
        %get3A_140 = arith.index_cast %mul3A_139 : i32 to index
        %get3A_141 = tpu.vector_load %arg9[%get3A, %get3A_140] {strides = array<i32>} : memref<81x128xi32, #tpu.memory_space<vmem>>, vector<1x16xi32>,
        %get3A_142 = vector.shape_cast %get3A_141 : vector<1x16xi32> to vector<16xi32>
        %sub3A = arith.constant 5120 : i32
        %sub3A_143 = vector.broadcast %sub3A : i32 to vector<16xi32>
        %sub3A_144 = arith.subi %get3A_142, %sub3A_143 : vector<16xi32>
        %ge3A = arith.constant 0 : i32
        %ge3A_145 = vector.broadcast %ge3A : i32 to vector<16xi32>
        %ge3A_146 = arith.cmpi sge, %sub3A_144, %ge3A_145 : vector<16xi32>
        %lt3A = arith.constant 5120 : i32
        %lt3A_147 = vector.broadcast %lt3A : i32 to vector<16xi32>
        %lt3A_148 = arith.cmpi slt, %sub3A_144, %lt3A_147 : vector<16xi32>
        %and3A = arith.andi %ge3A_146, %lt3A_148 : vector<16xi1>
        %add3A_149 = arith.constant 5120 : i32
        %add3A_150 = vector.broadcast %add3A_149 : i32 to vector<16xi32>
        %add3A_151 = arith.addi %add3A_150, %iota3A : vector<16xi32>
        %select_n3A = arith.select %and3A, %sub3A_144, %add3A_151 : vector<16xi1>, vector<16xi32>
        %mul3A_152 = arith.constant 16 : i32
        %mul3A_153 = arith.muli %scan3A_137, %mul3A_152 : i32
        %swap3A = arith.index_cast %mul3A_153 : i32 to index
        %swap3A_154 = tpu.vector_load %arg10[%swap3A] {strides = array<i32>} : memref<128xi32, #tpu.memory_space<vmem>>, vector<16xi32>,
        %swap3A_155 = vector.shape_cast %swap3A_154 : vector<16xi32> to vector<16xi32>
        %swap3A_156 = vector.shape_cast %select_n3A : vector<16xi32> to vector<16xi32>
        tpu.vector_store %arg10[%swap3A], %swap3A_156 {strides = array<i32>} : memref<128xi32, #tpu.memory_space<vmem>>, vector<16xi32>,
      }
      %scan3A_119 = arith.constant 8 : i32
      %dma_wait3A = arith.constant 0 : i32
      %dma_wait3A_120 = tpu.memref_slice %arg8[%scan3A_102, %dma_wait3A] : memref<81x128xi32, #tpu.memory_space<vmem>> -> memref<1x128xi32, #tpu.memory_space<vmem>>
      %dma_wait3A_121 = tpu.memref_squeeze %dma_wait3A_120 : memref<1x128xi32, #tpu.memory_space<vmem>> -> memref<128xi32, #tpu.memory_space<vmem>>
      %dma_wait3A_122 = arith.constant 0 : i32
      %dma_wait3A_123 = arith.constant 0 : i32
      %dma_wait3A_124 = tpu.memref_slice %arg5[%dma_wait3A_122, %dma_wait3A_123] : memref<10240x128xf32, #tpu.memory_space<hbm>> -> memref<10240x128xf32, #tpu.memory_space<hbm>>
      tpu.wait_indirect_dma semaphore(%arg15 : memref<!tpu.dma_semaphore, #tpu.memory_space<semaphore_mem>>) src(%dma_wait3A_124 : memref<10240x128xf32, #tpu.memory_space<hbm>>) dst(%arg11 : memref<128x128xf32, #tpu.memory_space<vmem>>)
      %dma_wait3A_125 = arith.constant 0 : i32
      %dma_wait3A_126 = tpu.memref_slice %arg9[%scan3A_102, %dma_wait3A_125] : memref<81x128xi32, #tpu.memory_space<vmem>> -> memref<1x128xi32, #tpu.memory_space<vmem>>
      %dma_wait3A_127 = tpu.memref_squeeze %dma_wait3A_126 : memref<1x128xi32, #tpu.memory_space<vmem>> -> memref<128xi32, #tpu.memory_space<vmem>>
      %dma_wait3A_128 = arith.constant 0 : i32
      %dma_wait3A_129 = arith.constant 0 : i32
      %dma_wait3A_130 = tpu.memref_slice %arg6[%dma_wait3A_128, %dma_wait3A_129] : memref<10240x128xf32, #tpu.memory_space<hbm>> -> memref<10240x128xf32, #tpu.memory_space<hbm>>
      tpu.wait_indirect_dma semaphore(%arg16 : memref<!tpu.dma_semaphore, #tpu.memory_space<semaphore_mem>>) src(%dma_wait3A_130 : memref<10240x128xf32, #tpu.memory_space<hbm>>) dst(%arg12 : memref<128x128xf32, #tpu.memory_space<vmem>>)
      %scan3A_131 = arith.constant 0 : i32
      %scan3A_132 = arith.constant 0 : i32
      %scan3A_133 = arith.constant 128 : i32
      %scan3A_134 = arith.addi %scan3A_132, %scan3A_133 : i32
      %scan3A_135 = arith.constant 1 : i32
      scf.for %scan3A_137 = %scan3A_132 to %scan3A_134 step %scan3A_135  : i32 {
        %get3A = arith.index_cast %scan3A_137 : i32 to index
        %get3A_138 = arith.constant 0 : index
        %get3A_139 = tpu.vector_load %arg11[%get3A, %get3A_138] {strides = array<i32>} : memref<128x128xf32, #tpu.memory_space<vmem>>, vector<1x16xf32>,
        %get3A_140 = vector.shape_cast %get3A_139 : vector<1x16xf32> to vector<16xf32>
        %get3A_141 = arith.index_cast %scan3A_137 : i32 to index
        %get3A_142 = arith.constant 0 : index
        %get3A_143 = tpu.vector_load %arg12[%get3A_141, %get3A_142] {strides = array<i32>} : memref<128x128xf32, #tpu.memory_space<vmem>>, vector<1x16xf32>,
        %get3A_144 = vector.shape_cast %get3A_143 : vector<1x16xf32> to vector<16xf32>
        %add3A_145 = arith.addf %get3A_140, %get3A_144 : vector<16xf32>
        %ge3A = arith.constant 0.000000e+00 : f32
        %ge3A_146 = vector.broadcast %ge3A : f32 to vector<16xf32>
        %ge3A_147 = arith.cmpf oge, %add3A_145, %ge3A_146 : vector<16xf32>
        %mul3A_148 = arith.constant 2.000000e-01 : f32
        %mul3A_149 = vector.broadcast %mul3A_148 : f32 to vector<16xf32>
        %mul3A_150 = arith.mulf %add3A_145, %mul3A_149 : vector<16xf32>
        %select_n3A = arith.select %ge3A_147, %add3A_145, %mul3A_150 : vector<16xi1>, vector<16xf32>
        %min3A = arith.constant 6.000000e+01 : f32
        %min3A_151 = vector.broadcast %min3A : f32 to vector<16xf32>
        %min3A_152 = arith.minimumf %select_n3A, %min3A_151 : vector<16xf32>
        %lt3A = arith.constant 6 : i32
        %lt3A_153 = vector.broadcast %lt3A : i32 to vector<16xi32>
        %lt3A_154 = arith.cmpi slt, %iota3A, %lt3A_153 : vector<16xi32>
        %exp3A = math.exp %min3A_152 : vector<16xf32>
        %jit3A = arith.constant 0.000000e+00 : f32
        %broadcast_in_dim3A_155 = vector.broadcast %jit3A : f32 to vector<16xf32>
        %select_n3A_156 = arith.select %lt3A_154, %exp3A, %broadcast_in_dim3A_155 : vector<16xi1>, vector<16xf32>
        %swap3A = arith.index_cast %scan3A_137 : i32 to index
        %swap3A_157 = arith.constant 96 : index
        %swap3A_158 = tpu.vector_load %arg13[%swap3A, %swap3A_157] {strides = array<i32>} : memref<128x128xf32, #tpu.memory_space<vmem>>, vector<1x16xf32>,
        %swap3A_159 = vector.shape_cast %swap3A_158 : vector<1x16xf32> to vector<16xf32>
        %swap3A_160 = vector.shape_cast %select_n3A_156 : vector<16xf32> to vector<1x16xf32>
        tpu.vector_store %arg13[%swap3A, %swap3A_157], %swap3A_160 {strides = array<i32>} : memref<128x128xf32, #tpu.memory_space<vmem>>, vector<1x16xf32>,
        %broadcast_in_dim3A_161 = arith.constant 3 : i32
        %broadcast_in_dim3A_162 = vector.broadcast %broadcast_in_dim3A_161 : i32 to vector<16xi32>
        %broadcast_in_dim3A_163 = vector.shape_cast %broadcast_in_dim3A_162 : vector<16xi32> to vector<16x1xi32>
        %gather3A = vector.shape_cast %broadcast_in_dim3A_163 : vector<16x1xi32> to vector<16xi32>
        %gather3A_164 = tpu.dynamic_gather %select_n3A_156[%gather3A] in [0] : vector<16xf32>, vector<16xi32> -> vector<16xf32>
        %get3A_165 = arith.index_cast %scan3A_137 : i32 to index
        %get3A_166 = arith.constant 32 : index
        %get3A_167 = tpu.vector_load %arg11[%get3A_165, %get3A_166] {strides = array<i32>} : memref<128x128xf32, #tpu.memory_space<vmem>>, vector<1x16xf32>,
        %get3A_168 = vector.shape_cast %get3A_167 : vector<1x16xf32> to vector<16xf32>
        %mul3A_169 = arith.mulf %get3A_168, %gather3A_164 : vector<16xf32>
        %swap3A_170 = arith.index_cast %scan3A_137 : i32 to index
        %swap3A_171 = arith.constant 0 : index
        %swap3A_172 = tpu.vector_load %arg13[%swap3A_170, %swap3A_171] {strides = array<i32>} : memref<128x128xf32, #tpu.memory_space<vmem>>, vector<1x16xf32>,
        %swap3A_173 = vector.shape_cast %swap3A_172 : vector<1x16xf32> to vector<16xf32>
        %swap3A_174 = vector.shape_cast %mul3A_169 : vector<16xf32> to vector<1x16xf32>
        tpu.vector_store %arg13[%swap3A_170, %swap3A_171], %swap3A_174 {strides = array<i32>} : memref<128x128xf32, #tpu.memory_space<vmem>>, vector<1x16xf32>,
        %get3A_175 = arith.index_cast %scan3A_137 : i32 to index
        %get3A_176 = arith.constant 48 : index
        %get3A_177 = tpu.vector_load %arg11[%get3A_175, %get3A_176] {strides = array<i32>} : memref<128x128xf32, #tpu.memory_space<vmem>>, vector<1x16xf32>,
        %get3A_178 = vector.shape_cast %get3A_177 : vector<1x16xf32> to vector<16xf32>
        %mul3A_179 = arith.mulf %get3A_178, %gather3A_164 : vector<16xf32>
        %swap3A_180 = arith.index_cast %scan3A_137 : i32 to index
        %swap3A_181 = arith.constant 16 : index
        %swap3A_182 = tpu.vector_load %arg13[%swap3A_180, %swap3A_181] {strides = array<i32>} : memref<128x128xf32, #tpu.memory_space<vmem>>, vector<1x16xf32>,
        %swap3A_183 = vector.shape_cast %swap3A_182 : vector<1x16xf32> to vector<16xf32>
        %swap3A_184 = vector.shape_cast %mul3A_179 : vector<16xf32> to vector<1x16xf32>
        tpu.vector_store %arg13[%swap3A_180, %swap3A_181], %swap3A_184 {strides = array<i32>} : memref<128x128xf32, #tpu.memory_space<vmem>>, vector<1x16xf32>,
        %broadcast_in_dim3A_185 = arith.constant 4 : i32
        %broadcast_in_dim3A_186 = vector.broadcast %broadcast_in_dim3A_185 : i32 to vector<16xi32>
        %broadcast_in_dim3A_187 = vector.shape_cast %broadcast_in_dim3A_186 : vector<16xi32> to vector<16x1xi32>
        %gather3A_188 = vector.shape_cast %broadcast_in_dim3A_187 : vector<16x1xi32> to vector<16xi32>
        %gather3A_189 = tpu.dynamic_gather %select_n3A_156[%gather3A_188] in [0] : vector<16xf32>, vector<16xi32> -> vector<16xf32>
        %get3A_190 = arith.index_cast %scan3A_137 : i32 to index
        %get3A_191 = arith.constant 64 : index
        %get3A_192 = tpu.vector_load %arg11[%get3A_190, %get3A_191] {strides = array<i32>} : memref<128x128xf32, #tpu.memory_space<vmem>>, vector<1x16xf32>,
        %get3A_193 = vector.shape_cast %get3A_192 : vector<1x16xf32> to vector<16xf32>
        %mul3A_194 = arith.mulf %get3A_193, %gather3A_189 : vector<16xf32>
        %swap3A_195 = arith.index_cast %scan3A_137 : i32 to index
        %swap3A_196 = arith.constant 32 : index
        %swap3A_197 = tpu.vector_load %arg13[%swap3A_195, %swap3A_196] {strides = array<i32>} : memref<128x128xf32, #tpu.memory_space<vmem>>, vector<1x16xf32>,
        %swap3A_198 = vector.shape_cast %swap3A_197 : vector<1x16xf32> to vector<16xf32>
        %swap3A_199 = vector.shape_cast %mul3A_194 : vector<16xf32> to vector<1x16xf32>
        tpu.vector_store %arg13[%swap3A_195, %swap3A_196], %swap3A_199 {strides = array<i32>} : memref<128x128xf32, #tpu.memory_space<vmem>>, vector<1x16xf32>,
        %get3A_200 = arith.index_cast %scan3A_137 : i32 to index
        %get3A_201 = arith.constant 80 : index
        %get3A_202 = tpu.vector_load %arg11[%get3A_200, %get3A_201] {strides = array<i32>} : memref<128x128xf32, #tpu.memory_space<vmem>>, vector<1x16xf32>,
        %get3A_203 = vector.shape_cast %get3A_202 : vector<1x16xf32> to vector<16xf32>
        %mul3A_204 = arith.mulf %get3A_203, %gather3A_189 : vector<16xf32>
        %swap3A_205 = arith.index_cast %scan3A_137 : i32 to index
        %swap3A_206 = arith.constant 48 : index
        %swap3A_207 = tpu.vector_load %arg13[%swap3A_205, %swap3A_206] {strides = array<i32>} : memref<128x128xf32, #tpu.memory_space<vmem>>, vector<1x16xf32>,
        %swap3A_208 = vector.shape_cast %swap3A_207 : vector<1x16xf32> to vector<16xf32>
        %swap3A_209 = vector.shape_cast %mul3A_204 : vector<16xf32> to vector<1x16xf32>
        tpu.vector_store %arg13[%swap3A_205, %swap3A_206], %swap3A_209 {strides = array<i32>} : memref<128x128xf32, #tpu.memory_space<vmem>>, vector<1x16xf32>,
        %broadcast_in_dim3A_210 = arith.constant 5 : i32
        %broadcast_in_dim3A_211 = vector.broadcast %broadcast_in_dim3A_210 : i32 to vector<16xi32>
        %broadcast_in_dim3A_212 = vector.shape_cast %broadcast_in_dim3A_211 : vector<16xi32> to vector<16x1xi32>
        %gather3A_213 = vector.shape_cast %broadcast_in_dim3A_212 : vector<16x1xi32> to vector<16xi32>
        %gather3A_214 = tpu.dynamic_gather %select_n3A_156[%gather3A_213] in [0] : vector<16xf32>, vector<16xi32> -> vector<16xf32>
        %get3A_215 = arith.index_cast %scan3A_137 : i32 to index
        %get3A_216 = arith.constant 96 : index
        %get3A_217 = tpu.vector_load %arg11[%get3A_215, %get3A_216] {strides = array<i32>} : memref<128x128xf32, #tpu.memory_space<vmem>>, vector<1x16xf32>,
        %get3A_218 = vector.shape_cast %get3A_217 : vector<1x16xf32> to vector<16xf32>
        %mul3A_219 = arith.mulf %get3A_218, %gather3A_214 : vector<16xf32>
        %swap3A_220 = arith.index_cast %scan3A_137 : i32 to index
        %swap3A_221 = arith.constant 64 : index
        %swap3A_222 = tpu.vector_load %arg13[%swap3A_220, %swap3A_221] {strides = array<i32>} : memref<128x128xf32, #tpu.memory_space<vmem>>, vector<1x16xf32>,
        %swap3A_223 = vector.shape_cast %swap3A_222 : vector<1x16xf32> to vector<16xf32>
        %swap3A_224 = vector.shape_cast %mul3A_219 : vector<16xf32> to vector<1x16xf32>
        tpu.vector_store %arg13[%swap3A_220, %swap3A_221], %swap3A_224 {strides = array<i32>} : memref<128x128xf32, #tpu.memory_space<vmem>>, vector<1x16xf32>,
        %get3A_225 = arith.index_cast %scan3A_137 : i32 to index
        %get3A_226 = arith.constant 112 : index
        %get3A_227 = tpu.vector_load %arg11[%get3A_225, %get3A_226] {strides = array<i32>} : memref<128x128xf32, #tpu.memory_space<vmem>>, vector<1x16xf32>,
        %get3A_228 = vector.shape_cast %get3A_227 : vector<1x16xf32> to vector<16xf32>
        %mul3A_229 = arith.mulf %get3A_228, %gather3A_214 : vector<16xf32>
        %swap3A_230 = arith.index_cast %scan3A_137 : i32 to index
        %swap3A_231 = arith.constant 80 : index
        %swap3A_232 = tpu.vector_load %arg13[%swap3A_230, %swap3A_231] {strides = array<i32>} : memref<128x128xf32, #tpu.memory_space<vmem>>, vector<1x16xf32>,
        %swap3A_233 = vector.shape_cast %swap3A_232 : vector<1x16xf32> to vector<16xf32>
        %swap3A_234 = vector.shape_cast %mul3A_229 : vector<16xf32> to vector<1x16xf32>
        tpu.vector_store %arg13[%swap3A_230, %swap3A_231], %swap3A_234 {strides = array<i32>} : memref<128x128xf32, #tpu.memory_space<vmem>>, vector<1x16xf32>,
      }
      %scan3A_136 = arith.constant 128 : i32
      "tpu.region"() ({
        %run_scoped3A_137 = tpu.sem_alloc : memref<!tpu.dma_semaphore, #tpu.memory_space<semaphore_mem>>
        %dma_start3A_138 = arith.constant 0 : i32
        %dma_start3A_139 = arith.constant 0 : i32
        %dma_start3A_140 = tpu.memref_slice %arg14[%dma_start3A_138, %dma_start3A_139] : memref<5248x128xf32, #tpu.memory_space<vmem_shared>> -> memref<5248x128xf32, #tpu.memory_space<vmem_shared>>
        tpu.enqueue_indirect_dma source(%arg13 : memref<128x128xf32, #tpu.memory_space<vmem>>) target(%dma_start3A_140 : memref<5248x128xf32, #tpu.memory_space<vmem_shared>>) offsets(%arg10 : memref<128xi32, #tpu.memory_space<vmem>>) semaphore(%run_scoped3A_137 : memref<!tpu.dma_semaphore, #tpu.memory_space<semaphore_mem>>) {add = true}
        %dma_wait3A_141 = arith.constant 0 : i32
        %dma_wait3A_142 = arith.constant 0 : i32
        %dma_wait3A_143 = tpu.memref_slice %arg14[%dma_wait3A_141, %dma_wait3A_142] : memref<5248x128xf32, #tpu.memory_space<vmem_shared>> -> memref<5248x128xf32, #tpu.memory_space<vmem_shared>>
        tpu.wait_indirect_dma semaphore(%run_scoped3A_137 : memref<!tpu.dma_semaphore, #tpu.memory_space<semaphore_mem>>) src(%arg13 : memref<128x128xf32, #tpu.memory_space<vmem>>) dst(%dma_wait3A_143 : memref<5248x128xf32, #tpu.memory_space<vmem_shared>>)
        tpu.yield
      }) : () -> ()
    }
    %scan3A_97 = arith.constant 81 : i32
    %barrier3A_98 = arith.constant 0 : index
    tpu.barrier barrier_id(%barrier3A_98)
    %run_scoped3A_99 = arith.constant 1 : i32
    %run_scoped3A_100 = arith.constant 1 : i32
    "tpu.region"() ({
      %run_scoped3A_102 = tpu.sem_alloc : memref<!tpu.dma_semaphore, #tpu.memory_space<semaphore_mem>>
      %dma_start3A = arith.constant 0 : i32
      %dma_start3A_103 = tpu.memref_slice %arg7[%run_scoped3A_99, %run_scoped3A_100, %arg0, %mul3A_3, %dma_start3A] : memref<2x2x2x5120x128xf32, #tpu.memory_space<hbm>> -> memref<1x1x1x320x128xf32, #tpu.memory_space<hbm>>
      %dma_start3A_104 = tpu.memref_squeeze %dma_start3A_103 : memref<1x1x1x320x128xf32, #tpu.memory_space<hbm>> -> memref<320x128xf32, #tpu.memory_space<hbm>>
      %dma_start3A_105 = arith.constant 0 : i32
      %dma_start3A_106 = tpu.memref_slice %arg14[%mul3A_3, %dma_start3A_105] : memref<5248x128xf32, #tpu.memory_space<vmem_shared>> -> memref<320x128xf32, #tpu.memory_space<vmem_shared>>
      tpu.enqueue_dma source(%dma_start3A_106 : memref<320x128xf32, #tpu.memory_space<vmem_shared>>) target(%dma_start3A_104 : memref<320x128xf32, #tpu.memory_space<hbm>>) target_semaphore(%run_scoped3A_102 : memref<!tpu.dma_semaphore, #tpu.memory_space<semaphore_mem>>)
      %dma_wait3A = arith.constant 0 : i32
      %dma_wait3A_107 = tpu.memref_slice %arg7[%run_scoped3A_99, %run_scoped3A_100, %arg0, %mul3A_3, %dma_wait3A] : memref<2x2x2x5120x128xf32, #tpu.memory_space<hbm>> -> memref<1x1x1x320x128xf32, #tpu.memory_space<hbm>>
      %dma_wait3A_108 = tpu.memref_squeeze %dma_wait3A_107 : memref<1x1x1x320x128xf32, #tpu.memory_space<hbm>> -> memref<320x128xf32, #tpu.memory_space<hbm>>
      %dma_wait3A_109 = arith.constant 0 : i32
      %dma_wait3A_110 = tpu.memref_slice %arg14[%mul3A_3, %dma_wait3A_109] : memref<5248x128xf32, #tpu.memory_space<vmem_shared>> -> memref<320x128xf32, #tpu.memory_space<vmem_shared>>
      tpu.wait_dma2 semaphore(%run_scoped3A_102 : memref<!tpu.dma_semaphore, #tpu.memory_space<semaphore_mem>>) src(%dma_wait3A_110 : memref<320x128xf32, #tpu.memory_space<vmem_shared>>) dst(%dma_wait3A_108 : memref<320x128xf32, #tpu.memory_space<hbm>>)
      tpu.yield
    }) : () -> ()
    %barrier3A_101 = arith.constant 0 : index
    tpu.barrier barrier_id(%barrier3A_101)
    return
  }
}

module attributes {stable_mosaic.version = 14 : i64} {
  func.func @_tables_body(%arg0: i32, %arg1: memref<640x128xf32, #tpu.memory_space<vmem>>, %arg2: memref<64x128xf32, #tpu.memory_space<vmem>>, %arg3: memref<1x64xf32, #tpu.memory_space<vmem>>, %arg4: memref<16x64xf32, #tpu.memory_space<vmem>>, %arg5: memref<16x64xf32, #tpu.memory_space<vmem>>, %arg6: memref<192x64xf32, #tpu.memory_space<vmem>>, %arg7: memref<640x128xf32, #tpu.memory_space<vmem>>, %arg8: memref<640x128xf32, #tpu.memory_space<vmem>>, %arg9: memref<640x128xf32, #tpu.memory_space<vmem>>) attributes {dimension_semantics = [#tpu.dimension_semantics<arbitrary>], iteration_bounds = array<i64: 16>, scalar_prefetch = 0 : i64, scratch_operands = 0 : i64, tpu.core_type = #tpu.core_type<tc>, window_params = [{transform_indices = @transform_0, window_bounds = array<i64: 640, 128>}, {pipeline_mode = #tpu.pipeline_mode<synchronous>, transform_indices = @transform_1, window_bounds = array<i64: 64, 128>}, {pipeline_mode = #tpu.pipeline_mode<synchronous>, transform_indices = @transform_2, window_bounds = array<i64: 1, 64>}, {pipeline_mode = #tpu.pipeline_mode<synchronous>, transform_indices = @transform_3, window_bounds = array<i64: 16, 64>}, {pipeline_mode = #tpu.pipeline_mode<synchronous>, transform_indices = @transform_4, window_bounds = array<i64: 16, 64>}, {pipeline_mode = #tpu.pipeline_mode<synchronous>, transform_indices = @transform_5, window_bounds = array<i64: 192, 64>}, {transform_indices = @transform_6, window_bounds = array<i64: 640, 128>}, {transform_indices = @transform_7, window_bounds = array<i64: 640, 128>}, {transform_indices = @transform_8, window_bounds = array<i64: 640, 128>}]} {
    %get3A = arith.constant 0 : index
    %get3A_0 = arith.constant 0 : index
    %get3A_1 = vector.load %arg1[%get3A, %get3A_0] : memref<640x128xf32, #tpu.memory_space<vmem>>, vector<640x128xf32>
    %get3A_2 = arith.constant 0 : index
    %get3A_3 = arith.constant 0 : index
    %get3A_4 = vector.load %arg2[%get3A_2, %get3A_3] : memref<64x128xf32, #tpu.memory_space<vmem>>, vector<64x128xf32>
    %transpose3A = tpu.transpose %get3A_4, [1, 0] : vector<64x128xf32> -> vector<128x64xf32>
    %dot_general3A = arith.constant dense<0.000000e+00> : vector<640x64xf32>
    %dot_general3A_5 = tpu.matmul %get3A_1, %transpose3A, %dot_general3A {dimension_numbers = #tpu.dot_dimension_numbers<[1], [0], [0], [1], [0, 0, 1, 1], [], []>, transpose_lhs_hint = false} : vector<640x128xf32>, vector<128x64xf32>, vector<640x64xf32> -> vector<640x64xf32>
    %get3A_6 = arith.constant 0 : index
    %get3A_7 = arith.constant 0 : index
    %get3A_8 = vector.load %arg3[%get3A_6, %get3A_7] : memref<1x64xf32, #tpu.memory_space<vmem>>, vector<1x64xf32>
    %add3A = vector.broadcast %get3A_8 : vector<1x64xf32> to vector<640x64xf32>
    %add3A_9 = arith.addf %dot_general3A_5, %add3A : vector<640x64xf32>
    %logistic3A = arith.negf %add3A_9 : vector<640x64xf32>
    %logistic3A_10 = math.exp %logistic3A : vector<640x64xf32>
    %logistic3A_11 = arith.constant 1.000000e+00 : f32
    %logistic3A_12 = vector.broadcast %logistic3A_11 : f32 to vector<640x64xf32>
    %logistic3A_13 = arith.addf %logistic3A_12, %logistic3A_10 : vector<640x64xf32>
    %logistic3A_14 = arith.divf %logistic3A_12, %logistic3A_13 : vector<640x64xf32>
    %broadcast_in_dim3A = arith.constant 0.000000e+00 : f32
    %broadcast_in_dim3A_15 = vector.broadcast %broadcast_in_dim3A : f32 to vector<640x16xf32>
    %get3A_16 = arith.constant 0 : index
    %get3A_17 = arith.constant 0 : index
    %get3A_18 = vector.load %arg4[%get3A_16, %get3A_17] : memref<16x64xf32, #tpu.memory_space<vmem>>, vector<16x64xf32>
    %transpose3A_19 = tpu.transpose %get3A_18, [1, 0] : vector<16x64xf32> -> vector<64x16xf32>
    %dot_general3A_20 = arith.constant dense<0.000000e+00> : vector<640x16xf32>
    %dot_general3A_21 = tpu.matmul %logistic3A_14, %transpose3A_19, %dot_general3A_20 {dimension_numbers = #tpu.dot_dimension_numbers<[1], [0], [0], [1], [0, 0, 1, 1], [], []>, transpose_lhs_hint = false} : vector<640x64xf32>, vector<64x16xf32>, vector<640x16xf32> -> vector<640x16xf32>
    %get3A_22 = arith.constant 0 : index
    %get3A_23 = arith.constant 0 : index
    %get3A_24 = vector.load %arg5[%get3A_22, %get3A_23] : memref<16x64xf32, #tpu.memory_space<vmem>>, vector<16x64xf32>
    %transpose3A_25 = tpu.transpose %get3A_24, [1, 0] : vector<16x64xf32> -> vector<64x16xf32>
    %dot_general3A_26 = arith.constant dense<0.000000e+00> : vector<640x16xf32>
    %dot_general3A_27 = tpu.matmul %logistic3A_14, %transpose3A_25, %dot_general3A_26 {dimension_numbers = #tpu.dot_dimension_numbers<[1], [0], [0], [1], [0, 0, 1, 1], [], []>, transpose_lhs_hint = false} : vector<640x64xf32>, vector<64x16xf32>, vector<640x16xf32> -> vector<640x16xf32>
    %get3A_28 = arith.constant 0 : index
    %get3A_29 = arith.constant 0 : index
    %get3A_30 = vector.load %arg6[%get3A_28, %get3A_29] : memref<192x64xf32, #tpu.memory_space<vmem>>, vector<192x64xf32>
    %transpose3A_31 = tpu.transpose %get3A_30, [1, 0] : vector<192x64xf32> -> vector<64x192xf32>
    %dot_general3A_32 = arith.constant dense<0.000000e+00> : vector<640x192xf32>
    %dot_general3A_33 = tpu.matmul %logistic3A_14, %transpose3A_31, %dot_general3A_32 {dimension_numbers = #tpu.dot_dimension_numbers<[1], [0], [0], [1], [0, 0, 1, 1], [], []>, transpose_lhs_hint = false} : vector<640x64xf32>, vector<64x192xf32>, vector<640x192xf32> -> vector<640x192xf32>
    %slice3A = vector.extract_strided_slice %dot_general3A_33 {offsets = [0, 0], sizes = [640, 96], strides = [1, 1]} : vector<640x192xf32> to vector<640x96xf32>
    %concatenate3A = tpu.concatenate %dot_general3A_21, %broadcast_in_dim3A_15, %slice3A in 1 : vector<640x16xf32>, vector<640x16xf32>, vector<640x96xf32> -> vector<640x128xf32>
    %swap3A = arith.constant 0 : index
    %swap3A_34 = arith.constant 0 : index
    %swap3A_35 = vector.load %arg7[%swap3A, %swap3A_34] : memref<640x128xf32, #tpu.memory_space<vmem>>, vector<640x128xf32>
    tpu.vector_store %arg7[%swap3A, %swap3A_34], %concatenate3A {strides = array<i32>} : memref<640x128xf32, #tpu.memory_space<vmem>>, vector<640x128xf32>,
    %slice3A_36 = vector.extract_strided_slice %dot_general3A_33 {offsets = [0, 96], sizes = [640, 96], strides = [1, 1]} : vector<640x192xf32> to vector<640x96xf32>
    %concatenate3A_37 = tpu.concatenate %dot_general3A_21, %broadcast_in_dim3A_15, %slice3A_36 in 1 : vector<640x16xf32>, vector<640x16xf32>, vector<640x96xf32> -> vector<640x128xf32>
    %swap3A_38 = arith.constant 0 : index
    %swap3A_39 = arith.constant 0 : index
    %swap3A_40 = vector.load %arg8[%swap3A_38, %swap3A_39] : memref<640x128xf32, #tpu.memory_space<vmem>>, vector<640x128xf32>
    tpu.vector_store %arg8[%swap3A_38, %swap3A_39], %concatenate3A_37 {strides = array<i32>} : memref<640x128xf32, #tpu.memory_space<vmem>>, vector<640x128xf32>,
    %concatenate3A_41 = tpu.concatenate %dot_general3A_27, %broadcast_in_dim3A_15, %broadcast_in_dim3A_15, %broadcast_in_dim3A_15, %broadcast_in_dim3A_15, %broadcast_in_dim3A_15, %broadcast_in_dim3A_15, %broadcast_in_dim3A_15 in 1 : vector<640x16xf32>, vector<640x16xf32>, vector<640x16xf32>, vector<640x16xf32>, vector<640x16xf32>, vector<640x16xf32>, vector<640x16xf32>, vector<640x16xf32> -> vector<640x128xf32>
    %swap3A_42 = arith.constant 0 : index
    %swap3A_43 = arith.constant 0 : index
    %swap3A_44 = vector.load %arg9[%swap3A_42, %swap3A_43] : memref<640x128xf32, #tpu.memory_space<vmem>>, vector<640x128xf32>
    tpu.vector_store %arg9[%swap3A_42, %swap3A_43], %concatenate3A_41 {strides = array<i32>} : memref<640x128xf32, #tpu.memory_space<vmem>>, vector<640x128xf32>,
    return
  }
  func.func @transform_0(%arg0: i32) -> (i32, i32) {
    %c0_i32 = arith.constant 0 : i32
    %c0_i32_0 = arith.constant 0 : i32
    return %arg0, %c0_i32 : i32, i32
  }
  func.func @transform_1(%arg0: i32) -> (i32, i32) {
    %c0_i32 = arith.constant 0 : i32
    %c0_i32_0 = arith.constant 0 : i32
    %c0_i32_1 = arith.constant 0 : i32
    return %c0_i32, %c0_i32_0 : i32, i32
  }
  func.func @transform_2(%arg0: i32) -> (i32, i32) {
    %c0_i32 = arith.constant 0 : i32
    %c0_i32_0 = arith.constant 0 : i32
    %c0_i32_1 = arith.constant 0 : i32
    return %c0_i32, %c0_i32_0 : i32, i32
  }
  func.func @transform_3(%arg0: i32) -> (i32, i32) {
    %c0_i32 = arith.constant 0 : i32
    %c0_i32_0 = arith.constant 0 : i32
    %c0_i32_1 = arith.constant 0 : i32
    return %c0_i32, %c0_i32_0 : i32, i32
  }
  func.func @transform_4(%arg0: i32) -> (i32, i32) {
    %c0_i32 = arith.constant 0 : i32
    %c0_i32_0 = arith.constant 0 : i32
    %c0_i32_1 = arith.constant 0 : i32
    return %c0_i32, %c0_i32_0 : i32, i32
  }
  func.func @transform_5(%arg0: i32) -> (i32, i32) {
    %c0_i32 = arith.constant 0 : i32
    %c0_i32_0 = arith.constant 0 : i32
    %c0_i32_1 = arith.constant 0 : i32
    return %c0_i32, %c0_i32_0 : i32, i32
  }
  func.func @transform_6(%arg0: i32) -> (i32, i32) {
    %c0_i32 = arith.constant 0 : i32
    %c0_i32_0 = arith.constant 0 : i32
    return %arg0, %c0_i32 : i32, i32
  }
  func.func @transform_7(%arg0: i32) -> (i32, i32) {
    %c0_i32 = arith.constant 0 : i32
    %c0_i32_0 = arith.constant 0 : i32
    return %arg0, %c0_i32 : i32, i32
  }
  func.func @transform_8(%arg0: i32) -> (i32, i32) {
    %c0_i32 = arith.constant 0 : i32
    %c0_i32_0 = arith.constant 0 : i32
    return %arg0, %c0_i32 : i32, i32
  }
}

module attributes {stable_mosaic.version = 14 : i64} {
  func.func @_final_body(%arg0: i32, %arg1: memref<2x1x2x640x128xf32, #tpu.memory_space<vmem>>, %arg2: memref<1x32xf32, #tpu.memory_space<vmem>>, %arg3: memref<640x32xf32, #tpu.memory_space<vmem>>) attributes {dimension_semantics = [#tpu.dimension_semantics<arbitrary>], iteration_bounds = array<i64: 16>, scalar_prefetch = 0 : i64, scratch_operands = 0 : i64, tpu.core_type = #tpu.core_type<tc>, window_params = [{transform_indices = @transform_0, window_bounds = array<i64: 2, 1, 2, 640, 128>}, {pipeline_mode = #tpu.pipeline_mode<synchronous>, transform_indices = @transform_1, window_bounds = array<i64: 1, 32>}, {transform_indices = @transform_2, window_bounds = array<i64: 640, 32>}]} {
    %get3A = arith.constant 0 : index
    %get3A_0 = arith.constant 0 : index
    %get3A_1 = arith.constant 0 : index
    %get3A_2 = arith.constant 0 : index
    %get3A_3 = arith.constant 0 : index
    %get3A_4 = vector.load %arg1[%get3A, %get3A_0, %get3A_1, %get3A_2, %get3A_3] : memref<2x1x2x640x128xf32, #tpu.memory_space<vmem>>, vector<1x1x1x640x128xf32>
    %get3A_5 = vector.shape_cast %get3A_4 : vector<1x1x1x640x128xf32> to vector<640x128xf32>
    %get3A_6 = arith.constant 0 : index
    %get3A_7 = arith.constant 0 : index
    %get3A_8 = arith.constant 1 : index
    %get3A_9 = arith.constant 0 : index
    %get3A_10 = arith.constant 0 : index
    %get3A_11 = vector.load %arg1[%get3A_6, %get3A_7, %get3A_8, %get3A_9, %get3A_10] : memref<2x1x2x640x128xf32, #tpu.memory_space<vmem>>, vector<1x1x1x640x128xf32>
    %get3A_12 = vector.shape_cast %get3A_11 : vector<1x1x1x640x128xf32> to vector<640x128xf32>
    %add3A = arith.addf %get3A_5, %get3A_12 : vector<640x128xf32>
    %get3A_13 = arith.constant 1 : index
    %get3A_14 = arith.constant 0 : index
    %get3A_15 = arith.constant 0 : index
    %get3A_16 = arith.constant 0 : index
    %get3A_17 = arith.constant 0 : index
    %get3A_18 = vector.load %arg1[%get3A_13, %get3A_14, %get3A_15, %get3A_16, %get3A_17] : memref<2x1x2x640x128xf32, #tpu.memory_space<vmem>>, vector<1x1x1x640x128xf32>
    %get3A_19 = vector.shape_cast %get3A_18 : vector<1x1x1x640x128xf32> to vector<640x128xf32>
    %get3A_20 = arith.constant 1 : index
    %get3A_21 = arith.constant 0 : index
    %get3A_22 = arith.constant 1 : index
    %get3A_23 = arith.constant 0 : index
    %get3A_24 = arith.constant 0 : index
    %get3A_25 = vector.load %arg1[%get3A_20, %get3A_21, %get3A_22, %get3A_23, %get3A_24] : memref<2x1x2x640x128xf32, #tpu.memory_space<vmem>>, vector<1x1x1x640x128xf32>
    %get3A_26 = vector.shape_cast %get3A_25 : vector<1x1x1x640x128xf32> to vector<640x128xf32>
    %add3A_27 = arith.addf %get3A_19, %get3A_26 : vector<640x128xf32>
    %broadcast_in_dim3A = arith.constant 0.000000e+00 : f32
    %broadcast_in_dim3A_28 = vector.broadcast %broadcast_in_dim3A : f32 to vector<640x32xf32>
    %slice3A = vector.extract_strided_slice %add3A {offsets = [0, 0], sizes = [640, 32], strides = [1, 1]} : vector<640x128xf32> to vector<640x32xf32>
    %slice3A_29 = vector.extract_strided_slice %add3A {offsets = [0, 96], sizes = [640, 1], strides = [1, 1]} : vector<640x128xf32> to vector<640x1xf32>
    %add3A_30 = arith.constant 1.000000e-16 : f32
    %add3A_31 = vector.broadcast %add3A_30 : f32 to vector<640x1xf32>
    %add3A_32 = arith.addf %slice3A_29, %add3A_31 : vector<640x1xf32>
    %div3A = vector.broadcast %add3A_32 : vector<640x1xf32> to vector<640x32xf32>
    %div3A_33 = arith.divf %slice3A, %div3A : vector<640x32xf32>
    %add3A_34 = arith.addf %broadcast_in_dim3A_28, %div3A_33 : vector<640x32xf32>
    %slice3A_35 = vector.extract_strided_slice %add3A {offsets = [0, 32], sizes = [640, 32], strides = [1, 1]} : vector<640x128xf32> to vector<640x32xf32>
    %slice3A_36 = vector.extract_strided_slice %add3A {offsets = [0, 97], sizes = [640, 1], strides = [1, 1]} : vector<640x128xf32> to vector<640x1xf32>
    %add3A_37 = arith.constant 1.000000e-16 : f32
    %add3A_38 = vector.broadcast %add3A_37 : f32 to vector<640x1xf32>
    %add3A_39 = arith.addf %slice3A_36, %add3A_38 : vector<640x1xf32>
    %div3A_40 = vector.broadcast %add3A_39 : vector<640x1xf32> to vector<640x32xf32>
    %div3A_41 = arith.divf %slice3A_35, %div3A_40 : vector<640x32xf32>
    %add3A_42 = arith.addf %add3A_34, %div3A_41 : vector<640x32xf32>
    %slice3A_43 = vector.extract_strided_slice %add3A {offsets = [0, 64], sizes = [640, 32], strides = [1, 1]} : vector<640x128xf32> to vector<640x32xf32>
    %slice3A_44 = vector.extract_strided_slice %add3A {offsets = [0, 98], sizes = [640, 1], strides = [1, 1]} : vector<640x128xf32> to vector<640x1xf32>
    %add3A_45 = arith.constant 1.000000e-16 : f32
    %add3A_46 = vector.broadcast %add3A_45 : f32 to vector<640x1xf32>
    %add3A_47 = arith.addf %slice3A_44, %add3A_46 : vector<640x1xf32>
    %div3A_48 = vector.broadcast %add3A_47 : vector<640x1xf32> to vector<640x32xf32>
    %div3A_49 = arith.divf %slice3A_43, %div3A_48 : vector<640x32xf32>
    %add3A_50 = arith.addf %add3A_42, %div3A_49 : vector<640x32xf32>
    %slice3A_51 = vector.extract_strided_slice %add3A_27 {offsets = [0, 0], sizes = [640, 32], strides = [1, 1]} : vector<640x128xf32> to vector<640x32xf32>
    %slice3A_52 = vector.extract_strided_slice %add3A_27 {offsets = [0, 99], sizes = [640, 1], strides = [1, 1]} : vector<640x128xf32> to vector<640x1xf32>
    %add3A_53 = arith.constant 1.000000e-16 : f32
    %add3A_54 = vector.broadcast %add3A_53 : f32 to vector<640x1xf32>
    %add3A_55 = arith.addf %slice3A_52, %add3A_54 : vector<640x1xf32>
    %div3A_56 = vector.broadcast %add3A_55 : vector<640x1xf32> to vector<640x32xf32>
    %div3A_57 = arith.divf %slice3A_51, %div3A_56 : vector<640x32xf32>
    %add3A_58 = arith.addf %add3A_50, %div3A_57 : vector<640x32xf32>
    %slice3A_59 = vector.extract_strided_slice %add3A_27 {offsets = [0, 32], sizes = [640, 32], strides = [1, 1]} : vector<640x128xf32> to vector<640x32xf32>
    %slice3A_60 = vector.extract_strided_slice %add3A_27 {offsets = [0, 100], sizes = [640, 1], strides = [1, 1]} : vector<640x128xf32> to vector<640x1xf32>
    %add3A_61 = arith.constant 1.000000e-16 : f32
    %add3A_62 = vector.broadcast %add3A_61 : f32 to vector<640x1xf32>
    %add3A_63 = arith.addf %slice3A_60, %add3A_62 : vector<640x1xf32>
    %div3A_64 = vector.broadcast %add3A_63 : vector<640x1xf32> to vector<640x32xf32>
    %div3A_65 = arith.divf %slice3A_59, %div3A_64 : vector<640x32xf32>
    %add3A_66 = arith.addf %add3A_58, %div3A_65 : vector<640x32xf32>
    %slice3A_67 = vector.extract_strided_slice %add3A_27 {offsets = [0, 64], sizes = [640, 32], strides = [1, 1]} : vector<640x128xf32> to vector<640x32xf32>
    %slice3A_68 = vector.extract_strided_slice %add3A_27 {offsets = [0, 101], sizes = [640, 1], strides = [1, 1]} : vector<640x128xf32> to vector<640x1xf32>
    %add3A_69 = arith.constant 1.000000e-16 : f32
    %add3A_70 = vector.broadcast %add3A_69 : f32 to vector<640x1xf32>
    %add3A_71 = arith.addf %slice3A_68, %add3A_70 : vector<640x1xf32>
    %div3A_72 = vector.broadcast %add3A_71 : vector<640x1xf32> to vector<640x32xf32>
    %div3A_73 = arith.divf %slice3A_67, %div3A_72 : vector<640x32xf32>
    %add3A_74 = arith.addf %add3A_66, %div3A_73 : vector<640x32xf32>
    %mul3A = arith.constant 0.166666672 : f32
    %mul3A_75 = vector.broadcast %mul3A : f32 to vector<640x32xf32>
    %mul3A_76 = arith.mulf %add3A_74, %mul3A_75 : vector<640x32xf32>
    %get3A_77 = arith.constant 0 : index
    %get3A_78 = arith.constant 0 : index
    %get3A_79 = vector.load %arg2[%get3A_77, %get3A_78] : memref<1x32xf32, #tpu.memory_space<vmem>>, vector<1x32xf32>
    %add3A_80 = vector.broadcast %get3A_79 : vector<1x32xf32> to vector<640x32xf32>
    %add3A_81 = arith.addf %mul3A_76, %add3A_80 : vector<640x32xf32>
    %logistic3A = arith.negf %add3A_81 : vector<640x32xf32>
    %logistic3A_82 = math.exp %logistic3A : vector<640x32xf32>
    %logistic3A_83 = arith.constant 1.000000e+00 : f32
    %logistic3A_84 = vector.broadcast %logistic3A_83 : f32 to vector<640x32xf32>
    %logistic3A_85 = arith.addf %logistic3A_84, %logistic3A_82 : vector<640x32xf32>
    %logistic3A_86 = arith.divf %logistic3A_84, %logistic3A_85 : vector<640x32xf32>
    %swap3A = arith.constant 0 : index
    %swap3A_87 = arith.constant 0 : index
    %swap3A_88 = vector.load %arg3[%swap3A, %swap3A_87] : memref<640x32xf32, #tpu.memory_space<vmem>>, vector<640x32xf32>
    tpu.vector_store %arg3[%swap3A, %swap3A_87], %logistic3A_86 {strides = array<i32>} : memref<640x32xf32, #tpu.memory_space<vmem>>, vector<640x32xf32>,
    return
  }
  func.func @transform_0(%arg0: i32) -> (i32, i32, i32, i32, i32) {
    %jit3A = arith.constant 8 : i32
    %div3A = arith.divsi %arg0, %jit3A : i32
    %sign3A = arith.constant 0 : i32
    %sign3A_0 = arith.cmpi sgt, %arg0, %sign3A : i32
    %sign3A_1 = arith.extui %sign3A_0 : i1 to i32
    %sign3A_2 = arith.constant 0 : i32
    %sign3A_3 = arith.cmpi slt, %arg0, %sign3A_2 : i32
    %sign3A_4 = arith.extui %sign3A_3 : i1 to i32
    %sign3A_5 = arith.subi %sign3A_1, %sign3A_4 : i32
    %sign3A_6 = arith.constant 0 : i32
    %sign3A_7 = arith.cmpi sgt, %jit3A, %sign3A_6 : i32
    %sign3A_8 = arith.extui %sign3A_7 : i1 to i32
    %sign3A_9 = arith.constant 0 : i32
    %sign3A_10 = arith.cmpi slt, %jit3A, %sign3A_9 : i32
    %sign3A_11 = arith.extui %sign3A_10 : i1 to i32
    %sign3A_12 = arith.subi %sign3A_8, %sign3A_11 : i32
    %ne3A = arith.cmpi ne, %sign3A_5, %sign3A_12 : i32
    %rem3A = arith.remsi %arg0, %jit3A : i32
    %ne3A_13 = arith.constant 0 : i32
    %ne3A_14 = arith.cmpi ne, %rem3A, %ne3A_13 : i32
    %and3A = arith.andi %ne3A, %ne3A_14 : i1
    %sub3A = arith.constant 1 : i32
    %sub3A_15 = arith.subi %div3A, %sub3A : i32
    %select_n3A = arith.select %and3A, %sub3A_15, %div3A : i32
    %jit3A_16 = arith.constant 8 : i32
    %eq3A = arith.constant 0 : i32
    %eq3A_17 = arith.cmpi eq, %jit3A_16, %eq3A : i32
    %jit3A_18 = arith.constant 1 : i32
    %select_n3A_19 = arith.select %eq3A_17, %jit3A_18, %jit3A_16 : i32
    %rem3A_20 = arith.remsi %arg0, %select_n3A_19 : i32
    %ne3A_21 = arith.constant 0 : i32
    %ne3A_22 = arith.cmpi ne, %rem3A_20, %ne3A_21 : i32
    %lt3A = arith.constant 0 : i32
    %lt3A_23 = arith.cmpi slt, %rem3A_20, %lt3A : i32
    %lt3A_24 = arith.constant 0 : i32
    %lt3A_25 = arith.cmpi slt, %select_n3A_19, %lt3A_24 : i32
    %ne3A_26 = arith.xori %lt3A_23, %lt3A_25 : i1
    %and3A_27 = arith.andi %ne3A_26, %ne3A_22 : i1
    %add3A = arith.addi %rem3A_20, %select_n3A_19 : i32
    %select_n3A_28 = arith.select %and3A_27, %add3A, %rem3A_20 : i32
    %c0_i32 = arith.constant 0 : i32
    %c0_i32_29 = arith.constant 0 : i32
    %c0_i32_30 = arith.constant 0 : i32
    %c0_i32_31 = arith.constant 0 : i32
    return %c0_i32, %select_n3A, %c0_i32_29, %select_n3A_28, %c0_i32_30 : i32, i32, i32, i32, i32
  }
  func.func @transform_1(%arg0: i32) -> (i32, i32) {
    %c0_i32 = arith.constant 0 : i32
    %c0_i32_0 = arith.constant 0 : i32
    %c0_i32_1 = arith.constant 0 : i32
    return %c0_i32, %c0_i32_0 : i32, i32
  }
  func.func @transform_2(%arg0: i32) -> (i32, i32) {
    %c0_i32 = arith.constant 0 : i32
    %c0_i32_0 = arith.constant 0 : i32
    return %arg0, %c0_i32 : i32, i32
  }
}

</mosaic_0001>

<sc_bundles>
// kernel: kernel.5.cloned.1.call-start
scs
__scs_entry_jumppad:
0x0: {  	(pc) =	sbr.rel $0x88, $3  }
0x1: {  	(tag) =	ssettag $0x0;
	lr =	simm.s32 $0x1  }
0x2: {  	[smem:$0x3F97] =	sst lr;
	_ =	strace $0xD0000000  }
0x3: {  	_ = 	snop  }
0x4: {  	_ = 	snop  }
0x5: {  	_ = 	snop  }
0x6: {  	_ = 	snop  }
0x7: {  	_ = 	snop  }
__scs_overlays_trampoline_lowered:
0x8: {  	[smem:$0x3FA6] =	sst s0  }
0x9: {  	[smem:$0x3FA7] =	sst s1  }
0xa: {  	[smem:$0x3FA8] =	sst s2  }
0xb: {  	[smem:$0x3FA9] =	sst s3  }
0xc: {  	[smem:$0x3FAA] =	sst s4  }
0xd: {  	[smem:$0x3FAB] =	sst s5  }
0xe: {  	[smem:$0x3FAC] =	sst s6  }
0xf: {  	[smem:$0x3FAD] =	sst s7  }
0x10: {  	[smem:$0x3FAE] =	sst s8  }
0x11: {  	[smem:$0x3FAF] =	sst s9;
	s0 =	simm.s32 @!p0 $0x0  }
0x12: {  	s1 =	sld [smem:$0x3F95];
	s0 =	simm.s32 @p0 $0x1  }
0x13: {  	[smem:$0x3FB0] =	sst s0;
	s0 =	simm.s32 @!p1 $0x0  }
0x14: {  	s2 =	sld [smem:$0x3F94];
	s0 =	simm.s32 @p1 $0x1  }
0x15: {  	[smem:$0x3FB1] =	sst s0;
	s0 =	simm.s32 @!p2 $0x0  }
0x16: {  	s3 =	sld [smem:$0x3FDB];
	s0 =	simm.s32 @p2 $0x1  }
0x17: {  	s4 =	simm.s32 $0x1BF5;
	[smem:$0x3FB3] =	sst s0  }
0x18: {  	s0 =	sld [smem:$0x3F96];
	_ =	swait.ge [sflag:s4], $0x0  }
0x19: {  	s7 =	sld [smem:$0x3F97]  }
0x1a: {  	s8 =	sadd.s32 $0xFFFFE003, lr  }
0x1b: {  	s9 =	sadd.s32 $0xFFFFFEF7, lr;
	s5 =	simm.s32 $0xFFFFFFFF;
	p2 =	slt.u32 s8, $0xFFFFF086  }
0x1c: {  	p1 =	slt.u32 s9, $0xF7A;
	s5 =	simm.s32 @!p2 $0x0  }
0x1d: {  	s5 =	simm.s32 @p1 $0x1;
	p0 =	seq.s32 s7, s2  }
0x1e: {  	s7 =	smul.u32 @!p0 $0xF7A, s2;
	p2 =	seq.s32 @!p0 s5, $0x0  }
0x1f: {  	s9 =	smul.u32 $0xF7A, s1;
	s8 =	simm.s32 @!p0 $0x1BF5;
	p2 =	por !p2, p0  }
0x20: {  	[sflag:s8] =	ssyncset.s32 @!p0 $0xFFFFF086;
	s6 =	sadd.s32 @!p0 s3, s7;
	s7 =	simm.s32 @!p0 $0x108  }
0x21: {  	s3 =	sadd.s32 s3, s9;
	s6 =	sadd.s32 @!p0 $0x88, s6;
	s7 =	simm.s32 @p2 $0x1082  }
0x22: {  	[simem:s7], [sflag:s8] =	dma.local @!p0 [hbm:s6], $0xF7A  }
0x23: {  	s9 =	sor.u32 $0xD0000000, s2;
	s6 =	simm.s32 $0x108;
	_ =	swait.ge @!p0 [sflag:s8], $0x0  }
0x24: {  	s3 =	sadd.s32 $0x88, s3;
	s6 =	simm.s32 @!p1 $0x1082;
	[sflag:s4] =	ssyncset.s32 $0xFFFFF086  }
0x25: {  	[simem:s6], [sflag:s4] =	dma.local [hbm:s3], $0xF7A  }
0x26: {  	[smem:$0x3F97] =	sst s1;
	(tag) =	ssettag s2;
	_ =	strace s9  }
0x27: {  	s1 =	sld [smem:$0x3FA7]  }
0x28: {  	s2 =	sld [smem:$0x3FA8]  }
0x29: {  	s4 =	sld [smem:$0x3FAA]  }
0x2a: {  	p0 =	seq.s32 s5, $0x0;
	s5 =	sld [smem:$0x3FAB]  }
0x2b: {  	s6 =	sld [smem:$0x3FAC]  }
0x2c: {  	s7 =	sld [smem:$0x3FAD]  }
0x2d: {  	s3 =	simm.s32 $0x108;
	s8 =	sld [smem:$0x3FAE]  }
0x2e: {  	s3 =	simm.s32 @!p0 $0x1082;
	s9 =	sld [smem:$0x3FAF]  }
0x2f: {  	lr =	sadd.s32 s0, s3;
	s0 =	sld [smem:$0x3FA6]  }
0x30: {  	s3 =	sld [smem:$0x3FA9]  }
0x31: {  	[smem:$0x3FB2] =	sst s10  }
0x32: {  	s10 =	sld [smem:$0x3FB0];
	_ =	sdelay $0x3  }
0x33: {  	p0 =	seq.s32 s10, $0x1;
	s10 =	sld [smem:$0x3FB2];
	_ =	sdelay $0x3  }
0x34: {  	[smem:$0x3FB2] =	sst s10  }
0x35: {  	s10 =	sld [smem:$0x3FB1];
	_ =	sdelay $0x3  }
0x36: {  	p1 =	seq.s32 s10, $0x1;
	s10 =	sld [smem:$0x3FB2];
	_ =	sdelay $0x3  }
0x37: {  	[smem:$0x3FB2] =	sst s10  }
0x38: {  	s10 =	sld [smem:$0x3FB3]  }
0x39: {  	_ = 	snop;
	(pc) =	sbr.ind lr, $3  }
0x3a: {  	_ = 	snop  }
0x3b: {  	_ = 	snop  }
0x3c: {  	p2 =	seq.s32 s10, $0x1;
	s10 =	sld [smem:$0x3FB2]  }
0x3d: {  	_ =	shalt  }
0x3e: {  	_ =	shalt  }
0x3f: {  	_ =	shalt  }
0x40: {  	_ =	shalt  }
0x41: {  	_ =	shalt  }
0x42: {  	_ =	shalt  }
0x43: {  	_ =	shalt  }
0x44: {  	_ =	shalt  }
0x45: {  	_ =	shalt  }
0x46: {  	_ =	shalt  }
0x47: {  	_ =	shalt  }
0x48: {  	_ =	shalt  }
0x49: {  	_ =	shalt  }
0x4a: {  	_ =	shalt  }
0x4b: {  	_ =	shalt  }
0x4c: {  	_ =	shalt  }
0x4d: {  	_ =	shalt  }
0x4e: {  	_ =	shalt  }
0x4f: {  	_ =	shalt  }
0x50: {  	_ =	shalt  }
0x51: {  	_ =	shalt  }
0x52: {  	_ =	shalt  }
0x53: {  	_ =	shalt  }
0x54: {  	_ =	shalt  }
0x55: {  	_ =	shalt  }
0x56: {  	_ =	shalt  }
0x57: {  	_ =	shalt  }
0x58: {  	_ =	shalt  }
0x59: {  	_ =	shalt  }
0x5a: {  	_ =	shalt  }
0x5b: {  	_ =	shalt  }
0x5c: {  	_ =	shalt  }
0x5d: {  	_ =	shalt  }
0x5e: {  	_ =	shalt  }
0x5f: {  	_ =	shalt  }
0x60: {  	_ =	shalt  }
0x61: {  	_ =	shalt  }
0x62: {  	_ =	shalt  }
0x63: {  	_ =	shalt  }
0x64: {  	_ =	shalt  }
0x65: {  	_ =	shalt  }
0x66: {  	_ =	shalt  }
0x67: {  	_ =	shalt  }
0x68: {  	_ =	shalt  }
0x69: {  	_ =	shalt  }
0x6a: {  	_ =	shalt  }
0x6b: {  	_ =	shalt  }
0x6c: {  	_ =	shalt  }
0x6d: {  	_ =	shalt  }
0x6e: {  	_ =	shalt  }
0x6f: {  	_ =	shalt  }
0x70: {  	_ =	shalt  }
0x71: {  	_ =	shalt  }
0x72: {  	_ =	shalt  }
0x73: {  	_ =	shalt  }
0x74: {  	_ =	shalt  }
0x75: {  	_ =	shalt  }
0x76: {  	_ =	shalt  }
0x77: {  	_ =	shalt  }
0x78: {  	_ =	shalt  }
0x79: {  	_ =	shalt  }
0x7a: {  	_ =	shalt  }
0x7b: {  	_ =	shalt  }
0x7c: {  	_ =	shalt  }
0x7d: {  	_ =	shalt  }
0x7e: {  	_ =	shalt  }
0x7f: {  	_ =	shalt  }
0x80: {  	_ =	shalt  }
0x81: {  	_ =	shalt  }
0x82: {  	_ =	shalt  }
0x83: {  	_ =	shalt  }
0x84: {  	_ =	shalt  }
0x85: {  	_ =	shalt  }
0x86: {  	_ =	shalt  }
0x87: {  	_ =	shalt  }
.Lfunc_end0:
.L_simem_size_0:
called_computation_lowered:
.L_overlay_start_0:
0x88: {  	s2 =	sld [smem:$0x3FD9]  }
0x89: {  	s3 =	sld [smem:$0x3FFE];
	_ =	sdelay $0x1  }
0x8a: {  	s1 =	srdreg.scid  }
0x8b: {  	s0 =	sand.u32 $0x1, s1  }
0x8c: {  	s16 =	sshll.u32 s0, $0xA;
	s2 =	sadd.s32 s3, s2  }
0x8d: {  	s2 =	sadd.s32 s2, s16  }
0x8e: {  	[smem:$0x3FBE] =	sst s2  }
0x8f: {  	_ = 	snop  }
0x90: {  	(tm) =	ssettm $0x1  }
0x91: {  	s17 =	sld [smem:$0x3FFB];
	_ =	sdelay $0x3  }
0x92: {  	_ =	strace s17  }
0x93: {  	s2 =	sld [smem:$0x3FFC];
	_ =	sdelay $0x3  }
0x94: {  	_ =	strace s2  }
0x95: {  	s2 =	sld [smem:$0x3FFD];
	_ =	sdelay $0x3  }
0x96: {  	_ =	strace s2  }
0x97: {  	_ =	strace $0x8FFFFFFF  }
0x98: {  	s18 =	sld [smem:$0x3FDB];
	_ =	sdelay $0x1  }
0x99: {  	s19 =	simm.s32 $_scs_section_size  }
0x9a: {  	s4 =	simm.s32 $_size__tile_overlayer_lowered;
	s5 =	simm.s32 $_tile_overlayer_lowered  }
0x9b: {  	s22 =	simm.s32 $0x1BFF;
	s21 =	sshll.u32 s5, $0x1;
	s2 =	sadd.s32 s19, s18  }
0x9c: {  	s6 =	simm.s32 $0x0;
	s20 =	sshll.u32 s4, $0x1;
	s4 =	sadd.s32 s21, s2  }
0x9d: {  	[timem:s6], [sflag:s22] =	dma.local [hbm:s4], s20  }
0x9e: {  	_ =	swait.ge [sflag:s22], s20  }
0x9f: {  	s3 =	ssub.s32 $0x0, s20;
	[sflag:s22] =	ssyncset.done $0x0  }
0xa0: {  	[sflag:s22] =	ssyncadd.s32 s3;
	_ =	sdelay $0x1  }
0xa1: {  	s23 =	simm.s32 $0x1B8B  }
0xa2: {  	_ =	swait.ge [sflag:s23], $0x1  }
0xa3: {  	[sflag:s23] =	ssyncset.done $0x0  }
0xa4: {  	s25 =	simm.s32 $0x1B8E;
	s24 =	sld [smem:$0x3FFE];
	[sflag:s23] =	ssyncadd.s32 $0xFFFFFFFF  }
0xa5: {  	s26 =	simm.s32 $execute0_lowered;
	[smem:$0x3FD2] =	sst s25  }
0xa6: {  	s4 =	sshll.u32 s26, $0x1;
	_ =	strace $0x80000046;
	[dreg:$0x1] =	wrdreg $0xFFFFFFFF  }
0xa7: {  	s28 =	simm.s32 $_size_execute0_lowered;
	s2 =	sadd.s32 s2, s4;
	[dreg:$0x0] =	wrdreg $0x0  }
0xa8: {  	s4 =	sshll.u32 s28, $0x1;
	[dreg:$0x2] =	wrdreg s2  }
0xa9: {  	[dreg:$0x3] =	wrdreg s4  }
0xaa: {  	[dreg:$0x4] =	wrdreg $0xC0  }
0xab: {  	_ =	task [dreg:s6], $0x5FFFF  }
0xac: {  	[dreg:$0x1] =	wrdreg $0xFFFFFFFF  }
0xad: {  	[dreg:$0x0] =	wrdreg $0x60  }
0xae: {  	[dreg:$0x2] =	wrdreg s24  }
0xaf: {  	[dreg:$0x3] =	wrdreg $0x118800  }
0xb0: {  	[dreg:$0x4] =	wrdreg $0x9  }
0xb1: {  	_ =	task.clear_ibuf [dreg:s6], $0x5FFFF;
	_ =	strace $0x90000046  }
0xb2: {  	s29 =	simm.s32 $0x9;
	_ =	strace $0x80000048  }
0xb3: {  	_ =	swait.ge [sflag:s29], $0x1  }
0xb4: {  	[sflag:s29] =	ssyncadd.s32 $0xFFFFFFFF  }
0xb5: {  	_ =	strace $0x90000048  }
0xb6: {  	_ =	sfence  }
0xb7: {  	s30 =	sld [smem:$0x0];
	_ =	sdelay $0x2  }
0xb8: {  	s31 =	sshll.u32 s1, $0xD;
	s1 =	sshrl.u32 s1, $0x2  }
0xb9: {  	s3 =	sand.u32 $0x4000, s31;
	s1 =	sadd.s32 s1, s30  }
0xba: {  	s0 =	sor.u32 s3, s0;
	s1 =	sshll.u32 s1, $0x11  }
0xbb: {  	s0 =	sor.u32 s1, s0  }
0xbc: {  	s0 =	sadd.s32 $0x8F2B, s0  }
0xbd: {  	[sflag:s0] =	ssyncadd.remote.s32 $0x1  }
0xbe: {  	_ =	sfence.sel $0xFFFF  }
0xbf: {  	[dreg:$0x0] =	wrdreg $0xFFFFFFFF;
	(pc) =	sbr.abs _section_cstart, $3  }
0xc0: {  	[dreg:$0x1] =	wrdreg $0xFFFFFFFF  }
0xc1: {  	_ =	task.clear_ibuf [dreg:s6], $0x2FFFF;
	_ =	strace $0x9FFFFFFF  }
0xc2: {  	(tm) =	ssettm $0x7FFFFFFF  }
0xc3: {  	_ =	shalt  }
tec
execute0_lowered:
.L_overlay_start_1:
0x0: {  	(tag) =	ssettag $0x1  }
0x1: {  	s0 =	srdreg.scid  }
0x2: {  	s19 =	stileid.u32;
	s1 =	rddreg [dreg:$0x0]  }
0x3: {  	s2 =	rddreg [dreg:$0x1];
	s4 =	simm.s32 $0x0;
	s18 =	simm.s32 $0x3  }
0x4: {  	s20 =	simm.s32 $0xD880;
	s21 =	simm.s32 $0x80;
	s22 =	simm.s32 $0x5880  }
0x5: {  	s23 =	simm.s32 $0x9880;
	s24 =	simm.s32 $0x1;
	s25 =	simm.s32 $0x2  }
0x6: {  	s26 =	simm.s32 $0x5800;
	s28 =	simm.s32 $0x0;
	s0 =	sand.u32 $0x1, s0  }
0x7: {  	s3 =	sshll.u32 s19, $0x1;
	[smem:$0x7FF] =	sst s4;
	s8 =	smul.u32 $0xA000, s19  }
0x8: {  	s4 =	sadd.s32 $0x17800, s1;
	s5 =	sadd.s32 $0x3F800, s1;
	s9 =	smul.u32 $0x28000, s19  }
0x9: {  	s6 =	sadd.s32 $0x67800, s1;
	s3 =	sor.u32 s0, s3;
	s7 =	smul.u32 $0xA0000, s0  }
0xa: {  	s12 =	sadd.s32 $0xA0000, s2;
	s0 =	ssub.s32 $0x2, s0;
	s3 =	smul.u32 $0x580, s3  }
0xb: {  	p0 =	sne.s32 s19, $0x0;
	_ =	strace $0x80000047;
	s30 =	sshrl.u32 s0, $0x1  }
0xc: {  	s9 =	sshrl.u32 s9, $0x2;
	s7 =	sadd.s32 s8, s7;
	s3 =	sadd.s32 s3, s1  }
0xd: {  	s0 =	ssub.s32 s0, s30;
	s7 =	sshrl.u32 s7, $0x3;
	s31 =	sadd.s32 $0x1800, s3  }
0xe: {  	v1 =	vlaneseq.u32;
	s17 =	smax.u32 s0, $0x1;
	s3 =	sadd.s32 $0xC800, s3;
	[dreg:$0x3] =	wrdreg s31  }
0xf: {  	v0 =	vimm.f32 $0.0e+00;
	vm0 =	vmmov $0x3f;
	v2 =	vimm.s32 $0x0;
	s1 =	sadd.s32 s7, s1;
	s7 =	sadd.s32 s9, s2;
	[dreg:$0x4] =	wrdreg s3  }
0x10: {  	v3 =	vimm.s32 $0x1;
	v4 =	vimm.s32 $0x2;
	v5 =	vimm.s32 $0x3;
	s10 =	sadd.s32 $0x4000, s7;
	s11 =	sadd.s32 $0x8000, s7;
	s13 =	sadd.s32 $0x8F800, s1  }
0x11: {  	v6 =	vimm.s32 $0x4;
	v7 =	vimm.s32 $0x5;
	v1 =	vor.u32 $0x1400, v1;
	s14 =	sadd.s32 $0xB7800, s1;
	s15 =	sadd.s32 $0xDF800, s1;
	s16 =	sadd.s32 $0x107800, s1  }
.LBB2_1:
0x12: {  	s0 =	simm.s32 $0x0;
	s1 =	rddreg [dreg:$0x3]  }
0x13: {  	[tilespmem:s0], [sflag:$0x3] =	stream.linear.gather [hbm4b:s1+s0], $0x2880, $0x38;
	[tilespmem:$0x1BC80] =	vst v63  }
0x14: {  	_ =	swait.ge [sflag:s18], $0x2880  }
0x15: {  	[sflag:s18] =	ssyncset.done $0x0  }
0x16: {  	s3 =	simm.s32 $0x2C00;
	s31 =	rddreg [dreg:$0x4];
	[sflag:s18] =	ssyncadd.s32 $0xFFFFD780  }
0x17: {  	[tilespmem:s3], [sflag:$0x3] =	stream.linear.gather [hbm4b:s31+s0], $0x2880, $0x38;
	[tilespmem:$0x1BC80] =	vst v63  }
0x18: {  	_ =	swait.ge [sflag:s18], $0x2880  }
0x19: {  	[sflag:s18] =	ssyncset.done $0x0  }
0x1a: {  	s1 =	simm.s32 $0x200;
	s0 =	simm.s32 $0x0;
	[sflag:s18] =	ssyncadd.s32 $0xFFFFD780  }
.LBB2_2:
0x1b: {  	p1 =	sne.s32 s1, $0xFE00;
	[tilespmem:s0+$0xD8F0] =	vst v0  }
0x1c: {  	[tilespmem:s0+$0xD880] =	vst v0  }
0x1d: {  	[tilespmem:s0+$0xD890] =	vst v0  }
.Ltmp0:
0x1e: {  	[tilespmem:s0+$0xD8A0] =	vst v0;
	(pc) =	sbr.rel @p1 .LBB2_2-.Ltmp0, $4  }
0x1f: {  	[tilespmem:s0+$0xD8B0] =	vst v0  }
0x20: {  	[tilespmem:s0+$0xD8C0] =	vst v0  }
0x21: {  	[tilespmem:s0+$0xD8D0] =	vst v0  }
0x22: {  	[tilespmem:s0+$0xD8E0] =	vst v0;
	s0 =	sshra.s32 s1, $0x2;
	s1 =	sadd.s32 $0x200, s1  }
0x23: {  	[tilespmem:s0+$0xD8F0] =	vst v0  }
0x24: {  	[tilespmem:s0+$0xD880] =	vst v0  }
0x25: {  	[tilespmem:s0+$0xD890] =	vst v0  }
0x26: {  	[tilespmem:s0+$0xD8A0] =	vst v0  }
0x27: {  	[tilespmem:s0+$0xD8B0] =	vst v0  }
0x28: {  	[tilespmem:s0+$0xD8C0] =	vst v0  }
0x29: {  	[tilespmem:s0+$0xD8D0] =	vst v0  }
0x2a: {  	[tilespmem:s0+$0xD8E0] =	vst v0  }
0x2b: {  	[spmem:s7] =	stream.linear.scatter [tilespmem:s20], [sflag:$0x3], $0x4000, $0x38;
	[tilespmem:$0x1BC80] =	vst v63  }
0x2c: {  	_ =	swait.ge [sflag:s18], $0x4000  }
0x2d: {  	[sflag:s18] =	ssyncset.done $0x0  }
0x2e: {  	[sflag:s18] =	ssyncadd.s32 $0xFFFFC000  }
0x2f: {  	[spmem:s10] =	stream.linear.scatter [tilespmem:s20], [sflag:$0x3], $0x4000, $0x38;
	[tilespmem:$0x1BC80] =	vst v63  }
0x30: {  	_ =	swait.ge [sflag:s18], $0x4000  }
0x31: {  	[sflag:s18] =	ssyncset.done $0x0  }
0x32: {  	[sflag:s18] =	ssyncadd.s32 $0xFFFFC000  }
0x33: {  	[spmem:s11] =	stream.linear.scatter [tilespmem:s20], [sflag:$0x3], $0x2000, $0x38;
	[tilespmem:$0x1BC80] =	vst v63  }
0x34: {  	_ =	swait.ge [sflag:s18], $0x2000  }
0x35: {  	[sflag:s18] =	ssyncset.done $0x0  }
0x36: {  	s0 =	simm.s32 @!p0 $0xD880;
	[sflag:s18] =	ssyncadd.s32 $0xFFFFE000  }
0x37: {  	[spmem:s12] =	stream.linear.scatter @!p0 [tilespmem:s0], [sflag:$0x3], $0x4000, $0x38;
	[tilespmem:$0x1BC80] =	vst v63  }
0x38: {  	s0 =	simm.s32 @!p0 $0x3  }
0x39: {  	_ =	swait.ge @!p0 [sflag:s0], $0x4000  }
0x3a: {  	[sflag:s0] =	ssyncset.done @!p0 $0x0  }
0x3b: {  	[sflag:s0] =	ssyncadd.s32 @!p0 $0xFFFFC000  }
0x3c: {  	s29 =	simm.s32 $0x0;
	[bflag:$0x0] =	sbarrier.arrive $0xFFFF  }
.LBB2_4:
0x3d: {  	s0 =	sshll.u32 s29, $0x7  }
0x3e: {  	[tilespmem:s22], [sflag:$0x1] =	stream.indirect.gather [hbm4b:s4+s21], $0x80, s0, s21, $0xb8;
	[tilespmem:$0x1BC80] =	vst v63  }
0x3f: {  	s1 =	sadd.s32 $0x2C00, s0  }
0x40: {  	[tilespmem:s23], [sflag:$0x2] =	stream.indirect.gather [hbm4b:s6+s21], $0x80, s1, s21, $0xb8;
	[tilespmem:$0x1BC80] =	vst v63  }
0x41: {  	v8 =	vld [tilespmem:s0+$0x2C00];
	_ =	sdelay $0x4  }
0x42: {  	vm1 =	vlt.u32 v8, $0x1400  }
0x43: {  	v8 =	vsel vm1, v8, v1  }
0x44: {  	[tilespmem:$0x5800] =	vst v8  }
0x45: {  	v8 =	vld [tilespmem:s0+$0x2C10];
	_ =	sdelay $0x4  }
0x46: {  	vm1 =	vlt.u32 v8, $0x1400  }
0x47: {  	v8 =	vsel vm1, v8, v1  }
0x48: {  	[tilespmem:$0x5810] =	vst v8  }
0x49: {  	v8 =	vld [tilespmem:s0+$0x2C20];
	_ =	sdelay $0x4  }
0x4a: {  	vm1 =	vlt.u32 v8, $0x1400  }
0x4b: {  	v8 =	vsel vm1, v8, v1  }
0x4c: {  	[tilespmem:$0x5820] =	vst v8  }
0x4d: {  	v8 =	vld [tilespmem:s0+$0x2C30];
	_ =	sdelay $0x4  }
0x4e: {  	vm1 =	vlt.u32 v8, $0x1400  }
0x4f: {  	v8 =	vsel vm1, v8, v1  }
0x50: {  	[tilespmem:$0x5830] =	vst v8  }
0x51: {  	v8 =	vld [tilespmem:s0+$0x2C40];
	_ =	sdelay $0x4  }
0x52: {  	vm1 =	vlt.u32 v8, $0x1400  }
0x53: {  	v8 =	vsel vm1, v8, v1  }
0x54: {  	[tilespmem:$0x5840] =	vst v8  }
0x55: {  	v8 =	vld [tilespmem:s0+$0x2C50];
	_ =	sdelay $0x4  }
0x56: {  	vm1 =	vlt.u32 v8, $0x1400  }
0x57: {  	v8 =	vsel vm1, v8, v1  }
0x58: {  	[tilespmem:$0x5850] =	vst v8  }
0x59: {  	v8 =	vld [tilespmem:s0+$0x2C60];
	_ =	sdelay $0x4  }
0x5a: {  	vm1 =	vlt.u32 v8, $0x1400  }
0x5b: {  	v8 =	vsel vm1, v8, v1  }
0x5c: {  	[tilespmem:$0x5860] =	vst v8  }
0x5d: {  	v8 =	vld [tilespmem:s0+$0x2C70];
	_ =	sdelay $0x4  }
0x5e: {  	vm1 =	vlt.u32 v8, $0x1400  }
0x5f: {  	v8 =	vsel vm1, v8, v1  }
0x60: {  	[tilespmem:$0x5870] =	vst v8  }
0x61: {  	_ =	swait.ge [sflag:s24], $0x4000  }
0x62: {  	[sflag:s24] =	ssyncset.done $0x0  }
0x63: {  	[sflag:s24] =	ssyncadd.s32 $0xFFFFC000  }
0x64: {  	_ =	swait.ge [sflag:s25], $0x4000  }
0x65: {  	[sflag:s25] =	ssyncset.done $0x0  }
0x66: {  	s0 =	simm.s32 $0x0;
	[sflag:s25] =	ssyncadd.s32 $0xFFFFC000  }
0x67: {  	v8 =	vld [tilespmem:s0+$0x5880]  }
0x68: {  	v9 =	vld [tilespmem:s0+$0x9880];
	_ =	sdelay $0x4  }
0x69: {  	v8 =	vadd.f32 v9, v8;
	_ =	sdelay $0x1  }
0x6a: {  	s19 =	simm.s32 $0x80;
	v9 =	vmul.f32 $2.000000030e-01, v8  }
0x6b: {  	v11 =	vld [tilespmem:s19+$0x9880];
	vm1 =	vge.f32 v8, $0.0e+00  }
0x6c: {  	v8 =	vsel vm1, v8, v9;
	v9 =	vld [tilespmem:s19+$0x5880]  }
0x6d: {  	v8 =	vmin.f32 v8, $6.000000000e+01  }
0x6e: {  	v8 =	vmul.f32 $1.442695020e+00, v8;
	_ =	sdelay $0x1  }
0x6f: {  	s1 =	simm.s32 $0x100;
	(erf) = vpow2.f32 v8  }
0x70: {  	v12 =	vld [tilespmem:s1+$0x5880];
	v9 =	vadd.f32 v11, v9  }
0x71: {  	v13 =	vld [tilespmem:s1+$0x9880]  }
0x72: {  	v14 =	vld [tilespmem:s0+$0x58E0];
	v11 =	vmul.f32 $2.000000030e-01, v9  }
0x73: {  	v10 =	vld [tilespmem:s19+$0x58E0];
	vm1 =	vge.f32 v9, $0.0e+00  }
0x74: {  	v19 =	vld [tilespmem:s0+$0x58D0];
	v9 =	vsel vm1, v9, v11  }
0x75: {  	v15 =	vld [tilespmem:s0+$0x58F0];
	v9 =	vmin.f32 v9, $6.000000000e+01  }
0x76: {  	v16 =	vld [tilespmem:s0+$0x58B0];
	v12 =	vadd.f32 v13, v12;
	v13 =	vmul.f32 $1.442695020e+00, v9  }
0x77: {  	v17 =	vld [tilespmem:s0+$0x58A0]  }
0x78: {  	s30 =	simm.s32 $0x180;
	v18 =	vld [tilespmem:s0+$0x58C0];
	v23 =	vmul.f32 $2.000000030e-01, v12;
	v11 =	vpop (erf);
	(erf) = vpow2.f32 v13  }
0x79: {  	v20 =	vld [tilespmem:s30+$0x5880];
	vm1 =	vge.f32 v12, $0.0e+00  }
0x7a: {  	v21 =	vld [tilespmem:s30+$0x9880];
	v12 =	vsel vm1, v12, v23;
	v22 =	vnsel vm0, $0x0, v11  }
0x7b: {  	v8 =	vld [tilespmem:s1+$0x58E0];
	v26 =	vmin.f32 v12, $6.000000000e+01;
	v24 =	vperm.xlane v22, v2  }
0x7c: {  	v9 =	vld [tilespmem:s30+$0x58E0];
	v62 =	vmul.f32 $1.442695020e+00, v26;
	v61 =	vperm.xlane v22, v4  }
0x7d: {  	v11 =	vld [tilespmem:s19+$0x58D0];
	[tilespmem:s0+$0xD8E0] =	vst v22;
	v22 =	vperm.xlane v22, v3;
	v25 =	vmul.f32 v17, v24  }
0x7e: {  	(erf) = vpow2.f32 v62;
	v13 =	vld [tilespmem:s19+$0x58F0];
	v63 =	vmul.f32 v14, v61  }
0x7f: {  	v12 =	vld [tilespmem:s19+$0x58B0];
	v17 =	vmul.f32 v16, v24;
	v16 =	vmul.f32 v18, v22;
	[tilespmem:s0+$0xD880] =	vst v25  }
0x80: {  	s3 =	simm.s32 $0x800;
	v18 =	vmul.f32 v15, v61;
	v15 =	vadd.f32 v21, v20;
	v19 =	vmul.f32 v19, v22;
	v14 =	vld [tilespmem:s19+$0x58A0];
	[tilespmem:s0+$0xD8C0] =	vst v63  }
.LBB2_5:
0x81: {  	s8 =	sshra.s32 s3, $0x2;
	p1 =	sne.s32 s3, $0xFE00;
	s3 =	sadd.s32 $0x200, s3;
	v20 =	vld [tilespmem:s19+$0x58C0];
	v21 =	vpop (erf);
	[tilespmem:s0+$0xD890] =	vst v17;
	v22 =	vmov v9  }
0x82: {  	v23 =	vld [tilespmem:s8+$0x5880];
	v17 =	vmul.f32 $2.000000030e-01, v15;
	v21 =	vnsel vm0, $0x0, v21;
	[tilespmem:s0+$0xD8D0] =	vst v18;
	v24 =	vmov v11  }
0x83: {  	vm1 =	vge.f32 v15, $0.0e+00;
	v25 =	vld [tilespmem:s8+$0x9880];
	v18 =	vperm.xlane v21, v2;
	v26 =	vperm.xlane v21, v3;
	[tilespmem:s0+$0xD8B0] =	vst v19;
	v19 =	vmovc v13  }
.Ltmp1:
0x84: {  	v9 =	vld [tilespmem:s8+$0x58E0];
	v11 =	vsel vm1, v15, v17;
	v15 =	vperm.xlane v21, v4;
	[tilespmem:s0+$0xD8A0] =	vst v16;
	s0 =	smov.u32 s19;
	s19 =	smov.u32 s1;
	(pc) =	sbr.rel @p1 .LBB2_5-.Ltmp1, $4  }
0x85: {  	s1 =	smov.u32 s30;
	s30 =	smov.u32 s8;
	v13 =	vmin.f32 v11, $6.000000000e+01;
	v11 =	vld [tilespmem:s19+$0x58D0];
	[tilespmem:s0+$0xD8E0] =	vst v21;
	v14 =	vmul.f32 v14, v18;
	v17 =	vmul.f32 v12, v18  }
0x86: {  	v21 =	vmul.f32 $1.442695020e+00, v13;
	v13 =	vld [tilespmem:s19+$0x58F0];
	v27 =	vmul.f32 v10, v15;
	v10 =	vmovc v8;
	v8 =	vmov v22  }
0x87: {  	v16 =	vmul.f32 v20, v26;
	v18 =	vmul.f32 v19, v15;
	v12 =	vld [tilespmem:s19+$0x58B0];
	[tilespmem:s0+$0xD880] =	vst v14  }
0x88: {  	v19 =	vmul.f32 v24, v26;
	v15 =	vadd.f32 v25, v23;
	(erf) = vpow2.f32 v21;
	v14 =	vld [tilespmem:s19+$0x58A0];
	[tilespmem:s0+$0xD8C0] =	vst v27  }
0x89: {  	v20 =	vld [tilespmem:s19+$0x58C0];
	[tilespmem:s0+$0xD890] =	vst v17;
	v46 =	vpop (erf)  }
0x8a: {  	[tilespmem:s0+$0xD8D0] =	vst v18;
	v17 =	vnsel vm0, $0x0, v46  }
0x8b: {  	[tilespmem:s0+$0xD8A0] =	vst v16;
	v47 =	vperm.xlane v17, v2  }
0x8c: {  	[tilespmem:s0+$0xD8B0] =	vst v19;
	v23 =	vmul.f32 $2.000000030e-01, v15;
	v48 =	vperm.xlane v17, v4  }
0x8d: {  	vm1 =	vge.f32 v15, $0.0e+00;
	v18 =	vld [tilespmem:s1+$0x58D0];
	[tilespmem:s19+$0xD8E0] =	vst v17;
	v14 =	vmul.f32 v14, v47  }
0x8e: {  	v21 =	vld [tilespmem:s1+$0x58F0];
	v15 =	vsel vm1, v15, v23;
	v10 =	vmul.f32 v10, v48  }
0x8f: {  	v22 =	vld [tilespmem:s1+$0x58B0];
	v49 =	vmin.f32 v15, $6.000000000e+01;
	[tilespmem:s19+$0xD880] =	vst v14  }
0x90: {  	v14 =	vld [tilespmem:s1+$0x58A0];
	[tilespmem:s19+$0xD8C0] =	vst v10;
	v10 =	vmul.f32 $1.442695020e+00, v49  }
0x91: {  	v17 =	vperm.xlane v17, v3;
	v12 =	vmul.f32 v12, v47  }
0x92: {  	v13 =	vmul.f32 v13, v48;
	(erf) = vpow2.f32 v10  }
0x93: {  	v11 =	vmul.f32 v11, v17;
	v50 =	vld [tilespmem:s1+$0x58C0];
	[tilespmem:s19+$0xD890] =	vst v12;
	v52 =	vpop (erf)  }
0x94: {  	v51 =	vmul.f32 v20, v17;
	[tilespmem:s19+$0xD8D0] =	vst v13;
	v10 =	vnsel vm0, $0x0, v52  }
0x95: {  	[tilespmem:s19+$0xD8B0] =	vst v11;
	v53 =	vperm.xlane v10, v2  }
0x96: {  	[tilespmem:s19+$0xD8A0] =	vst v51  }
0x97: {  	v12 =	vld [tilespmem:s30+$0x58D0];
	[tilespmem:s1+$0xD8E0] =	vst v10;
	v54 =	vperm.xlane v10, v4;
	v14 =	vmul.f32 v14, v53  }
0x98: {  	v55 =	vld [tilespmem:s30+$0x58F0]  }
0x99: {  	v56 =	vld [tilespmem:s30+$0x58B0];
	v8 =	vmul.f32 v8, v54;
	[tilespmem:s1+$0xD880] =	vst v14  }
0x9a: {  	v10 =	vperm.xlane v10, v3;
	v11 =	vmul.f32 v22, v53;
	v14 =	vld [tilespmem:s30+$0x58A0]  }
0x9b: {  	[tilespmem:s1+$0xD8C0] =	vst v8;
	v8 =	vmul.f32 v21, v54;
	v58 =	vpop (erf)  }
0x9c: {  	v18 =	vmul.f32 v18, v10;
	v57 =	vld [tilespmem:s30+$0x58C0];
	[tilespmem:s1+$0xD890] =	vst v11;
	v59 =	vnsel vm0, $0x0, v58  }
0x9d: {  	v10 =	vmul.f32 v50, v10;
	[tilespmem:s1+$0xD8D0] =	vst v8;
	v8 =	vperm.xlane v59, v2  }
0x9e: {  	[tilespmem:s1+$0xD8B0] =	vst v18;
	v60 =	vperm.xlane v59, v4  }
0x9f: {  	[tilespmem:s1+$0xD8A0] =	vst v10;
	v61 =	vmul.f32 v14, v8  }
0xa0: {  	[tilespmem:s30+$0xD8E0] =	vst v59;
	v9 =	vmul.f32 v9, v60  }
0xa1: {  	v11 =	vperm.xlane v59, v3;
	v8 =	vmul.f32 v56, v8;
	[tilespmem:s30+$0xD880] =	vst v61  }
0xa2: {  	v62 =	vmul.f32 v55, v60;
	[tilespmem:s30+$0xD8C0] =	vst v9  }
0xa3: {  	v63 =	vmul.f32 v12, v11;
	[tilespmem:s30+$0xD890] =	vst v8  }
0xa4: {  	s29 =	sadd.s32 $0x1, s29;
	v8 =	vmul.f32 v57, v11;
	[tilespmem:s30+$0xD8D0] =	vst v62  }
0xa5: {  	p1 =	sne.s32 s29, $0x51;
	[tilespmem:s30+$0xD8B0] =	vst v63  }
.Ltmp2:
0xa6: {  	[tilespmem:s30+$0xD8A0] =	vst v8;
	(pc) =	sbr.rel @p1 .LBB2_4-.Ltmp2, $4  }
0xa7: {  	[spmem:s2] =	stream.indirect.scatter.add.f32 [tilespmem:s20], [sflag:$0x3], $0x80, s26, s21, $0xb8;
	[tilespmem:$0x1BC80] =	vst v63  }
0xa8: {  	_ =	swait.ge [sflag:s18], $0x4000  }
0xa9: {  	[sflag:s18] =	ssyncset.done $0x0  }
0xaa: {  	[sflag:s18] =	ssyncadd.s32 $0xFFFFC000  }
0xab: {  	s0 =	stileid.u32  }
0xac: {  	s0 =	sshll.u32 s0, $0x6  }
0xad: {  	[bflag:$0x0] =	sbarrier.arrive $0xFFFF;
	s30 =	sshrl.u32 s7, $0x3;
	s29 =	sor.u32 $0x1C03, s0  }
0xae: {  	[hbm:s13], [sflag:s29] =	dma.local [spmem:s30], $0x1400  }
0xaf: {  	_ =	swait.ge [sflag:s18], $0x1400  }
0xb0: {  	[sflag:s18] =	ssyncset.done $0x0  }
0xb1: {  	[sflag:s18] =	ssyncadd.s32 $0xFFFFEC00  }
0xb2: {  	s1 =	simm.s32 $0x200;
	s0 =	simm.s32 $0x0;
	[bflag:$0x0] =	sbarrier.arrive $0xFFFF  }
.LBB2_8:
0xb3: {  	p1 =	sne.s32 s1, $0xFE00;
	[tilespmem:s0+$0xD8F0] =	vst v0  }
0xb4: {  	[tilespmem:s0+$0xD880] =	vst v0  }
0xb5: {  	[tilespmem:s0+$0xD890] =	vst v0  }
.Ltmp3:
0xb6: {  	[tilespmem:s0+$0xD8A0] =	vst v0;
	(pc) =	sbr.rel @p1 .LBB2_8-.Ltmp3, $4  }
0xb7: {  	[tilespmem:s0+$0xD8B0] =	vst v0  }
0xb8: {  	[tilespmem:s0+$0xD8C0] =	vst v0  }
0xb9: {  	[tilespmem:s0+$0xD8D0] =	vst v0  }
0xba: {  	[tilespmem:s0+$0xD8E0] =	vst v0;
	s0 =	sshra.s32 s1, $0x2;
	s1 =	sadd.s32 $0x200, s1  }
0xbb: {  	[tilespmem:s0+$0xD8F0] =	vst v0  }
0xbc: {  	[tilespmem:s0+$0xD880] =	vst v0  }
0xbd: {  	[tilespmem:s0+$0xD890] =	vst v0  }
0xbe: {  	[tilespmem:s0+$0xD8A0] =	vst v0  }
0xbf: {  	[tilespmem:s0+$0xD8B0] =	vst v0  }
0xc0: {  	[tilespmem:s0+$0xD8C0] =	vst v0  }
0xc1: {  	[tilespmem:s0+$0xD8D0] =	vst v0  }
0xc2: {  	[tilespmem:s0+$0xD8E0] =	vst v0  }
0xc3: {  	[spmem:s7] =	stream.linear.scatter [tilespmem:s20], [sflag:$0x3], $0x4000, $0x38;
	[tilespmem:$0x1BC80] =	vst v63  }
0xc4: {  	_ =	swait.ge [sflag:s18], $0x4000  }
0xc5: {  	[sflag:s18] =	ssyncset.done $0x0  }
0xc6: {  	[sflag:s18] =	ssyncadd.s32 $0xFFFFC000  }
0xc7: {  	[spmem:s10] =	stream.linear.scatter [tilespmem:s20], [sflag:$0x3], $0x4000, $0x38;
	[tilespmem:$0x1BC80] =	vst v63  }
0xc8: {  	_ =	swait.ge [sflag:s18], $0x4000  }
0xc9: {  	[sflag:s18] =	ssyncset.done $0x0  }
0xca: {  	[sflag:s18] =	ssyncadd.s32 $0xFFFFC000  }
0xcb: {  	[spmem:s11] =	stream.linear.scatter [tilespmem:s20], [sflag:$0x3], $0x2000, $0x38;
	[tilespmem:$0x1BC80] =	vst v63  }
0xcc: {  	_ =	swait.ge [sflag:s18], $0x2000  }
0xcd: {  	[sflag:s18] =	ssyncset.done $0x0  }
0xce: {  	s0 =	simm.s32 @!p0 $0xD880;
	[sflag:s18] =	ssyncadd.s32 $0xFFFFE000  }
0xcf: {  	[spmem:s12] =	stream.linear.scatter @!p0 [tilespmem:s0], [sflag:$0x3], $0x4000, $0x38;
	[tilespmem:$0x1BC80] =	vst v63  }
0xd0: {  	s0 =	simm.s32 @!p0 $0x3  }
0xd1: {  	_ =	swait.ge @!p0 [sflag:s0], $0x4000  }
0xd2: {  	[sflag:s0] =	ssyncset.done @!p0 $0x0  }
0xd3: {  	[sflag:s0] =	ssyncadd.s32 @!p0 $0xFFFFC000  }
0xd4: {  	s31 =	simm.s32 $0x0;
	[bflag:$0x0] =	sbarrier.arrive $0xFFFF  }
.LBB2_10:
0xd5: {  	s0 =	sshll.u32 s31, $0x7  }
0xd6: {  	[tilespmem:s22], [sflag:$0x1] =	stream.indirect.gather [hbm4b:s4+s21], $0x80, s0, s21, $0xb8;
	[tilespmem:$0x1BC80] =	vst v63  }
0xd7: {  	s1 =	sadd.s32 $0x2C00, s0  }
0xd8: {  	[tilespmem:s23], [sflag:$0x2] =	stream.indirect.gather [hbm4b:s6+s21], $0x80, s1, s21, $0xb8;
	[tilespmem:$0x1BC80] =	vst v63  }
0xd9: {  	v8 =	vld [tilespmem:s0+$0x2C00];
	_ =	sdelay $0x4  }
0xda: {  	v8 =	vadd.s32 $0xFFFFEC00, v8  }
0xdb: {  	vm1 =	vlt.u32 v8, $0x1400  }
0xdc: {  	v8 =	vsel vm1, v8, v1  }
0xdd: {  	[tilespmem:$0x5800] =	vst v8  }
0xde: {  	v8 =	vld [tilespmem:s0+$0x2C10];
	_ =	sdelay $0x4  }
0xdf: {  	v8 =	vadd.s32 $0xFFFFEC00, v8  }
0xe0: {  	vm1 =	vlt.u32 v8, $0x1400  }
0xe1: {  	v8 =	vsel vm1, v8, v1  }
0xe2: {  	[tilespmem:$0x5810] =	vst v8  }
0xe3: {  	v8 =	vld [tilespmem:s0+$0x2C20];
	_ =	sdelay $0x4  }
0xe4: {  	v8 =	vadd.s32 $0xFFFFEC00, v8  }
0xe5: {  	vm1 =	vlt.u32 v8, $0x1400  }
0xe6: {  	v8 =	vsel vm1, v8, v1  }
0xe7: {  	[tilespmem:$0x5820] =	vst v8  }
0xe8: {  	v8 =	vld [tilespmem:s0+$0x2C30];
	_ =	sdelay $0x4  }
0xe9: {  	v8 =	vadd.s32 $0xFFFFEC00, v8  }
0xea: {  	vm1 =	vlt.u32 v8, $0x1400  }
0xeb: {  	v8 =	vsel vm1, v8, v1  }
0xec: {  	[tilespmem:$0x5830] =	vst v8  }
0xed: {  	v8 =	vld [tilespmem:s0+$0x2C40];
	_ =	sdelay $0x4  }
0xee: {  	v8 =	vadd.s32 $0xFFFFEC00, v8  }
0xef: {  	vm1 =	vlt.u32 v8, $0x1400  }
0xf0: {  	v8 =	vsel vm1, v8, v1  }
0xf1: {  	[tilespmem:$0x5840] =	vst v8  }
0xf2: {  	v8 =	vld [tilespmem:s0+$0x2C50];
	_ =	sdelay $0x4  }
0xf3: {  	v8 =	vadd.s32 $0xFFFFEC00, v8  }
0xf4: {  	vm1 =	vlt.u32 v8, $0x1400  }
0xf5: {  	v8 =	vsel vm1, v8, v1  }
0xf6: {  	[tilespmem:$0x5850] =	vst v8  }
0xf7: {  	v8 =	vld [tilespmem:s0+$0x2C60];
	_ =	sdelay $0x4  }
0xf8: {  	v8 =	vadd.s32 $0xFFFFEC00, v8  }
0xf9: {  	vm1 =	vlt.u32 v8, $0x1400  }
0xfa: {  	v8 =	vsel vm1, v8, v1  }
0xfb: {  	[tilespmem:$0x5860] =	vst v8  }
0xfc: {  	v8 =	vld [tilespmem:s0+$0x2C70];
	_ =	sdelay $0x4  }
0xfd: {  	v8 =	vadd.s32 $0xFFFFEC00, v8  }
0xfe: {  	vm1 =	vlt.u32 v8, $0x1400  }
0xff: {  	v8 =	vsel vm1, v8, v1  }
0x100: {  	[tilespmem:$0x5870] =	vst v8  }
0x101: {  	_ =	swait.ge [sflag:s24], $0x4000  }
0x102: {  	[sflag:s24] =	ssyncset.done $0x0  }
0x103: {  	[sflag:s24] =	ssyncadd.s32 $0xFFFFC000  }
0x104: {  	_ =	swait.ge [sflag:s25], $0x4000  }
0x105: {  	[sflag:s25] =	ssyncset.done $0x0  }
0x106: {  	s3 =	simm.s32 $0x0;
	[sflag:s25] =	ssyncadd.s32 $0xFFFFC000  }
0x107: {  	v8 =	vld [tilespmem:s3+$0x5880]  }
0x108: {  	v9 =	vld [tilespmem:s3+$0x9880];
	_ =	sdelay $0x4  }
0x109: {  	v8 =	vadd.f32 v9, v8;
	_ =	sdelay $0x1  }
0x10a: {  	s0 =	simm.s32 $0x80;
	v9 =	vmul.f32 $2.000000030e-01, v8  }
0x10b: {  	v11 =	vld [tilespmem:s0+$0x9880];
	vm1 =	vge.f32 v8, $0.0e+00  }
0x10c: {  	v8 =	vsel vm1, v8, v9;
	v9 =	vld [tilespmem:s0+$0x5880]  }
0x10d: {  	v8 =	vmin.f32 v8, $6.000000000e+01  }
0x10e: {  	v8 =	vmul.f32 $1.442695020e+00, v8;
	_ =	sdelay $0x1  }
0x10f: {  	s19 =	simm.s32 $0x100;
	(erf) = vpow2.f32 v8  }
0x110: {  	v12 =	vld [tilespmem:s19+$0x5880];
	v9 =	vadd.f32 v11, v9  }
0x111: {  	v13 =	vld [tilespmem:s19+$0x9880]  }
0x112: {  	v14 =	vld [tilespmem:s3+$0x58E0];
	v11 =	vmul.f32 $2.000000030e-01, v9  }
0x113: {  	v10 =	vld [tilespmem:s0+$0x58E0];
	vm1 =	vge.f32 v9, $0.0e+00  }
0x114: {  	v19 =	vld [tilespmem:s3+$0x58D0];
	v9 =	vsel vm1, v9, v11  }
0x115: {  	v15 =	vld [tilespmem:s3+$0x58F0];
	v9 =	vmin.f32 v9, $6.000000000e+01  }
0x116: {  	v16 =	vld [tilespmem:s3+$0x58B0];
	v12 =	vadd.f32 v13, v12;
	v13 =	vmul.f32 $1.442695020e+00, v9  }
0x117: {  	v17 =	vld [tilespmem:s3+$0x58A0]  }
0x118: {  	s1 =	simm.s32 $0x180;
	v18 =	vld [tilespmem:s3+$0x58C0];
	v23 =	vmul.f32 $2.000000030e-01, v12;
	v11 =	vpop (erf);
	(erf) = vpow2.f32 v13  }
0x119: {  	v20 =	vld [tilespmem:s1+$0x5880];
	vm1 =	vge.f32 v12, $0.0e+00  }
0x11a: {  	v21 =	vld [tilespmem:s1+$0x9880];
	v12 =	vsel vm1, v12, v23;
	v22 =	vnsel vm0, $0x0, v11  }
0x11b: {  	v8 =	vld [tilespmem:s19+$0x58E0];
	v26 =	vmin.f32 v12, $6.000000000e+01;
	v24 =	vperm.xlane v22, v2  }
0x11c: {  	v9 =	vld [tilespmem:s1+$0x58E0];
	v62 =	vmul.f32 $1.442695020e+00, v26;
	v61 =	vperm.xlane v22, v4  }
0x11d: {  	v11 =	vld [tilespmem:s0+$0x58D0];
	[tilespmem:s3+$0xD8E0] =	vst v22;
	v22 =	vperm.xlane v22, v3;
	v25 =	vmul.f32 v17, v24  }
0x11e: {  	(erf) = vpow2.f32 v62;
	v13 =	vld [tilespmem:s0+$0x58F0];
	v63 =	vmul.f32 v14, v61  }
0x11f: {  	v12 =	vld [tilespmem:s0+$0x58B0];
	v17 =	vmul.f32 v16, v24;
	v16 =	vmul.f32 v18, v22;
	[tilespmem:s3+$0xD880] =	vst v25  }
0x120: {  	s8 =	simm.s32 $0x800;
	v18 =	vmul.f32 v15, v61;
	v15 =	vadd.f32 v21, v20;
	v19 =	vmul.f32 v19, v22;
	v14 =	vld [tilespmem:s0+$0x58A0];
	[tilespmem:s3+$0xD8C0] =	vst v63  }
.LBB2_11:
0x121: {  	s9 =	sshra.s32 s8, $0x2;
	p1 =	sne.s32 s8, $0xFE00;
	s8 =	sadd.s32 $0x200, s8;
	v20 =	vld [tilespmem:s0+$0x58C0];
	v21 =	vpop (erf);
	[tilespmem:s3+$0xD890] =	vst v17;
	v22 =	vmov v9  }
0x122: {  	v23 =	vld [tilespmem:s9+$0x5880];
	v17 =	vmul.f32 $2.000000030e-01, v15;
	v21 =	vnsel vm0, $0x0, v21;
	[tilespmem:s3+$0xD8D0] =	vst v18;
	v24 =	vmov v11  }
0x123: {  	vm1 =	vge.f32 v15, $0.0e+00;
	v25 =	vld [tilespmem:s9+$0x9880];
	v18 =	vperm.xlane v21, v2;
	v26 =	vperm.xlane v21, v3;
	[tilespmem:s3+$0xD8B0] =	vst v19;
	v19 =	vmovc v13  }
.Ltmp4:
0x124: {  	v9 =	vld [tilespmem:s9+$0x58E0];
	v11 =	vsel vm1, v15, v17;
	v15 =	vperm.xlane v21, v4;
	[tilespmem:s3+$0xD8A0] =	vst v16;
	s3 =	smov.u32 s0;
	s0 =	smov.u32 s19;
	(pc) =	sbr.rel @p1 .LBB2_11-.Ltmp4, $4  }
0x125: {  	s19 =	smov.u32 s1;
	s1 =	smov.u32 s9;
	v13 =	vmin.f32 v11, $6.000000000e+01;
	v11 =	vld [tilespmem:s0+$0x58D0];
	[tilespmem:s3+$0xD8E0] =	vst v21;
	v14 =	vmul.f32 v14, v18;
	v17 =	vmul.f32 v12, v18  }
0x126: {  	v21 =	vmul.f32 $1.442695020e+00, v13;
	v13 =	vld [tilespmem:s0+$0x58F0];
	v27 =	vmul.f32 v10, v15;
	v10 =	vmovc v8;
	v8 =	vmov v22  }
0x127: {  	v16 =	vmul.f32 v20, v26;
	v18 =	vmul.f32 v19, v15;
	v12 =	vld [tilespmem:s0+$0x58B0];
	[tilespmem:s3+$0xD880] =	vst v14  }
0x128: {  	v19 =	vmul.f32 v24, v26;
	v15 =	vadd.f32 v25, v23;
	(erf) = vpow2.f32 v21;
	v14 =	vld [tilespmem:s0+$0x58A0];
	[tilespmem:s3+$0xD8C0] =	vst v27  }
0x129: {  	v20 =	vld [tilespmem:s0+$0x58C0];
	[tilespmem:s3+$0xD890] =	vst v17;
	v46 =	vpop (erf)  }
0x12a: {  	[tilespmem:s3+$0xD8D0] =	vst v18;
	v17 =	vnsel vm0, $0x0, v46  }
0x12b: {  	[tilespmem:s3+$0xD8A0] =	vst v16;
	v47 =	vperm.xlane v17, v2  }
0x12c: {  	[tilespmem:s3+$0xD8B0] =	vst v19;
	v23 =	vmul.f32 $2.000000030e-01, v15;
	v48 =	vperm.xlane v17, v4  }
0x12d: {  	vm1 =	vge.f32 v15, $0.0e+00;
	v18 =	vld [tilespmem:s19+$0x58D0];
	[tilespmem:s0+$0xD8E0] =	vst v17;
	v14 =	vmul.f32 v14, v47  }
0x12e: {  	v21 =	vld [tilespmem:s19+$0x58F0];
	v15 =	vsel vm1, v15, v23;
	v10 =	vmul.f32 v10, v48  }
0x12f: {  	v22 =	vld [tilespmem:s19+$0x58B0];
	v49 =	vmin.f32 v15, $6.000000000e+01;
	[tilespmem:s0+$0xD880] =	vst v14  }
0x130: {  	v14 =	vld [tilespmem:s19+$0x58A0];
	[tilespmem:s0+$0xD8C0] =	vst v10;
	v10 =	vmul.f32 $1.442695020e+00, v49  }
0x131: {  	v17 =	vperm.xlane v17, v3;
	v12 =	vmul.f32 v12, v47  }
0x132: {  	v13 =	vmul.f32 v13, v48;
	(erf) = vpow2.f32 v10  }
0x133: {  	v11 =	vmul.f32 v11, v17;
	v50 =	vld [tilespmem:s19+$0x58C0];
	[tilespmem:s0+$0xD890] =	vst v12;
	v52 =	vpop (erf)  }
0x134: {  	v51 =	vmul.f32 v20, v17;
	[tilespmem:s0+$0xD8D0] =	vst v13;
	v10 =	vnsel vm0, $0x0, v52  }
0x135: {  	[tilespmem:s0+$0xD8B0] =	vst v11;
	v53 =	vperm.xlane v10, v2  }
0x136: {  	[tilespmem:s0+$0xD8A0] =	vst v51  }
0x137: {  	v12 =	vld [tilespmem:s1+$0x58D0];
	[tilespmem:s19+$0xD8E0] =	vst v10;
	v54 =	vperm.xlane v10, v4;
	v14 =	vmul.f32 v14, v53  }
0x138: {  	v55 =	vld [tilespmem:s1+$0x58F0]  }
0x139: {  	v56 =	vld [tilespmem:s1+$0x58B0];
	v8 =	vmul.f32 v8, v54;
	[tilespmem:s19+$0xD880] =	vst v14  }
0x13a: {  	v10 =	vperm.xlane v10, v3;
	v11 =	vmul.f32 v22, v53;
	v14 =	vld [tilespmem:s1+$0x58A0]  }
0x13b: {  	[tilespmem:s19+$0xD8C0] =	vst v8;
	v8 =	vmul.f32 v21, v54;
	v58 =	vpop (erf)  }
0x13c: {  	v18 =	vmul.f32 v18, v10;
	v57 =	vld [tilespmem:s1+$0x58C0];
	[tilespmem:s19+$0xD890] =	vst v11;
	v59 =	vnsel vm0, $0x0, v58  }
0x13d: {  	v10 =	vmul.f32 v50, v10;
	[tilespmem:s19+$0xD8D0] =	vst v8;
	v8 =	vperm.xlane v59, v2  }
0x13e: {  	[tilespmem:s19+$0xD8B0] =	vst v18;
	v60 =	vperm.xlane v59, v4  }
0x13f: {  	[tilespmem:s19+$0xD8A0] =	vst v10;
	v61 =	vmul.f32 v14, v8  }
0x140: {  	[tilespmem:s1+$0xD8E0] =	vst v59;
	v9 =	vmul.f32 v9, v60  }
0x141: {  	v11 =	vperm.xlane v59, v3;
	v8 =	vmul.f32 v56, v8;
	[tilespmem:s1+$0xD880] =	vst v61  }
0x142: {  	v62 =	vmul.f32 v55, v60;
	[tilespmem:s1+$0xD8C0] =	vst v9  }
0x143: {  	v63 =	vmul.f32 v12, v11;
	[tilespmem:s1+$0xD890] =	vst v8  }
0x144: {  	s31 =	sadd.s32 $0x1, s31;
	v8 =	vmul.f32 v57, v11;
	[tilespmem:s1+$0xD8D0] =	vst v62  }
0x145: {  	p1 =	sne.s32 s31, $0x51;
	[tilespmem:s1+$0xD8B0] =	vst v63  }
.Ltmp5:
0x146: {  	[tilespmem:s1+$0xD8A0] =	vst v8;
	(pc) =	sbr.rel @p1 .LBB2_10-.Ltmp5, $4  }
0x147: {  	[spmem:s2] =	stream.indirect.scatter.add.f32 [tilespmem:s20], [sflag:$0x3], $0x80, s26, s21, $0xb8;
	[tilespmem:$0x1BC80] =	vst v63  }
0x148: {  	_ =	swait.ge [sflag:s18], $0x4000  }
0x149: {  	[sflag:s18] =	ssyncset.done $0x0  }
0x14a: {  	[sflag:s18] =	ssyncadd.s32 $0xFFFFC000  }
0x14b: {  	[bflag:$0x0] =	sbarrier.arrive $0xFFFF  }
0x14c: {  	[hbm:s14], [sflag:s29] =	dma.local [spmem:s30], $0x1400  }
0x14d: {  	_ =	swait.ge [sflag:s18], $0x1400  }
0x14e: {  	[sflag:s18] =	ssyncset.done $0x0  }
0x14f: {  	[sflag:s18] =	ssyncadd.s32 $0xFFFFEC00  }
0x150: {  	s0 =	simm.s32 $0x0;
	s1 =	simm.s32 $0x200;
	[bflag:$0x0] =	sbarrier.arrive $0xFFFF  }
.LBB2_14:
0x151: {  	p1 =	sne.s32 s1, $0xFE00;
	[tilespmem:s0+$0xD8F0] =	vst v0  }
0x152: {  	[tilespmem:s0+$0xD880] =	vst v0  }
0x153: {  	[tilespmem:s0+$0xD890] =	vst v0  }
.Ltmp6:
0x154: {  	[tilespmem:s0+$0xD8A0] =	vst v0;
	(pc) =	sbr.rel @p1 .LBB2_14-.Ltmp6, $4  }
0x155: {  	[tilespmem:s0+$0xD8B0] =	vst v0  }
0x156: {  	[tilespmem:s0+$0xD8C0] =	vst v0  }
0x157: {  	[tilespmem:s0+$0xD8D0] =	vst v0  }
0x158: {  	[tilespmem:s0+$0xD8E0] =	vst v0;
	s0 =	sshra.s32 s1, $0x2;
	s1 =	sadd.s32 $0x200, s1  }
0x159: {  	[tilespmem:s0+$0xD8F0] =	vst v0  }
0x15a: {  	[tilespmem:s0+$0xD880] =	vst v0  }
0x15b: {  	[tilespmem:s0+$0xD890] =	vst v0  }
0x15c: {  	[tilespmem:s0+$0xD8A0] =	vst v0  }
0x15d: {  	[tilespmem:s0+$0xD8B0] =	vst v0  }
0x15e: {  	[tilespmem:s0+$0xD8C0] =	vst v0  }
0x15f: {  	[tilespmem:s0+$0xD8D0] =	vst v0  }
0x160: {  	[tilespmem:s0+$0xD8E0] =	vst v0  }
0x161: {  	[spmem:s7] =	stream.linear.scatter [tilespmem:s20], [sflag:$0x3], $0x4000, $0x38;
	[tilespmem:$0x1BC80] =	vst v63  }
0x162: {  	_ =	swait.ge [sflag:s18], $0x4000  }
0x163: {  	[sflag:s18] =	ssyncset.done $0x0  }
0x164: {  	[sflag:s18] =	ssyncadd.s32 $0xFFFFC000  }
0x165: {  	[spmem:s10] =	stream.linear.scatter [tilespmem:s20], [sflag:$0x3], $0x4000, $0x38;
	[tilespmem:$0x1BC80] =	vst v63  }
0x166: {  	_ =	swait.ge [sflag:s18], $0x4000  }
0x167: {  	[sflag:s18] =	ssyncset.done $0x0  }
0x168: {  	[sflag:s18] =	ssyncadd.s32 $0xFFFFC000  }
0x169: {  	[spmem:s11] =	stream.linear.scatter [tilespmem:s20], [sflag:$0x3], $0x2000, $0x38;
	[tilespmem:$0x1BC80] =	vst v63  }
0x16a: {  	_ =	swait.ge [sflag:s18], $0x2000  }
0x16b: {  	[sflag:s18] =	ssyncset.done $0x0  }
0x16c: {  	s0 =	simm.s32 @!p0 $0xD880;
	[sflag:s18] =	ssyncadd.s32 $0xFFFFE000  }
0x16d: {  	[spmem:s12] =	stream.linear.scatter @!p0 [tilespmem:s0], [sflag:$0x3], $0x4000, $0x38;
	[tilespmem:$0x1BC80] =	vst v63  }
0x16e: {  	s0 =	simm.s32 @!p0 $0x3  }
0x16f: {  	_ =	swait.ge @!p0 [sflag:s0], $0x4000  }
0x170: {  	[sflag:s0] =	ssyncset.done @!p0 $0x0  }
0x171: {  	[sflag:s0] =	ssyncadd.s32 @!p0 $0xFFFFC000  }
0x172: {  	s31 =	simm.s32 $0x0;
	[bflag:$0x0] =	sbarrier.arrive $0xFFFF  }
.LBB2_16:
0x173: {  	s0 =	sshll.u32 s31, $0x7  }
0x174: {  	[tilespmem:s22], [sflag:$0x1] =	stream.indirect.gather [hbm4b:s5+s21], $0x80, s0, s21, $0xb8;
	[tilespmem:$0x1BC80] =	vst v63  }
0x175: {  	s1 =	sadd.s32 $0x2C00, s0  }
0x176: {  	[tilespmem:s23], [sflag:$0x2] =	stream.indirect.gather [hbm4b:s6+s21], $0x80, s1, s21, $0xb8;
	[tilespmem:$0x1BC80] =	vst v63  }
0x177: {  	v8 =	vld [tilespmem:s0+$0x2C00];
	_ =	sdelay $0x4  }
0x178: {  	vm1 =	vlt.u32 v8, $0x1400  }
0x179: {  	v8 =	vsel vm1, v8, v1  }
0x17a: {  	[tilespmem:$0x5800] =	vst v8  }
0x17b: {  	v8 =	vld [tilespmem:s0+$0x2C10];
	_ =	sdelay $0x4  }
0x17c: {  	vm1 =	vlt.u32 v8, $0x1400  }
0x17d: {  	v8 =	vsel vm1, v8, v1  }
0x17e: {  	[tilespmem:$0x5810] =	vst v8  }
0x17f: {  	v8 =	vld [tilespmem:s0+$0x2C20];
	_ =	sdelay $0x4  }
0x180: {  	vm1 =	vlt.u32 v8, $0x1400  }
0x181: {  	v8 =	vsel vm1, v8, v1  }
0x182: {  	[tilespmem:$0x5820] =	vst v8  }
0x183: {  	v8 =	vld [tilespmem:s0+$0x2C30];
	_ =	sdelay $0x4  }
0x184: {  	vm1 =	vlt.u32 v8, $0x1400  }
0x185: {  	v8 =	vsel vm1, v8, v1  }
0x186: {  	[tilespmem:$0x5830] =	vst v8  }
0x187: {  	v8 =	vld [tilespmem:s0+$0x2C40];
	_ =	sdelay $0x4  }
0x188: {  	vm1 =	vlt.u32 v8, $0x1400  }
0x189: {  	v8 =	vsel vm1, v8, v1  }
0x18a: {  	[tilespmem:$0x5840] =	vst v8  }
0x18b: {  	v8 =	vld [tilespmem:s0+$0x2C50];
	_ =	sdelay $0x4  }
0x18c: {  	vm1 =	vlt.u32 v8, $0x1400  }
0x18d: {  	v8 =	vsel vm1, v8, v1  }
0x18e: {  	[tilespmem:$0x5850] =	vst v8  }
0x18f: {  	v8 =	vld [tilespmem:s0+$0x2C60];
	_ =	sdelay $0x4  }
0x190: {  	vm1 =	vlt.u32 v8, $0x1400  }
0x191: {  	v8 =	vsel vm1, v8, v1  }
0x192: {  	[tilespmem:$0x5860] =	vst v8  }
0x193: {  	v8 =	vld [tilespmem:s0+$0x2C70];
	_ =	sdelay $0x4  }
0x194: {  	vm1 =	vlt.u32 v8, $0x1400  }
0x195: {  	v8 =	vsel vm1, v8, v1  }
0x196: {  	[tilespmem:$0x5870] =	vst v8  }
0x197: {  	_ =	swait.ge [sflag:s24], $0x4000  }
0x198: {  	[sflag:s24] =	ssyncset.done $0x0  }
0x199: {  	[sflag:s24] =	ssyncadd.s32 $0xFFFFC000  }
0x19a: {  	_ =	swait.ge [sflag:s25], $0x4000  }
0x19b: {  	[sflag:s25] =	ssyncset.done $0x0  }
0x19c: {  	s3 =	simm.s32 $0x0;
	[sflag:s25] =	ssyncadd.s32 $0xFFFFC000  }
0x19d: {  	v8 =	vld [tilespmem:s3+$0x5880]  }
0x19e: {  	v9 =	vld [tilespmem:s3+$0x9880];
	_ =	sdelay $0x4  }
0x19f: {  	v8 =	vadd.f32 v9, v8;
	_ =	sdelay $0x1  }
0x1a0: {  	s0 =	simm.s32 $0x80;
	v9 =	vmul.f32 $2.000000030e-01, v8  }
0x1a1: {  	v11 =	vld [tilespmem:s0+$0x9880];
	vm1 =	vge.f32 v8, $0.0e+00  }
0x1a2: {  	v8 =	vsel vm1, v8, v9;
	v9 =	vld [tilespmem:s0+$0x5880]  }
0x1a3: {  	v8 =	vmin.f32 v8, $6.000000000e+01  }
0x1a4: {  	v8 =	vmul.f32 $1.442695020e+00, v8;
	_ =	sdelay $0x1  }
0x1a5: {  	s19 =	simm.s32 $0x100;
	(erf) = vpow2.f32 v8  }
0x1a6: {  	v12 =	vld [tilespmem:s19+$0x5880];
	v9 =	vadd.f32 v11, v9  }
0x1a7: {  	v13 =	vld [tilespmem:s19+$0x9880]  }
0x1a8: {  	v14 =	vld [tilespmem:s3+$0x58E0];
	v11 =	vmul.f32 $2.000000030e-01, v9  }
0x1a9: {  	v10 =	vld [tilespmem:s0+$0x58E0];
	vm1 =	vge.f32 v9, $0.0e+00  }
0x1aa: {  	v19 =	vld [tilespmem:s3+$0x58D0];
	v9 =	vsel vm1, v9, v11  }
0x1ab: {  	v15 =	vld [tilespmem:s3+$0x58F0];
	v9 =	vmin.f32 v9, $6.000000000e+01  }
0x1ac: {  	v16 =	vld [tilespmem:s3+$0x58B0];
	v12 =	vadd.f32 v13, v12;
	v13 =	vmul.f32 $1.442695020e+00, v9  }
0x1ad: {  	v17 =	vld [tilespmem:s3+$0x58A0]  }
0x1ae: {  	s1 =	simm.s32 $0x180;
	v18 =	vld [tilespmem:s3+$0x58C0];
	v23 =	vmul.f32 $2.000000030e-01, v12;
	v11 =	vpop (erf);
	(erf) = vpow2.f32 v13  }
0x1af: {  	v20 =	vld [tilespmem:s1+$0x5880];
	vm1 =	vge.f32 v12, $0.0e+00  }
0x1b0: {  	v21 =	vld [tilespmem:s1+$0x9880];
	v12 =	vsel vm1, v12, v23;
	v22 =	vnsel vm0, $0x0, v11  }
0x1b1: {  	v8 =	vld [tilespmem:s19+$0x58E0];
	v26 =	vmin.f32 v12, $6.000000000e+01;
	v24 =	vperm.xlane v22, v5  }
0x1b2: {  	v9 =	vld [tilespmem:s1+$0x58E0];
	v62 =	vmul.f32 $1.442695020e+00, v26;
	v61 =	vperm.xlane v22, v7  }
0x1b3: {  	v11 =	vld [tilespmem:s0+$0x58D0];
	[tilespmem:s3+$0xD8E0] =	vst v22;
	v22 =	vperm.xlane v22, v6;
	v25 =	vmul.f32 v17, v24  }
0x1b4: {  	(erf) = vpow2.f32 v62;
	v13 =	vld [tilespmem:s0+$0x58F0];
	v63 =	vmul.f32 v14, v61  }
0x1b5: {  	v12 =	vld [tilespmem:s0+$0x58B0];
	v17 =	vmul.f32 v16, v24;
	v16 =	vmul.f32 v18, v22;
	[tilespmem:s3+$0xD880] =	vst v25  }
0x1b6: {  	s8 =	simm.s32 $0x800;
	v18 =	vmul.f32 v15, v61;
	v15 =	vadd.f32 v21, v20;
	v19 =	vmul.f32 v19, v22;
	v14 =	vld [tilespmem:s0+$0x58A0];
	[tilespmem:s3+$0xD8C0] =	vst v63  }
.LBB2_17:
0x1b7: {  	s9 =	sshra.s32 s8, $0x2;
	p1 =	sne.s32 s8, $0xFE00;
	s8 =	sadd.s32 $0x200, s8;
	v20 =	vld [tilespmem:s0+$0x58C0];
	v21 =	vpop (erf);
	[tilespmem:s3+$0xD890] =	vst v17;
	v22 =	vmov v9  }
0x1b8: {  	v23 =	vld [tilespmem:s9+$0x5880];
	v17 =	vmul.f32 $2.000000030e-01, v15;
	v21 =	vnsel vm0, $0x0, v21;
	[tilespmem:s3+$0xD8D0] =	vst v18;
	v24 =	vmov v11  }
0x1b9: {  	vm1 =	vge.f32 v15, $0.0e+00;
	v25 =	vld [tilespmem:s9+$0x9880];
	v18 =	vperm.xlane v21, v5;
	v26 =	vperm.xlane v21, v6;
	[tilespmem:s3+$0xD8B0] =	vst v19;
	v19 =	vmovc v13  }
.Ltmp7:
0x1ba: {  	v9 =	vld [tilespmem:s9+$0x58E0];
	v11 =	vsel vm1, v15, v17;
	v15 =	vperm.xlane v21, v7;
	[tilespmem:s3+$0xD8A0] =	vst v16;
	s3 =	smov.u32 s0;
	s0 =	smov.u32 s19;
	(pc) =	sbr.rel @p1 .LBB2_17-.Ltmp7, $4  }
0x1bb: {  	s19 =	smov.u32 s1;
	s1 =	smov.u32 s9;
	v13 =	vmin.f32 v11, $6.000000000e+01;
	v11 =	vld [tilespmem:s0+$0x58D0];
	[tilespmem:s3+$0xD8E0] =	vst v21;
	v14 =	vmul.f32 v14, v18;
	v17 =	vmul.f32 v12, v18  }
0x1bc: {  	v21 =	vmul.f32 $1.442695020e+00, v13;
	v13 =	vld [tilespmem:s0+$0x58F0];
	v27 =	vmul.f32 v10, v15;
	v10 =	vmovc v8;
	v8 =	vmov v22  }
0x1bd: {  	v16 =	vmul.f32 v20, v26;
	v18 =	vmul.f32 v19, v15;
	v12 =	vld [tilespmem:s0+$0x58B0];
	[tilespmem:s3+$0xD880] =	vst v14  }
0x1be: {  	v19 =	vmul.f32 v24, v26;
	v15 =	vadd.f32 v25, v23;
	(erf) = vpow2.f32 v21;
	v14 =	vld [tilespmem:s0+$0x58A0];
	[tilespmem:s3+$0xD8C0] =	vst v27  }
0x1bf: {  	v20 =	vld [tilespmem:s0+$0x58C0];
	[tilespmem:s3+$0xD890] =	vst v17;
	v46 =	vpop (erf)  }
0x1c0: {  	[tilespmem:s3+$0xD8D0] =	vst v18;
	v17 =	vnsel vm0, $0x0, v46  }
0x1c1: {  	[tilespmem:s3+$0xD8A0] =	vst v16;
	v47 =	vperm.xlane v17, v5  }
0x1c2: {  	[tilespmem:s3+$0xD8B0] =	vst v19;
	v23 =	vmul.f32 $2.000000030e-01, v15;
	v48 =	vperm.xlane v17, v7  }
0x1c3: {  	vm1 =	vge.f32 v15, $0.0e+00;
	v18 =	vld [tilespmem:s19+$0x58D0];
	[tilespmem:s0+$0xD8E0] =	vst v17;
	v14 =	vmul.f32 v14, v47  }
0x1c4: {  	v21 =	vld [tilespmem:s19+$0x58F0];
	v15 =	vsel vm1, v15, v23;
	v10 =	vmul.f32 v10, v48  }
0x1c5: {  	v22 =	vld [tilespmem:s19+$0x58B0];
	v49 =	vmin.f32 v15, $6.000000000e+01;
	[tilespmem:s0+$0xD880] =	vst v14  }
0x1c6: {  	v14 =	vld [tilespmem:s19+$0x58A0];
	[tilespmem:s0+$0xD8C0] =	vst v10;
	v10 =	vmul.f32 $1.442695020e+00, v49  }
0x1c7: {  	v17 =	vperm.xlane v17, v6;
	v12 =	vmul.f32 v12, v47  }
0x1c8: {  	v13 =	vmul.f32 v13, v48;
	(erf) = vpow2.f32 v10  }
0x1c9: {  	v11 =	vmul.f32 v11, v17;
	v50 =	vld [tilespmem:s19+$0x58C0];
	[tilespmem:s0+$0xD890] =	vst v12;
	v52 =	vpop (erf)  }
0x1ca: {  	v51 =	vmul.f32 v20, v17;
	[tilespmem:s0+$0xD8D0] =	vst v13;
	v10 =	vnsel vm0, $0x0, v52  }
0x1cb: {  	[tilespmem:s0+$0xD8B0] =	vst v11;
	v53 =	vperm.xlane v10, v5  }
0x1cc: {  	[tilespmem:s0+$0xD8A0] =	vst v51  }
0x1cd: {  	v12 =	vld [tilespmem:s1+$0x58D0];
	[tilespmem:s19+$0xD8E0] =	vst v10;
	v54 =	vperm.xlane v10, v7;
	v14 =	vmul.f32 v14, v53  }
0x1ce: {  	v55 =	vld [tilespmem:s1+$0x58F0]  }
0x1cf: {  	v56 =	vld [tilespmem:s1+$0x58B0];
	v8 =	vmul.f32 v8, v54;
	[tilespmem:s19+$0xD880] =	vst v14  }
0x1d0: {  	v10 =	vperm.xlane v10, v6;
	v11 =	vmul.f32 v22, v53;
	v14 =	vld [tilespmem:s1+$0x58A0]  }
0x1d1: {  	[tilespmem:s19+$0xD8C0] =	vst v8;
	v8 =	vmul.f32 v21, v54;
	v58 =	vpop (erf)  }
0x1d2: {  	v18 =	vmul.f32 v18, v10;
	v57 =	vld [tilespmem:s1+$0x58C0];
	[tilespmem:s19+$0xD890] =	vst v11;
	v59 =	vnsel vm0, $0x0, v58  }
0x1d3: {  	v10 =	vmul.f32 v50, v10;
	[tilespmem:s19+$0xD8D0] =	vst v8;
	v8 =	vperm.xlane v59, v5  }
0x1d4: {  	[tilespmem:s19+$0xD8B0] =	vst v18;
	v60 =	vperm.xlane v59, v7  }
0x1d5: {  	[tilespmem:s19+$0xD8A0] =	vst v10;
	v61 =	vmul.f32 v14, v8  }
0x1d6: {  	[tilespmem:s1+$0xD8E0] =	vst v59;
	v9 =	vmul.f32 v9, v60  }
0x1d7: {  	v11 =	vperm.xlane v59, v6;
	v8 =	vmul.f32 v56, v8;
	[tilespmem:s1+$0xD880] =	vst v61  }
0x1d8: {  	v62 =	vmul.f32 v55, v60;
	[tilespmem:s1+$0xD8C0] =	vst v9  }
0x1d9: {  	v63 =	vmul.f32 v12, v11;
	[tilespmem:s1+$0xD890] =	vst v8  }
0x1da: {  	s31 =	sadd.s32 $0x1, s31;
	v8 =	vmul.f32 v57, v11;
	[tilespmem:s1+$0xD8D0] =	vst v62  }
0x1db: {  	p1 =	sne.s32 s31, $0x51;
	[tilespmem:s1+$0xD8B0] =	vst v63  }
.Ltmp8:
0x1dc: {  	[tilespmem:s1+$0xD8A0] =	vst v8;
	(pc) =	sbr.rel @p1 .LBB2_16-.Ltmp8, $4  }
0x1dd: {  	[spmem:s2] =	stream.indirect.scatter.add.f32 [tilespmem:s20], [sflag:$0x3], $0x80, s26, s21, $0xb8;
	[tilespmem:$0x1BC80] =	vst v63  }
0x1de: {  	_ =	swait.ge [sflag:s18], $0x4000  }
0x1df: {  	[sflag:s18] =	ssyncset.done $0x0  }
0x1e0: {  	[sflag:s18] =	ssyncadd.s32 $0xFFFFC000  }
0x1e1: {  	[bflag:$0x0] =	sbarrier.arrive $0xFFFF  }
0x1e2: {  	[hbm:s15], [sflag:s29] =	dma.local [spmem:s30], $0x1400  }
0x1e3: {  	_ =	swait.ge [sflag:s18], $0x1400  }
0x1e4: {  	[sflag:s18] =	ssyncset.done $0x0  }
0x1e5: {  	[sflag:s18] =	ssyncadd.s32 $0xFFFFEC00  }
0x1e6: {  	s0 =	simm.s32 $0x0;
	s1 =	simm.s32 $0x200;
	[bflag:$0x0] =	sbarrier.arrive $0xFFFF  }
.LBB2_20:
0x1e7: {  	p1 =	sne.s32 s1, $0xFE00;
	[tilespmem:s0+$0xD8F0] =	vst v0  }
0x1e8: {  	[tilespmem:s0+$0xD880] =	vst v0  }
0x1e9: {  	[tilespmem:s0+$0xD890] =	vst v0  }
.Ltmp9:
0x1ea: {  	[tilespmem:s0+$0xD8A0] =	vst v0;
	(pc) =	sbr.rel @p1 .LBB2_20-.Ltmp9, $4  }
0x1eb: {  	[tilespmem:s0+$0xD8B0] =	vst v0  }
0x1ec: {  	[tilespmem:s0+$0xD8C0] =	vst v0  }
0x1ed: {  	[tilespmem:s0+$0xD8D0] =	vst v0  }
0x1ee: {  	[tilespmem:s0+$0xD8E0] =	vst v0;
	s0 =	sshra.s32 s1, $0x2;
	s1 =	sadd.s32 $0x200, s1  }
0x1ef: {  	[tilespmem:s0+$0xD8F0] =	vst v0  }
0x1f0: {  	[tilespmem:s0+$0xD880] =	vst v0  }
0x1f1: {  	[tilespmem:s0+$0xD890] =	vst v0  }
0x1f2: {  	[tilespmem:s0+$0xD8A0] =	vst v0  }
0x1f3: {  	[tilespmem:s0+$0xD8B0] =	vst v0  }
0x1f4: {  	[tilespmem:s0+$0xD8C0] =	vst v0  }
0x1f5: {  	[tilespmem:s0+$0xD8D0] =	vst v0  }
0x1f6: {  	[tilespmem:s0+$0xD8E0] =	vst v0  }
0x1f7: {  	[spmem:s7] =	stream.linear.scatter [tilespmem:s20], [sflag:$0x3], $0x4000, $0x38;
	[tilespmem:$0x1BC80] =	vst v63  }
0x1f8: {  	_ =	swait.ge [sflag:s18], $0x4000  }
0x1f9: {  	[sflag:s18] =	ssyncset.done $0x0  }
0x1fa: {  	[sflag:s18] =	ssyncadd.s32 $0xFFFFC000  }
0x1fb: {  	[spmem:s10] =	stream.linear.scatter [tilespmem:s20], [sflag:$0x3], $0x4000, $0x38;
	[tilespmem:$0x1BC80] =	vst v63  }
0x1fc: {  	_ =	swait.ge [sflag:s18], $0x4000  }
0x1fd: {  	[sflag:s18] =	ssyncset.done $0x0  }
0x1fe: {  	[sflag:s18] =	ssyncadd.s32 $0xFFFFC000  }
0x1ff: {  	[spmem:s11] =	stream.linear.scatter [tilespmem:s20], [sflag:$0x3], $0x2000, $0x38;
	[tilespmem:$0x1BC80] =	vst v63  }
0x200: {  	_ =	swait.ge [sflag:s18], $0x2000  }
0x201: {  	[sflag:s18] =	ssyncset.done $0x0  }
0x202: {  	s0 =	simm.s32 @!p0 $0xD880;
	[sflag:s18] =	ssyncadd.s32 $0xFFFFE000  }
0x203: {  	[spmem:s12] =	stream.linear.scatter @!p0 [tilespmem:s0], [sflag:$0x3], $0x4000, $0x38;
	[tilespmem:$0x1BC80] =	vst v63  }
0x204: {  	s0 =	simm.s32 @!p0 $0x3  }
0x205: {  	_ =	swait.ge @!p0 [sflag:s0], $0x4000  }
0x206: {  	[sflag:s0] =	ssyncset.done @!p0 $0x0  }
0x207: {  	[sflag:s0] =	ssyncadd.s32 @!p0 $0xFFFFC000  }
0x208: {  	s31 =	simm.s32 $0x0;
	[bflag:$0x0] =	sbarrier.arrive $0xFFFF  }
.LBB2_22:
0x209: {  	s0 =	sshll.u32 s31, $0x7  }
0x20a: {  	[tilespmem:s22], [sflag:$0x1] =	stream.indirect.gather [hbm4b:s5+s21], $0x80, s0, s21, $0xb8;
	[tilespmem:$0x1BC80] =	vst v63  }
0x20b: {  	s1 =	sadd.s32 $0x2C00, s0  }
0x20c: {  	[tilespmem:s23], [sflag:$0x2] =	stream.indirect.gather [hbm4b:s6+s21], $0x80, s1, s21, $0xb8;
	[tilespmem:$0x1BC80] =	vst v63  }
0x20d: {  	v8 =	vld [tilespmem:s0+$0x2C00];
	_ =	sdelay $0x4  }
0x20e: {  	v8 =	vadd.s32 $0xFFFFEC00, v8  }
0x20f: {  	vm1 =	vlt.u32 v8, $0x1400  }
0x210: {  	v8 =	vsel vm1, v8, v1  }
0x211: {  	[tilespmem:$0x5800] =	vst v8  }
0x212: {  	v8 =	vld [tilespmem:s0+$0x2C10];
	_ =	sdelay $0x4  }
0x213: {  	v8 =	vadd.s32 $0xFFFFEC00, v8  }
0x214: {  	vm1 =	vlt.u32 v8, $0x1400  }
0x215: {  	v8 =	vsel vm1, v8, v1  }
0x216: {  	[tilespmem:$0x5810] =	vst v8  }
0x217: {  	v8 =	vld [tilespmem:s0+$0x2C20];
	_ =	sdelay $0x4  }
0x218: {  	v8 =	vadd.s32 $0xFFFFEC00, v8  }
0x219: {  	vm1 =	vlt.u32 v8, $0x1400  }
0x21a: {  	v8 =	vsel vm1, v8, v1  }
0x21b: {  	[tilespmem:$0x5820] =	vst v8  }
0x21c: {  	v8 =	vld [tilespmem:s0+$0x2C30];
	_ =	sdelay $0x4  }
0x21d: {  	v8 =	vadd.s32 $0xFFFFEC00, v8  }
0x21e: {  	vm1 =	vlt.u32 v8, $0x1400  }
0x21f: {  	v8 =	vsel vm1, v8, v1  }
0x220: {  	[tilespmem:$0x5830] =	vst v8  }
0x221: {  	v8 =	vld [tilespmem:s0+$0x2C40];
	_ =	sdelay $0x4  }
0x222: {  	v8 =	vadd.s32 $0xFFFFEC00, v8  }
0x223: {  	vm1 =	vlt.u32 v8, $0x1400  }
0x224: {  	v8 =	vsel vm1, v8, v1  }
0x225: {  	[tilespmem:$0x5840] =	vst v8  }
0x226: {  	v8 =	vld [tilespmem:s0+$0x2C50];
	_ =	sdelay $0x4  }
0x227: {  	v8 =	vadd.s32 $0xFFFFEC00, v8  }
0x228: {  	vm1 =	vlt.u32 v8, $0x1400  }
0x229: {  	v8 =	vsel vm1, v8, v1  }
0x22a: {  	[tilespmem:$0x5850] =	vst v8  }
0x22b: {  	v8 =	vld [tilespmem:s0+$0x2C60];
	_ =	sdelay $0x4  }
0x22c: {  	v8 =	vadd.s32 $0xFFFFEC00, v8  }
0x22d: {  	vm1 =	vlt.u32 v8, $0x1400  }
0x22e: {  	v8 =	vsel vm1, v8, v1  }
0x22f: {  	[tilespmem:$0x5860] =	vst v8  }
0x230: {  	v8 =	vld [tilespmem:s0+$0x2C70];
	_ =	sdelay $0x4  }
0x231: {  	v8 =	vadd.s32 $0xFFFFEC00, v8  }
0x232: {  	vm1 =	vlt.u32 v8, $0x1400  }
0x233: {  	v8 =	vsel vm1, v8, v1  }
0x234: {  	[tilespmem:$0x5870] =	vst v8  }
0x235: {  	_ =	swait.ge [sflag:s24], $0x4000  }
0x236: {  	[sflag:s24] =	ssyncset.done $0x0  }
0x237: {  	[sflag:s24] =	ssyncadd.s32 $0xFFFFC000  }
0x238: {  	_ =	swait.ge [sflag:s25], $0x4000  }
0x239: {  	[sflag:s25] =	ssyncset.done $0x0  }
0x23a: {  	s3 =	simm.s32 $0x0;
	[sflag:s25] =	ssyncadd.s32 $0xFFFFC000  }
0x23b: {  	v8 =	vld [tilespmem:s3+$0x5880]  }
0x23c: {  	v9 =	vld [tilespmem:s3+$0x9880];
	_ =	sdelay $0x4  }
0x23d: {  	v8 =	vadd.f32 v9, v8;
	_ =	sdelay $0x1  }
0x23e: {  	s0 =	simm.s32 $0x80;
	v9 =	vmul.f32 $2.000000030e-01, v8  }
0x23f: {  	v11 =	vld [tilespmem:s0+$0x9880];
	vm1 =	vge.f32 v8, $0.0e+00  }
0x240: {  	v8 =	vsel vm1, v8, v9;
	v9 =	vld [tilespmem:s0+$0x5880]  }
0x241: {  	v8 =	vmin.f32 v8, $6.000000000e+01  }
0x242: {  	v8 =	vmul.f32 $1.442695020e+00, v8;
	_ =	sdelay $0x1  }
0x243: {  	s19 =	simm.s32 $0x100;
	(erf) = vpow2.f32 v8  }
0x244: {  	v12 =	vld [tilespmem:s19+$0x5880];
	v9 =	vadd.f32 v11, v9  }
0x245: {  	v13 =	vld [tilespmem:s19+$0x9880]  }
0x246: {  	v14 =	vld [tilespmem:s3+$0x58E0];
	v11 =	vmul.f32 $2.000000030e-01, v9  }
0x247: {  	v10 =	vld [tilespmem:s0+$0x58E0];
	vm1 =	vge.f32 v9, $0.0e+00  }
0x248: {  	v19 =	vld [tilespmem:s3+$0x58D0];
	v9 =	vsel vm1, v9, v11  }
0x249: {  	v15 =	vld [tilespmem:s3+$0x58F0];
	v9 =	vmin.f32 v9, $6.000000000e+01  }
0x24a: {  	v16 =	vld [tilespmem:s3+$0x58B0];
	v12 =	vadd.f32 v13, v12;
	v13 =	vmul.f32 $1.442695020e+00, v9  }
0x24b: {  	v17 =	vld [tilespmem:s3+$0x58A0]  }
0x24c: {  	s1 =	simm.s32 $0x180;
	v18 =	vld [tilespmem:s3+$0x58C0];
	v23 =	vmul.f32 $2.000000030e-01, v12;
	v11 =	vpop (erf);
	(erf) = vpow2.f32 v13  }
0x24d: {  	v20 =	vld [tilespmem:s1+$0x5880];
	vm1 =	vge.f32 v12, $0.0e+00  }
0x24e: {  	v21 =	vld [tilespmem:s1+$0x9880];
	v12 =	vsel vm1, v12, v23;
	v22 =	vnsel vm0, $0x0, v11  }
0x24f: {  	v8 =	vld [tilespmem:s19+$0x58E0];
	v26 =	vmin.f32 v12, $6.000000000e+01;
	v24 =	vperm.xlane v22, v5  }
0x250: {  	v9 =	vld [tilespmem:s1+$0x58E0];
	v62 =	vmul.f32 $1.442695020e+00, v26;
	v61 =	vperm.xlane v22, v7  }
0x251: {  	v11 =	vld [tilespmem:s0+$0x58D0];
	[tilespmem:s3+$0xD8E0] =	vst v22;
	v22 =	vperm.xlane v22, v6;
	v25 =	vmul.f32 v17, v24  }
0x252: {  	(erf) = vpow2.f32 v62;
	v13 =	vld [tilespmem:s0+$0x58F0];
	v63 =	vmul.f32 v14, v61  }
0x253: {  	v12 =	vld [tilespmem:s0+$0x58B0];
	v17 =	vmul.f32 v16, v24;
	v16 =	vmul.f32 v18, v22;
	[tilespmem:s3+$0xD880] =	vst v25  }
0x254: {  	s8 =	simm.s32 $0x800;
	v18 =	vmul.f32 v15, v61;
	v15 =	vadd.f32 v21, v20;
	v19 =	vmul.f32 v19, v22;
	v14 =	vld [tilespmem:s0+$0x58A0];
	[tilespmem:s3+$0xD8C0] =	vst v63  }
.LBB2_23:
0x255: {  	s9 =	sshra.s32 s8, $0x2;
	p1 =	sne.s32 s8, $0xFE00;
	s8 =	sadd.s32 $0x200, s8;
	v20 =	vld [tilespmem:s0+$0x58C0];
	v21 =	vpop (erf);
	[tilespmem:s3+$0xD890] =	vst v17;
	v22 =	vmov v9  }
0x256: {  	v23 =	vld [tilespmem:s9+$0x5880];
	v17 =	vmul.f32 $2.000000030e-01, v15;
	v21 =	vnsel vm0, $0x0, v21;
	[tilespmem:s3+$0xD8D0] =	vst v18;
	v24 =	vmov v11  }
0x257: {  	vm1 =	vge.f32 v15, $0.0e+00;
	v25 =	vld [tilespmem:s9+$0x9880];
	v18 =	vperm.xlane v21, v5;
	v26 =	vperm.xlane v21, v6;
	[tilespmem:s3+$0xD8B0] =	vst v19;
	v19 =	vmovc v13  }
.Ltmp10:
0x258: {  	v9 =	vld [tilespmem:s9+$0x58E0];
	v11 =	vsel vm1, v15, v17;
	v15 =	vperm.xlane v21, v7;
	[tilespmem:s3+$0xD8A0] =	vst v16;
	s3 =	smov.u32 s0;
	s0 =	smov.u32 s19;
	(pc) =	sbr.rel @p1 .LBB2_23-.Ltmp10, $4  }
0x259: {  	s19 =	smov.u32 s1;
	s1 =	smov.u32 s9;
	v13 =	vmin.f32 v11, $6.000000000e+01;
	v11 =	vld [tilespmem:s0+$0x58D0];
	[tilespmem:s3+$0xD8E0] =	vst v21;
	v14 =	vmul.f32 v14, v18;
	v17 =	vmul.f32 v12, v18  }
0x25a: {  	v21 =	vmul.f32 $1.442695020e+00, v13;
	v13 =	vld [tilespmem:s0+$0x58F0];
	v27 =	vmul.f32 v10, v15;
	v10 =	vmovc v8;
	v8 =	vmov v22  }
0x25b: {  	v16 =	vmul.f32 v20, v26;
	v18 =	vmul.f32 v19, v15;
	v12 =	vld [tilespmem:s0+$0x58B0];
	[tilespmem:s3+$0xD880] =	vst v14  }
0x25c: {  	v19 =	vmul.f32 v24, v26;
	v15 =	vadd.f32 v25, v23;
	(erf) = vpow2.f32 v21;
	v14 =	vld [tilespmem:s0+$0x58A0];
	[tilespmem:s3+$0xD8C0] =	vst v27  }
0x25d: {  	v20 =	vld [tilespmem:s0+$0x58C0];
	[tilespmem:s3+$0xD890] =	vst v17;
	v46 =	vpop (erf)  }
0x25e: {  	[tilespmem:s3+$0xD8D0] =	vst v18;
	v17 =	vnsel vm0, $0x0, v46  }
0x25f: {  	[tilespmem:s3+$0xD8A0] =	vst v16;
	v47 =	vperm.xlane v17, v5  }
0x260: {  	[tilespmem:s3+$0xD8B0] =	vst v19;
	v23 =	vmul.f32 $2.000000030e-01, v15;
	v48 =	vperm.xlane v17, v7  }
0x261: {  	vm1 =	vge.f32 v15, $0.0e+00;
	v18 =	vld [tilespmem:s19+$0x58D0];
	[tilespmem:s0+$0xD8E0] =	vst v17;
	v14 =	vmul.f32 v14, v47  }
0x262: {  	v21 =	vld [tilespmem:s19+$0x58F0];
	v15 =	vsel vm1, v15, v23;
	v10 =	vmul.f32 v10, v48  }
0x263: {  	v22 =	vld [tilespmem:s19+$0x58B0];
	v49 =	vmin.f32 v15, $6.000000000e+01;
	[tilespmem:s0+$0xD880] =	vst v14  }
0x264: {  	v14 =	vld [tilespmem:s19+$0x58A0];
	[tilespmem:s0+$0xD8C0] =	vst v10;
	v10 =	vmul.f32 $1.442695020e+00, v49  }
0x265: {  	v17 =	vperm.xlane v17, v6;
	v12 =	vmul.f32 v12, v47  }
0x266: {  	v13 =	vmul.f32 v13, v48;
	(erf) = vpow2.f32 v10  }
0x267: {  	v11 =	vmul.f32 v11, v17;
	v50 =	vld [tilespmem:s19+$0x58C0];
	[tilespmem:s0+$0xD890] =	vst v12;
	v52 =	vpop (erf)  }
0x268: {  	v51 =	vmul.f32 v20, v17;
	[tilespmem:s0+$0xD8D0] =	vst v13;
	v10 =	vnsel vm0, $0x0, v52  }
0x269: {  	[tilespmem:s0+$0xD8B0] =	vst v11;
	v53 =	vperm.xlane v10, v5  }
0x26a: {  	[tilespmem:s0+$0xD8A0] =	vst v51  }
0x26b: {  	v12 =	vld [tilespmem:s1+$0x58D0];
	[tilespmem:s19+$0xD8E0] =	vst v10;
	v54 =	vperm.xlane v10, v7;
	v14 =	vmul.f32 v14, v53  }
0x26c: {  	v55 =	vld [tilespmem:s1+$0x58F0]  }
0x26d: {  	v56 =	vld [tilespmem:s1+$0x58B0];
	v8 =	vmul.f32 v8, v54;
	[tilespmem:s19+$0xD880] =	vst v14  }
0x26e: {  	v10 =	vperm.xlane v10, v6;
	v11 =	vmul.f32 v22, v53;
	v14 =	vld [tilespmem:s1+$0x58A0]  }
0x26f: {  	[tilespmem:s19+$0xD8C0] =	vst v8;
	v8 =	vmul.f32 v21, v54;
	v58 =	vpop (erf)  }
0x270: {  	v18 =	vmul.f32 v18, v10;
	v57 =	vld [tilespmem:s1+$0x58C0];
	[tilespmem:s19+$0xD890] =	vst v11;
	v59 =	vnsel vm0, $0x0, v58  }
0x271: {  	v10 =	vmul.f32 v50, v10;
	[tilespmem:s19+$0xD8D0] =	vst v8;
	v8 =	vperm.xlane v59, v5  }
0x272: {  	[tilespmem:s19+$0xD8B0] =	vst v18;
	v60 =	vperm.xlane v59, v7  }
0x273: {  	[tilespmem:s19+$0xD8A0] =	vst v10;
	v61 =	vmul.f32 v14, v8  }
0x274: {  	[tilespmem:s1+$0xD8E0] =	vst v59;
	v9 =	vmul.f32 v9, v60  }
0x275: {  	v11 =	vperm.xlane v59, v6;
	v8 =	vmul.f32 v56, v8;
	[tilespmem:s1+$0xD880] =	vst v61  }
0x276: {  	v62 =	vmul.f32 v55, v60;
	[tilespmem:s1+$0xD8C0] =	vst v9  }
0x277: {  	v63 =	vmul.f32 v12, v11;
	[tilespmem:s1+$0xD890] =	vst v8  }
0x278: {  	s31 =	sadd.s32 $0x1, s31;
	v8 =	vmul.f32 v57, v11;
	[tilespmem:s1+$0xD8D0] =	vst v62  }
0x279: {  	p1 =	sne.s32 s31, $0x51;
	[tilespmem:s1+$0xD8B0] =	vst v63  }
.Ltmp11:
0x27a: {  	[tilespmem:s1+$0xD8A0] =	vst v8;
	(pc) =	sbr.rel @p1 .LBB2_22-.Ltmp11, $4  }
0x27b: {  	[spmem:s2] =	stream.indirect.scatter.add.f32 [tilespmem:s20], [sflag:$0x3], $0x80, s26, s21, $0xb8;
	[tilespmem:$0x1BC80] =	vst v63  }
0x27c: {  	_ =	swait.ge [sflag:s18], $0x4000  }
0x27d: {  	[sflag:s18] =	ssyncset.done $0x0  }
0x27e: {  	[sflag:s18] =	ssyncadd.s32 $0xFFFFC000  }
0x27f: {  	[bflag:$0x0] =	sbarrier.arrive $0xFFFF;
	s28 =	sadd.s32 $0x1, s28  }
0x280: {  	[hbm:s16], [sflag:s29] =	dma.local [spmem:s30], $0x1400  }
0x281: {  	p1 =	sne.s32 s28, s17  }
.Ltmp12:
0x282: {  	_ =	swait.ge [sflag:s18], $0x1400;
	(pc) =	sbr.rel @p1 .LBB2_1-.Ltmp12, $3  }
0x283: {  	[sflag:s18] =	ssyncset.done $0x0  }
0x284: {  	[sflag:s18] =	ssyncadd.s32 $0xFFFFEC00  }
0x285: {  	[bflag:$0x0] =	sbarrier.arrive $0xFFFF;
	_ =	sdelay $0x1  }
0x286: {  	_ =	sfence.sel $0x180000  }
0x287: {  	[bflag:$0x0] =	sbarrier.arrive $0xFFFF  }
0x288: {  	_ =	strace $0x90000047  }
0x289: {  	[bflag:$0x2] =	sbarrier.arrive $0xFFFF  }
0x28a: {  	s0 =	rddreg [dreg:$0x2]  }
0x28b: {  	s0 =	sadd.s32 @!p0 $0x100000, s0  }
0x28c: {  	[sflag:s0] =	ssyncadd.tile.s32 @!p0 $0x1;
	_ =	shalt  }
.Lfunc_end2:
_tile_overlayer_lowered:
.L_overlay_start_2:
0x28d: {  	(tag) =	ssettag $0x2  }
0x28e: {  	s0 =	rddreg [dreg:$0x0];
	s2 =	stileid.u32  }
0x28f: {  	s1 =	rddreg [dreg:$0x1];
	p0 =	sne.s32 s2, $0x0  }
0x290: {  	s3 =	rddreg [dreg:$0x2];
	[bflag:$0x3] =	sbarrier.arrive $0xFFFF;
	s2 =	simm.s32 @!p0 $0x1C03  }
0x291: {  	[timem:s3], [sflag:s2] =	dma.local @!p0 [hbm:s0], s1  }
0x292: {  	s0 =	simm.s32 @!p0 $0x3  }
0x293: {  	_ =	swait.ge @!p0 [sflag:s0], s1  }
0x294: {  	s1 =	ssub.s32 @!p0 $0x0, s1;
	[sflag:s0] =	ssyncset.done @!p0 $0x0  }
0x295: {  	[sflag:s0] =	ssyncadd.s32 @!p0 s1  }
0x296: {  	[bflag:$0x3] =	sbarrier.arrive $0xFFFF  }
0x297: {  	_ =	shalt  }

</sc_bundles>
